<compile_context>
chip_gen: v7x
topology: tpu7x:2x2x1
jax: 0.10.2.dev20260603
libtpu: 0.0.44.dev20260713+nightly
codegen_flags: <defaults>
</compile_context>

<pallas_src>
import functools

import jax
import jax.numpy as jnp
from jax import lax
from jax.experimental import pallas as pl
from jax.experimental.pallas import tpu as pltpu
from jax.experimental.pallas import tpu_sc as plsc

VOCAB = 1_000_000
DIM = 32
XROWS = 16384
XCOLS = 50
NUM_WORKERS = 32
XR_PER_WORKER = XROWS // NUM_WORKERS
XR_PER_BATCH = 16
BATCH_ROWS = XR_PER_BATCH * XCOLS
T = XR_PER_WORKER // XR_PER_BATCH
THALF = T // 2


def _body(x_hbm, emb_hbm, out_hbm, idx_v, rows_v, gsem_a, gsem_b, osem_a, osem_b):
    c = lax.axis_index("c")
    s = lax.axis_index("s")
    wid = s * 2 + c
    xrbase = wid * XR_PER_WORKER
    pltpu.sync_copy(x_hbm.at[pl.ds(xrbase, XR_PER_WORKER)], idx_v)

    def fire(batch, half, sem):
        descs = []
        for j in range(XR_PER_BATCH):
            xr = batch * XR_PER_BATCH + j
            descs.append(
                pltpu.async_copy(
                    emb_hbm.at[idx_v.at[xr]],
                    rows_v.at[pl.ds(half * BATCH_ROWS + j * XCOLS, XCOLS)],
                    sem,
                )
            )
        return descs

    def out_copy(batch, half, sem):
        descs = []
        xr0 = xrbase + batch * XR_PER_BATCH
        for j in range(XR_PER_BATCH):
            descs.append(
                pltpu.async_copy(
                    rows_v.at[pl.ds(half * BATCH_ROWS + j * XCOLS, XCOLS)],
                    out_hbm.at[xr0 + j],
                    sem,
                )
            )
        return descs

    def outer(t, carry):
        ga = fire(2 * t, 0, gsem_a)
        gb = fire(2 * t + 1, 1, gsem_b)
        for d in ga:
            d.wait()
        oa = out_copy(2 * t, 0, osem_a)
        for d in gb:
            d.wait()
        ob = out_copy(2 * t + 1, 1, osem_b)
        for d in oa:
            d.wait()
        for d in ob:
            d.wait()
        return carry

    lax.fori_loop(0, THALF, outer, 0)


@jax.jit
def _gather(x, embeddings):
    f = functools.partial(
        pl.kernel,
        out_type=jax.ShapeDtypeStruct((XROWS, XCOLS, DIM), jnp.float32),
        mesh=plsc.VectorSubcoreMesh(core_axis_name="c", subcore_axis_name="s"),
        scratch_types=[
            pltpu.VMEM((XR_PER_WORKER, XCOLS), jnp.int32),
            pltpu.VMEM((2 * BATCH_ROWS, DIM), jnp.float32),
            pltpu.SemaphoreType.DMA,
            pltpu.SemaphoreType.DMA,
            pltpu.SemaphoreType.DMA,
            pltpu.SemaphoreType.DMA,
        ],
        compiler_params=pltpu.CompilerParams(use_tc_tiling_on_sc=False),
    )(_body)
    return f(x, embeddings)


def kernel(x, embeddings):
    return _gather(x, embeddings)

# --- scband reference (transcript-rebuilt; emitter-appended) ---
"""Pipeline reference for scband-manifold-embedding-58729382806181 (READ-ONLY COPY).

The authoritative reference and input builder live on the scoring server;
editing this copy changes nothing except your own understanding.
"""

import jax, jax.numpy as jnp
import numpy as np

VOCAB_SIZE = 1000000
EMBED_DIM = 32

def setup_inputs(seed: int = 0) -> dict:
    key = jax.random.key(seed)
    k_idx, k_emb = jax.random.split(key)
    x = jax.random.randint(k_idx, (16384, 50), 0, VOCAB_SIZE, dtype=jnp.int64 if jax.config.read('jax_enable_x64') else jnp.int32)
    # ManifoldParameter initialized via manifold.random_normal then proj_();
    # for Euclidean manifold this is simply a normal init (proj is identity).
    embeddings = jax.random.normal(k_emb, (VOCAB_SIZE, EMBED_DIM), dtype=jnp.float32)
    return {"x": x, "embeddings": embeddings}

def reference(x, embeddings):
    # forward(x): return self.__embeddings[x]  -> pure gather
    return jnp.take(embeddings, x, axis=0)

if __name__ == "__main__":
    import jax
    _d = setup_inputs()
    print(jax.jit(kernel)(*tuple(_d.values())))

</pallas_src>

<mosaic_0001>
#map = affine_map<(d0, d1) -> (0, 0)>
#map1 = affine_map<(d0, d1) -> (0, 0, 0)>
module attributes {stable_mosaic.version = 14 : i64} {
  func.func @_body(%arg0: i32, %arg1: i32, %arg2: memref<16384x50xi32, #tpu.memory_space<hbm>>, %arg3: memref<1000000x32xf32, #tpu.memory_space<hbm>>, %arg4: memref<16384x50x32xf32, #tpu.memory_space<hbm>>, %arg5: memref<512x50xi32, #tpu.memory_space<vmem>>, %arg6: memref<1600x32xf32, #tpu.memory_space<vmem>>, %arg7: memref<!tpu.dma_semaphore, #tpu.memory_space<semaphore_mem>>, %arg8: memref<!tpu.dma_semaphore, #tpu.memory_space<semaphore_mem>>, %arg9: memref<!tpu.dma_semaphore, #tpu.memory_space<semaphore_mem>>, %arg10: memref<!tpu.dma_semaphore, #tpu.memory_space<semaphore_mem>>) attributes {dimension_semantics = [#tpu.dimension_semantics<core_parallel>, #tpu.dimension_semantics<subcore_parallel>], iteration_bounds = array<i64: 2, 16>, scalar_prefetch = 0 : i64, scratch_operands = 6 : i64, tpu.core_type = #tpu.core_type<sc_vector_subcore>, window_params = [{transform_indices = #map}, {transform_indices = #map}, {transform_indices = #map1}]} {
    %mul3A = arith.constant 2 : i32
    %mul3A_0 = arith.muli %arg1, %mul3A : i32
    %add3A = arith.addi %mul3A_0, %arg0 : i32
    %mul3A_1 = arith.constant 512 : i32
    %mul3A_2 = arith.muli %add3A, %mul3A_1 : i32
    "tpu.region"() ({
      %run_scoped3A = tpu.sem_alloc : memref<!tpu.dma_semaphore, #tpu.memory_space<semaphore_mem>>
      %dma_start3A = arith.constant 0 : i32
      %dma_start3A_8 = tpu.memref_slice %arg2[%mul3A_2, %dma_start3A] : memref<16384x50xi32, #tpu.memory_space<hbm>> -> memref<512x50xi32, #tpu.memory_space<hbm>>
      %dma_start3A_9 = arith.constant 0 : i32
      %dma_start3A_10 = tpu.memref_slice %arg2[%mul3A_2, %dma_start3A_9] : memref<16384x50xi32, #tpu.memory_space<hbm>> -> memref<512x50xi32, #tpu.memory_space<hbm>>
      tpu.enqueue_dma source(%dma_start3A_10 : memref<512x50xi32, #tpu.memory_space<hbm>>) target(%arg5 : memref<512x50xi32, #tpu.memory_space<vmem>>) target_semaphore(%run_scoped3A : memref<!tpu.dma_semaphore, #tpu.memory_space<semaphore_mem>>)
      %dma_wait3A = arith.constant 0 : i32
      %dma_wait3A_11 = tpu.memref_slice %arg2[%mul3A_2, %dma_wait3A] : memref<16384x50xi32, #tpu.memory_space<hbm>> -> memref<512x50xi32, #tpu.memory_space<hbm>>
      %dma_wait3A_12 = arith.constant 0 : i32
      %dma_wait3A_13 = tpu.memref_slice %arg2[%mul3A_2, %dma_wait3A_12] : memref<16384x50xi32, #tpu.memory_space<hbm>> -> memref<512x50xi32, #tpu.memory_space<hbm>>
      tpu.wait_dma2 semaphore(%run_scoped3A : memref<!tpu.dma_semaphore, #tpu.memory_space<semaphore_mem>>) src(%dma_wait3A_13 : memref<512x50xi32, #tpu.memory_space<hbm>>) dst(%arg5 : memref<512x50xi32, #tpu.memory_space<vmem>>)
      tpu.yield
    }) : () -> ()
    %scan3A = arith.constant 0 : i32
    %scan3A_3 = arith.constant 0 : i32
    %scan3A_4 = arith.constant 16 : i32
    %scan3A_5 = arith.addi %scan3A_3, %scan3A_4 : i32
    %scan3A_6 = arith.constant 1 : i32
    scf.for %scan3A_8 = %scan3A_3 to %scan3A_5 step %scan3A_6  : i32 {
      %mul3A_9 = arith.constant 2 : i32
      %mul3A_10 = arith.muli %mul3A_9, %scan3A_8 : i32
      %mul3A_11 = arith.constant 16 : i32
      %mul3A_12 = arith.muli %mul3A_10, %mul3A_11 : i32
      %add3A_13 = arith.constant 0 : i32
      %add3A_14 = arith.addi %mul3A_12, %add3A_13 : i32
      %dma_start3A = arith.constant 0 : i32
      %dma_start3A_15 = arith.constant 0 : i32
      %dma_start3A_16 = tpu.memref_slice %arg6[%dma_start3A, %dma_start3A_15] : memref<1600x32xf32, #tpu.memory_space<vmem>> -> memref<50x32xf32, #tpu.memory_space<vmem>>
      %dma_start3A_17 = arith.constant 0 : i32
      %dma_start3A_18 = tpu.memref_slice %arg5[%add3A_14, %dma_start3A_17] : memref<512x50xi32, #tpu.memory_space<vmem>> -> memref<1x50xi32, #tpu.memory_space<vmem>>
      %dma_start3A_19 = tpu.memref_squeeze %dma_start3A_18 : memref<1x50xi32, #tpu.memory_space<vmem>> -> memref<50xi32, #tpu.memory_space<vmem>>
      %dma_start3A_20 = arith.constant 0 : i32
      %dma_start3A_21 = arith.constant 0 : i32
      %dma_start3A_22 = tpu.memref_slice %arg3[%dma_start3A_20, %dma_start3A_21] : memref<1000000x32xf32, #tpu.memory_space<hbm>> -> memref<1000000x32xf32, #tpu.memory_space<hbm>>
      tpu.enqueue_indirect_dma source(%dma_start3A_22 : memref<1000000x32xf32, #tpu.memory_space<hbm>>) target(%dma_start3A_16 : memref<50x32xf32, #tpu.memory_space<vmem>>) offsets(%dma_start3A_19 : memref<50xi32, #tpu.memory_space<vmem>>) semaphore(%arg7 : memref<!tpu.dma_semaphore, #tpu.memory_space<semaphore_mem>>)
      %mul3A_23 = arith.constant 16 : i32
      %mul3A_24 = arith.muli %mul3A_10, %mul3A_23 : i32
      %add3A_25 = arith.constant 1 : i32
      %add3A_26 = arith.addi %mul3A_24, %add3A_25 : i32
      %dma_start3A_27 = arith.constant 50 : i32
      %dma_start3A_28 = arith.constant 0 : i32
      %dma_start3A_29 = tpu.memref_slice %arg6[%dma_start3A_27, %dma_start3A_28] : memref<1600x32xf32, #tpu.memory_space<vmem>> -> memref<50x32xf32, #tpu.memory_space<vmem>>
      %dma_start3A_30 = arith.constant 0 : i32
      %dma_start3A_31 = tpu.memref_slice %arg5[%add3A_26, %dma_start3A_30] : memref<512x50xi32, #tpu.memory_space<vmem>> -> memref<1x50xi32, #tpu.memory_space<vmem>>
      %dma_start3A_32 = tpu.memref_squeeze %dma_start3A_31 : memref<1x50xi32, #tpu.memory_space<vmem>> -> memref<50xi32, #tpu.memory_space<vmem>>
      %dma_start3A_33 = arith.constant 0 : i32
      %dma_start3A_34 = arith.constant 0 : i32
      %dma_start3A_35 = tpu.memref_slice %arg3[%dma_start3A_33, %dma_start3A_34] : memref<1000000x32xf32, #tpu.memory_space<hbm>> -> memref<1000000x32xf32, #tpu.memory_space<hbm>>
      tpu.enqueue_indirect_dma source(%dma_start3A_35 : memref<1000000x32xf32, #tpu.memory_space<hbm>>) target(%dma_start3A_29 : memref<50x32xf32, #tpu.memory_space<vmem>>) offsets(%dma_start3A_32 : memref<50xi32, #tpu.memory_space<vmem>>) semaphore(%arg7 : memref<!tpu.dma_semaphore, #tpu.memory_space<semaphore_mem>>)
      %mul3A_36 = arith.constant 16 : i32
      %mul3A_37 = arith.muli %mul3A_10, %mul3A_36 : i32
      %add3A_38 = arith.constant 2 : i32
      %add3A_39 = arith.addi %mul3A_37, %add3A_38 : i32
      %dma_start3A_40 = arith.constant 100 : i32
      %dma_start3A_41 = arith.constant 0 : i32
      %dma_start3A_42 = tpu.memref_slice %arg6[%dma_start3A_40, %dma_start3A_41] : memref<1600x32xf32, #tpu.memory_space<vmem>> -> memref<50x32xf32, #tpu.memory_space<vmem>>
      %dma_start3A_43 = arith.constant 0 : i32
      %dma_start3A_44 = tpu.memref_slice %arg5[%add3A_39, %dma_start3A_43] : memref<512x50xi32, #tpu.memory_space<vmem>> -> memref<1x50xi32, #tpu.memory_space<vmem>>
      %dma_start3A_45 = tpu.memref_squeeze %dma_start3A_44 : memref<1x50xi32, #tpu.memory_space<vmem>> -> memref<50xi32, #tpu.memory_space<vmem>>
      %dma_start3A_46 = arith.constant 0 : i32
      %dma_start3A_47 = arith.constant 0 : i32
      %dma_start3A_48 = tpu.memref_slice %arg3[%dma_start3A_46, %dma_start3A_47] : memref<1000000x32xf32, #tpu.memory_space<hbm>> -> memref<1000000x32xf32, #tpu.memory_space<hbm>>
      tpu.enqueue_indirect_dma source(%dma_start3A_48 : memref<1000000x32xf32, #tpu.memory_space<hbm>>) target(%dma_start3A_42 : memref<50x32xf32, #tpu.memory_space<vmem>>) offsets(%dma_start3A_45 : memref<50xi32, #tpu.memory_space<vmem>>) semaphore(%arg7 : memref<!tpu.dma_semaphore, #tpu.memory_space<semaphore_mem>>)
      %mul3A_49 = arith.constant 16 : i32
      %mul3A_50 = arith.muli %mul3A_10, %mul3A_49 : i32
      %add3A_51 = arith.constant 3 : i32
      %add3A_52 = arith.addi %mul3A_50, %add3A_51 : i32
      %dma_start3A_53 = arith.constant 150 : i32
      %dma_start3A_54 = arith.constant 0 : i32
      %dma_start3A_55 = tpu.memref_slice %arg6[%dma_start3A_53, %dma_start3A_54] : memref<1600x32xf32, #tpu.memory_space<vmem>> -> memref<50x32xf32, #tpu.memory_space<vmem>>
      %dma_start3A_56 = arith.constant 0 : i32
      %dma_start3A_57 = tpu.memref_slice %arg5[%add3A_52, %dma_start3A_56] : memref<512x50xi32, #tpu.memory_space<vmem>> -> memref<1x50xi32, #tpu.memory_space<vmem>>
      %dma_start3A_58 = tpu.memref_squeeze %dma_start3A_57 : memref<1x50xi32, #tpu.memory_space<vmem>> -> memref<50xi32, #tpu.memory_space<vmem>>
      %dma_start3A_59 = arith.constant 0 : i32
      %dma_start3A_60 = arith.constant 0 : i32
      %dma_start3A_61 = tpu.memref_slice %arg3[%dma_start3A_59, %dma_start3A_60] : memref<1000000x32xf32, #tpu.memory_space<hbm>> -> memref<1000000x32xf32, #tpu.memory_space<hbm>>
      tpu.enqueue_indirect_dma source(%dma_start3A_61 : memref<1000000x32xf32, #tpu.memory_space<hbm>>) target(%dma_start3A_55 : memref<50x32xf32, #tpu.memory_space<vmem>>) offsets(%dma_start3A_58 : memref<50xi32, #tpu.memory_space<vmem>>) semaphore(%arg7 : memref<!tpu.dma_semaphore, #tpu.memory_space<semaphore_mem>>)
      %mul3A_62 = arith.constant 16 : i32
      %mul3A_63 = arith.muli %mul3A_10, %mul3A_62 : i32
      %add3A_64 = arith.constant 4 : i32
      %add3A_65 = arith.addi %mul3A_63, %add3A_64 : i32
      %dma_start3A_66 = arith.constant 200 : i32
      %dma_start3A_67 = arith.constant 0 : i32
      %dma_start3A_68 = tpu.memref_slice %arg6[%dma_start3A_66, %dma_start3A_67] : memref<1600x32xf32, #tpu.memory_space<vmem>> -> memref<50x32xf32, #tpu.memory_space<vmem>>
      %dma_start3A_69 = arith.constant 0 : i32
      %dma_start3A_70 = tpu.memref_slice %arg5[%add3A_65, %dma_start3A_69] : memref<512x50xi32, #tpu.memory_space<vmem>> -> memref<1x50xi32, #tpu.memory_space<vmem>>
      %dma_start3A_71 = tpu.memref_squeeze %dma_start3A_70 : memref<1x50xi32, #tpu.memory_space<vmem>> -> memref<50xi32, #tpu.memory_space<vmem>>
      %dma_start3A_72 = arith.constant 0 : i32
      %dma_start3A_73 = arith.constant 0 : i32
      %dma_start3A_74 = tpu.memref_slice %arg3[%dma_start3A_72, %dma_start3A_73] : memref<1000000x32xf32, #tpu.memory_space<hbm>> -> memref<1000000x32xf32, #tpu.memory_space<hbm>>
      tpu.enqueue_indirect_dma source(%dma_start3A_74 : memref<1000000x32xf32, #tpu.memory_space<hbm>>) target(%dma_start3A_68 : memref<50x32xf32, #tpu.memory_space<vmem>>) offsets(%dma_start3A_71 : memref<50xi32, #tpu.memory_space<vmem>>) semaphore(%arg7 : memref<!tpu.dma_semaphore, #tpu.memory_space<semaphore_mem>>)
      %mul3A_75 = arith.constant 16 : i32
      %mul3A_76 = arith.muli %mul3A_10, %mul3A_75 : i32
      %add3A_77 = arith.constant 5 : i32
      %add3A_78 = arith.addi %mul3A_76, %add3A_77 : i32
      %dma_start3A_79 = arith.constant 250 : i32
      %dma_start3A_80 = arith.constant 0 : i32
      %dma_start3A_81 = tpu.memref_slice %arg6[%dma_start3A_79, %dma_start3A_80] : memref<1600x32xf32, #tpu.memory_space<vmem>> -> memref<50x32xf32, #tpu.memory_space<vmem>>
      %dma_start3A_82 = arith.constant 0 : i32
      %dma_start3A_83 = tpu.memref_slice %arg5[%add3A_78, %dma_start3A_82] : memref<512x50xi32, #tpu.memory_space<vmem>> -> memref<1x50xi32, #tpu.memory_space<vmem>>
      %dma_start3A_84 = tpu.memref_squeeze %dma_start3A_83 : memref<1x50xi32, #tpu.memory_space<vmem>> -> memref<50xi32, #tpu.memory_space<vmem>>
      %dma_start3A_85 = arith.constant 0 : i32
      %dma_start3A_86 = arith.constant 0 : i32
      %dma_start3A_87 = tpu.memref_slice %arg3[%dma_start3A_85, %dma_start3A_86] : memref<1000000x32xf32, #tpu.memory_space<hbm>> -> memref<1000000x32xf32, #tpu.memory_space<hbm>>
      tpu.enqueue_indirect_dma source(%dma_start3A_87 : memref<1000000x32xf32, #tpu.memory_space<hbm>>) target(%dma_start3A_81 : memref<50x32xf32, #tpu.memory_space<vmem>>) offsets(%dma_start3A_84 : memref<50xi32, #tpu.memory_space<vmem>>) semaphore(%arg7 : memref<!tpu.dma_semaphore, #tpu.memory_space<semaphore_mem>>)
      %mul3A_88 = arith.constant 16 : i32
      %mul3A_89 = arith.muli %mul3A_10, %mul3A_88 : i32
      %add3A_90 = arith.constant 6 : i32
      %add3A_91 = arith.addi %mul3A_89, %add3A_90 : i32
      %dma_start3A_92 = arith.constant 300 : i32
      %dma_start3A_93 = arith.constant 0 : i32
      %dma_start3A_94 = tpu.memref_slice %arg6[%dma_start3A_92, %dma_start3A_93] : memref<1600x32xf32, #tpu.memory_space<vmem>> -> memref<50x32xf32, #tpu.memory_space<vmem>>
      %dma_start3A_95 = arith.constant 0 : i32
      %dma_start3A_96 = tpu.memref_slice %arg5[%add3A_91, %dma_start3A_95] : memref<512x50xi32, #tpu.memory_space<vmem>> -> memref<1x50xi32, #tpu.memory_space<vmem>>
      %dma_start3A_97 = tpu.memref_squeeze %dma_start3A_96 : memref<1x50xi32, #tpu.memory_space<vmem>> -> memref<50xi32, #tpu.memory_space<vmem>>
      %dma_start3A_98 = arith.constant 0 : i32
      %dma_start3A_99 = arith.constant 0 : i32
      %dma_start3A_100 = tpu.memref_slice %arg3[%dma_start3A_98, %dma_start3A_99] : memref<1000000x32xf32, #tpu.memory_space<hbm>> -> memref<1000000x32xf32, #tpu.memory_space<hbm>>
      tpu.enqueue_indirect_dma source(%dma_start3A_100 : memref<1000000x32xf32, #tpu.memory_space<hbm>>) target(%dma_start3A_94 : memref<50x32xf32, #tpu.memory_space<vmem>>) offsets(%dma_start3A_97 : memref<50xi32, #tpu.memory_space<vmem>>) semaphore(%arg7 : memref<!tpu.dma_semaphore, #tpu.memory_space<semaphore_mem>>)
      %mul3A_101 = arith.constant 16 : i32
      %mul3A_102 = arith.muli %mul3A_10, %mul3A_101 : i32
      %add3A_103 = arith.constant 7 : i32
      %add3A_104 = arith.addi %mul3A_102, %add3A_103 : i32
      %dma_start3A_105 = arith.constant 350 : i32
      %dma_start3A_106 = arith.constant 0 : i32
      %dma_start3A_107 = tpu.memref_slice %arg6[%dma_start3A_105, %dma_start3A_106] : memref<1600x32xf32, #tpu.memory_space<vmem>> -> memref<50x32xf32, #tpu.memory_space<vmem>>
      %dma_start3A_108 = arith.constant 0 : i32
      %dma_start3A_109 = tpu.memref_slice %arg5[%add3A_104, %dma_start3A_108] : memref<512x50xi32, #tpu.memory_space<vmem>> -> memref<1x50xi32, #tpu.memory_space<vmem>>
      %dma_start3A_110 = tpu.memref_squeeze %dma_start3A_109 : memref<1x50xi32, #tpu.memory_space<vmem>> -> memref<50xi32, #tpu.memory_space<vmem>>
      %dma_start3A_111 = arith.constant 0 : i32
      %dma_start3A_112 = arith.constant 0 : i32
      %dma_start3A_113 = tpu.memref_slice %arg3[%dma_start3A_111, %dma_start3A_112] : memref<1000000x32xf32, #tpu.memory_space<hbm>> -> memref<1000000x32xf32, #tpu.memory_space<hbm>>
      tpu.enqueue_indirect_dma source(%dma_start3A_113 : memref<1000000x32xf32, #tpu.memory_space<hbm>>) target(%dma_start3A_107 : memref<50x32xf32, #tpu.memory_space<vmem>>) offsets(%dma_start3A_110 : memref<50xi32, #tpu.memory_space<vmem>>) semaphore(%arg7 : memref<!tpu.dma_semaphore, #tpu.memory_space<semaphore_mem>>)
      %mul3A_114 = arith.constant 16 : i32
      %mul3A_115 = arith.muli %mul3A_10, %mul3A_114 : i32
      %add3A_116 = arith.constant 8 : i32
      %add3A_117 = arith.addi %mul3A_115, %add3A_116 : i32
      %dma_start3A_118 = arith.constant 400 : i32
      %dma_start3A_119 = arith.constant 0 : i32
      %dma_start3A_120 = tpu.memref_slice %arg6[%dma_start3A_118, %dma_start3A_119] : memref<1600x32xf32, #tpu.memory_space<vmem>> -> memref<50x32xf32, #tpu.memory_space<vmem>>
      %dma_start3A_121 = arith.constant 0 : i32
      %dma_start3A_122 = tpu.memref_slice %arg5[%add3A_117, %dma_start3A_121] : memref<512x50xi32, #tpu.memory_space<vmem>> -> memref<1x50xi32, #tpu.memory_space<vmem>>
      %dma_start3A_123 = tpu.memref_squeeze %dma_start3A_122 : memref<1x50xi32, #tpu.memory_space<vmem>> -> memref<50xi32, #tpu.memory_space<vmem>>
      %dma_start3A_124 = arith.constant 0 : i32
      %dma_start3A_125 = arith.constant 0 : i32
      %dma_start3A_126 = tpu.memref_slice %arg3[%dma_start3A_124, %dma_start3A_125] : memref<1000000x32xf32, #tpu.memory_space<hbm>> -> memref<1000000x32xf32, #tpu.memory_space<hbm>>
      tpu.enqueue_indirect_dma source(%dma_start3A_126 : memref<1000000x32xf32, #tpu.memory_space<hbm>>) target(%dma_start3A_120 : memref<50x32xf32, #tpu.memory_space<vmem>>) offsets(%dma_start3A_123 : memref<50xi32, #tpu.memory_space<vmem>>) semaphore(%arg7 : memref<!tpu.dma_semaphore, #tpu.memory_space<semaphore_mem>>)
      %mul3A_127 = arith.constant 16 : i32
      %mul3A_128 = arith.muli %mul3A_10, %mul3A_127 : i32
      %add3A_129 = arith.constant 9 : i32
      %add3A_130 = arith.addi %mul3A_128, %add3A_129 : i32
      %dma_start3A_131 = arith.constant 450 : i32
      %dma_start3A_132 = arith.constant 0 : i32
      %dma_start3A_133 = tpu.memref_slice %arg6[%dma_start3A_131, %dma_start3A_132] : memref<1600x32xf32, #tpu.memory_space<vmem>> -> memref<50x32xf32, #tpu.memory_space<vmem>>
      %dma_start3A_134 = arith.constant 0 : i32
      %dma_start3A_135 = tpu.memref_slice %arg5[%add3A_130, %dma_start3A_134] : memref<512x50xi32, #tpu.memory_space<vmem>> -> memref<1x50xi32, #tpu.memory_space<vmem>>
      %dma_start3A_136 = tpu.memref_squeeze %dma_start3A_135 : memref<1x50xi32, #tpu.memory_space<vmem>> -> memref<50xi32, #tpu.memory_space<vmem>>
      %dma_start3A_137 = arith.constant 0 : i32
      %dma_start3A_138 = arith.constant 0 : i32
      %dma_start3A_139 = tpu.memref_slice %arg3[%dma_start3A_137, %dma_start3A_138] : memref<1000000x32xf32, #tpu.memory_space<hbm>> -> memref<1000000x32xf32, #tpu.memory_space<hbm>>
      tpu.enqueue_indirect_dma source(%dma_start3A_139 : memref<1000000x32xf32, #tpu.memory_space<hbm>>) target(%dma_start3A_133 : memref<50x32xf32, #tpu.memory_space<vmem>>) offsets(%dma_start3A_136 : memref<50xi32, #tpu.memory_space<vmem>>) semaphore(%arg7 : memref<!tpu.dma_semaphore, #tpu.memory_space<semaphore_mem>>)
      %mul3A_140 = arith.constant 16 : i32
      %mul3A_141 = arith.muli %mul3A_10, %mul3A_140 : i32
      %add3A_142 = arith.constant 10 : i32
      %add3A_143 = arith.addi %mul3A_141, %add3A_142 : i32
      %dma_start3A_144 = arith.constant 500 : i32
      %dma_start3A_145 = arith.constant 0 : i32
      %dma_start3A_146 = tpu.memref_slice %arg6[%dma_start3A_144, %dma_start3A_145] : memref<1600x32xf32, #tpu.memory_space<vmem>> -> memref<50x32xf32, #tpu.memory_space<vmem>>
      %dma_start3A_147 = arith.constant 0 : i32
      %dma_start3A_148 = tpu.memref_slice %arg5[%add3A_143, %dma_start3A_147] : memref<512x50xi32, #tpu.memory_space<vmem>> -> memref<1x50xi32, #tpu.memory_space<vmem>>
      %dma_start3A_149 = tpu.memref_squeeze %dma_start3A_148 : memref<1x50xi32, #tpu.memory_space<vmem>> -> memref<50xi32, #tpu.memory_space<vmem>>
      %dma_start3A_150 = arith.constant 0 : i32
      %dma_start3A_151 = arith.constant 0 : i32
      %dma_start3A_152 = tpu.memref_slice %arg3[%dma_start3A_150, %dma_start3A_151] : memref<1000000x32xf32, #tpu.memory_space<hbm>> -> memref<1000000x32xf32, #tpu.memory_space<hbm>>
      tpu.enqueue_indirect_dma source(%dma_start3A_152 : memref<1000000x32xf32, #tpu.memory_space<hbm>>) target(%dma_start3A_146 : memref<50x32xf32, #tpu.memory_space<vmem>>) offsets(%dma_start3A_149 : memref<50xi32, #tpu.memory_space<vmem>>) semaphore(%arg7 : memref<!tpu.dma_semaphore, #tpu.memory_space<semaphore_mem>>)
      %mul3A_153 = arith.constant 16 : i32
      %mul3A_154 = arith.muli %mul3A_10, %mul3A_153 : i32
      %add3A_155 = arith.constant 11 : i32
      %add3A_156 = arith.addi %mul3A_154, %add3A_155 : i32
      %dma_start3A_157 = arith.constant 550 : i32
      %dma_start3A_158 = arith.constant 0 : i32
      %dma_start3A_159 = tpu.memref_slice %arg6[%dma_start3A_157, %dma_start3A_158] : memref<1600x32xf32, #tpu.memory_space<vmem>> -> memref<50x32xf32, #tpu.memory_space<vmem>>
      %dma_start3A_160 = arith.constant 0 : i32
      %dma_start3A_161 = tpu.memref_slice %arg5[%add3A_156, %dma_start3A_160] : memref<512x50xi32, #tpu.memory_space<vmem>> -> memref<1x50xi32, #tpu.memory_space<vmem>>
      %dma_start3A_162 = tpu.memref_squeeze %dma_start3A_161 : memref<1x50xi32, #tpu.memory_space<vmem>> -> memref<50xi32, #tpu.memory_space<vmem>>
      %dma_start3A_163 = arith.constant 0 : i32
      %dma_start3A_164 = arith.constant 0 : i32
      %dma_start3A_165 = tpu.memref_slice %arg3[%dma_start3A_163, %dma_start3A_164] : memref<1000000x32xf32, #tpu.memory_space<hbm>> -> memref<1000000x32xf32, #tpu.memory_space<hbm>>
      tpu.enqueue_indirect_dma source(%dma_start3A_165 : memref<1000000x32xf32, #tpu.memory_space<hbm>>) target(%dma_start3A_159 : memref<50x32xf32, #tpu.memory_space<vmem>>) offsets(%dma_start3A_162 : memref<50xi32, #tpu.memory_space<vmem>>) semaphore(%arg7 : memref<!tpu.dma_semaphore, #tpu.memory_space<semaphore_mem>>)
      %mul3A_166 = arith.constant 16 : i32
      %mul3A_167 = arith.muli %mul3A_10, %mul3A_166 : i32
      %add3A_168 = arith.constant 12 : i32
      %add3A_169 = arith.addi %mul3A_167, %add3A_168 : i32
      %dma_start3A_170 = arith.constant 600 : i32
      %dma_start3A_171 = arith.constant 0 : i32
      %dma_start3A_172 = tpu.memref_slice %arg6[%dma_start3A_170, %dma_start3A_171] : memref<1600x32xf32, #tpu.memory_space<vmem>> -> memref<50x32xf32, #tpu.memory_space<vmem>>
      %dma_start3A_173 = arith.constant 0 : i32
      %dma_start3A_174 = tpu.memref_slice %arg5[%add3A_169, %dma_start3A_173] : memref<512x50xi32, #tpu.memory_space<vmem>> -> memref<1x50xi32, #tpu.memory_space<vmem>>
      %dma_start3A_175 = tpu.memref_squeeze %dma_start3A_174 : memref<1x50xi32, #tpu.memory_space<vmem>> -> memref<50xi32, #tpu.memory_space<vmem>>
      %dma_start3A_176 = arith.constant 0 : i32
      %dma_start3A_177 = arith.constant 0 : i32
      %dma_start3A_178 = tpu.memref_slice %arg3[%dma_start3A_176, %dma_start3A_177] : memref<1000000x32xf32, #tpu.memory_space<hbm>> -> memref<1000000x32xf32, #tpu.memory_space<hbm>>
      tpu.enqueue_indirect_dma source(%dma_start3A_178 : memref<1000000x32xf32, #tpu.memory_space<hbm>>) target(%dma_start3A_172 : memref<50x32xf32, #tpu.memory_space<vmem>>) offsets(%dma_start3A_175 : memref<50xi32, #tpu.memory_space<vmem>>) semaphore(%arg7 : memref<!tpu.dma_semaphore, #tpu.memory_space<semaphore_mem>>)
      %mul3A_179 = arith.constant 16 : i32
      %mul3A_180 = arith.muli %mul3A_10, %mul3A_179 : i32
      %add3A_181 = arith.constant 13 : i32
      %add3A_182 = arith.addi %mul3A_180, %add3A_181 : i32
      %dma_start3A_183 = arith.constant 650 : i32
      %dma_start3A_184 = arith.constant 0 : i32
      %dma_start3A_185 = tpu.memref_slice %arg6[%dma_start3A_183, %dma_start3A_184] : memref<1600x32xf32, #tpu.memory_space<vmem>> -> memref<50x32xf32, #tpu.memory_space<vmem>>
      %dma_start3A_186 = arith.constant 0 : i32
      %dma_start3A_187 = tpu.memref_slice %arg5[%add3A_182, %dma_start3A_186] : memref<512x50xi32, #tpu.memory_space<vmem>> -> memref<1x50xi32, #tpu.memory_space<vmem>>
      %dma_start3A_188 = tpu.memref_squeeze %dma_start3A_187 : memref<1x50xi32, #tpu.memory_space<vmem>> -> memref<50xi32, #tpu.memory_space<vmem>>
      %dma_start3A_189 = arith.constant 0 : i32
      %dma_start3A_190 = arith.constant 0 : i32
      %dma_start3A_191 = tpu.memref_slice %arg3[%dma_start3A_189, %dma_start3A_190] : memref<1000000x32xf32, #tpu.memory_space<hbm>> -> memref<1000000x32xf32, #tpu.memory_space<hbm>>
      tpu.enqueue_indirect_dma source(%dma_start3A_191 : memref<1000000x32xf32, #tpu.memory_space<hbm>>) target(%dma_start3A_185 : memref<50x32xf32, #tpu.memory_space<vmem>>) offsets(%dma_start3A_188 : memref<50xi32, #tpu.memory_space<vmem>>) semaphore(%arg7 : memref<!tpu.dma_semaphore, #tpu.memory_space<semaphore_mem>>)
      %mul3A_192 = arith.constant 16 : i32
      %mul3A_193 = arith.muli %mul3A_10, %mul3A_192 : i32
      %add3A_194 = arith.constant 14 : i32
      %add3A_195 = arith.addi %mul3A_193, %add3A_194 : i32
      %dma_start3A_196 = arith.constant 700 : i32
      %dma_start3A_197 = arith.constant 0 : i32
      %dma_start3A_198 = tpu.memref_slice %arg6[%dma_start3A_196, %dma_start3A_197] : memref<1600x32xf32, #tpu.memory_space<vmem>> -> memref<50x32xf32, #tpu.memory_space<vmem>>
      %dma_start3A_199 = arith.constant 0 : i32
      %dma_start3A_200 = tpu.memref_slice %arg5[%add3A_195, %dma_start3A_199] : memref<512x50xi32, #tpu.memory_space<vmem>> -> memref<1x50xi32, #tpu.memory_space<vmem>>
      %dma_start3A_201 = tpu.memref_squeeze %dma_start3A_200 : memref<1x50xi32, #tpu.memory_space<vmem>> -> memref<50xi32, #tpu.memory_space<vmem>>
      %dma_start3A_202 = arith.constant 0 : i32
      %dma_start3A_203 = arith.constant 0 : i32
      %dma_start3A_204 = tpu.memref_slice %arg3[%dma_start3A_202, %dma_start3A_203] : memref<1000000x32xf32, #tpu.memory_space<hbm>> -> memref<1000000x32xf32, #tpu.memory_space<hbm>>
      tpu.enqueue_indirect_dma source(%dma_start3A_204 : memref<1000000x32xf32, #tpu.memory_space<hbm>>) target(%dma_start3A_198 : memref<50x32xf32, #tpu.memory_space<vmem>>) offsets(%dma_start3A_201 : memref<50xi32, #tpu.memory_space<vmem>>) semaphore(%arg7 : memref<!tpu.dma_semaphore, #tpu.memory_space<semaphore_mem>>)
      %mul3A_205 = arith.constant 16 : i32
      %mul3A_206 = arith.muli %mul3A_10, %mul3A_205 : i32
      %add3A_207 = arith.constant 15 : i32
      %add3A_208 = arith.addi %mul3A_206, %add3A_207 : i32
      %dma_start3A_209 = arith.constant 750 : i32
      %dma_start3A_210 = arith.constant 0 : i32
      %dma_start3A_211 = tpu.memref_slice %arg6[%dma_start3A_209, %dma_start3A_210] : memref<1600x32xf32, #tpu.memory_space<vmem>> -> memref<50x32xf32, #tpu.memory_space<vmem>>
      %dma_start3A_212 = arith.constant 0 : i32
      %dma_start3A_213 = tpu.memref_slice %arg5[%add3A_208, %dma_start3A_212] : memref<512x50xi32, #tpu.memory_space<vmem>> -> memref<1x50xi32, #tpu.memory_space<vmem>>
      %dma_start3A_214 = tpu.memref_squeeze %dma_start3A_213 : memref<1x50xi32, #tpu.memory_space<vmem>> -> memref<50xi32, #tpu.memory_space<vmem>>
      %dma_start3A_215 = arith.constant 0 : i32
      %dma_start3A_216 = arith.constant 0 : i32
      %dma_start3A_217 = tpu.memref_slice %arg3[%dma_start3A_215, %dma_start3A_216] : memref<1000000x32xf32, #tpu.memory_space<hbm>> -> memref<1000000x32xf32, #tpu.memory_space<hbm>>
      tpu.enqueue_indirect_dma source(%dma_start3A_217 : memref<1000000x32xf32, #tpu.memory_space<hbm>>) target(%dma_start3A_211 : memref<50x32xf32, #tpu.memory_space<vmem>>) offsets(%dma_start3A_214 : memref<50xi32, #tpu.memory_space<vmem>>) semaphore(%arg7 : memref<!tpu.dma_semaphore, #tpu.memory_space<semaphore_mem>>)
      %mul3A_218 = arith.constant 2 : i32
      %mul3A_219 = arith.muli %mul3A_218, %scan3A_8 : i32
      %add3A_220 = arith.constant 1 : i32
      %add3A_221 = arith.addi %mul3A_219, %add3A_220 : i32
      %mul3A_222 = arith.constant 16 : i32
      %mul3A_223 = arith.muli %add3A_221, %mul3A_222 : i32
      %add3A_224 = arith.constant 0 : i32
      %add3A_225 = arith.addi %mul3A_223, %add3A_224 : i32
      %dma_start3A_226 = arith.constant 800 : i32
      %dma_start3A_227 = arith.constant 0 : i32
      %dma_start3A_228 = tpu.memref_slice %arg6[%dma_start3A_226, %dma_start3A_227] : memref<1600x32xf32, #tpu.memory_space<vmem>> -> memref<50x32xf32, #tpu.memory_space<vmem>>
      %dma_start3A_229 = arith.constant 0 : i32
      %dma_start3A_230 = tpu.memref_slice %arg5[%add3A_225, %dma_start3A_229] : memref<512x50xi32, #tpu.memory_space<vmem>> -> memref<1x50xi32, #tpu.memory_space<vmem>>
      %dma_start3A_231 = tpu.memref_squeeze %dma_start3A_230 : memref<1x50xi32, #tpu.memory_space<vmem>> -> memref<50xi32, #tpu.memory_space<vmem>>
      %dma_start3A_232 = arith.constant 0 : i32
      %dma_start3A_233 = arith.constant 0 : i32
      %dma_start3A_234 = tpu.memref_slice %arg3[%dma_start3A_232, %dma_start3A_233] : memref<1000000x32xf32, #tpu.memory_space<hbm>> -> memref<1000000x32xf32, #tpu.memory_space<hbm>>
      tpu.enqueue_indirect_dma source(%dma_start3A_234 : memref<1000000x32xf32, #tpu.memory_space<hbm>>) target(%dma_start3A_228 : memref<50x32xf32, #tpu.memory_space<vmem>>) offsets(%dma_start3A_231 : memref<50xi32, #tpu.memory_space<vmem>>) semaphore(%arg8 : memref<!tpu.dma_semaphore, #tpu.memory_space<semaphore_mem>>)
      %mul3A_235 = arith.constant 16 : i32
      %mul3A_236 = arith.muli %add3A_221, %mul3A_235 : i32
      %add3A_237 = arith.constant 1 : i32
      %add3A_238 = arith.addi %mul3A_236, %add3A_237 : i32
      %dma_start3A_239 = arith.constant 850 : i32
      %dma_start3A_240 = arith.constant 0 : i32
      %dma_start3A_241 = tpu.memref_slice %arg6[%dma_start3A_239, %dma_start3A_240] : memref<1600x32xf32, #tpu.memory_space<vmem>> -> memref<50x32xf32, #tpu.memory_space<vmem>>
      %dma_start3A_242 = arith.constant 0 : i32
      %dma_start3A_243 = tpu.memref_slice %arg5[%add3A_238, %dma_start3A_242] : memref<512x50xi32, #tpu.memory_space<vmem>> -> memref<1x50xi32, #tpu.memory_space<vmem>>
      %dma_start3A_244 = tpu.memref_squeeze %dma_start3A_243 : memref<1x50xi32, #tpu.memory_space<vmem>> -> memref<50xi32, #tpu.memory_space<vmem>>
      %dma_start3A_245 = arith.constant 0 : i32
      %dma_start3A_246 = arith.constant 0 : i32
      %dma_start3A_247 = tpu.memref_slice %arg3[%dma_start3A_245, %dma_start3A_246] : memref<1000000x32xf32, #tpu.memory_space<hbm>> -> memref<1000000x32xf32, #tpu.memory_space<hbm>>
      tpu.enqueue_indirect_dma source(%dma_start3A_247 : memref<1000000x32xf32, #tpu.memory_space<hbm>>) target(%dma_start3A_241 : memref<50x32xf32, #tpu.memory_space<vmem>>) offsets(%dma_start3A_244 : memref<50xi32, #tpu.memory_space<vmem>>) semaphore(%arg8 : memref<!tpu.dma_semaphore, #tpu.memory_space<semaphore_mem>>)
      %mul3A_248 = arith.constant 16 : i32
      %mul3A_249 = arith.muli %add3A_221, %mul3A_248 : i32
      %add3A_250 = arith.constant 2 : i32
      %add3A_251 = arith.addi %mul3A_249, %add3A_250 : i32
      %dma_start3A_252 = arith.constant 900 : i32
      %dma_start3A_253 = arith.constant 0 : i32
      %dma_start3A_254 = tpu.memref_slice %arg6[%dma_start3A_252, %dma_start3A_253] : memref<1600x32xf32, #tpu.memory_space<vmem>> -> memref<50x32xf32, #tpu.memory_space<vmem>>
      %dma_start3A_255 = arith.constant 0 : i32
      %dma_start3A_256 = tpu.memref_slice %arg5[%add3A_251, %dma_start3A_255] : memref<512x50xi32, #tpu.memory_space<vmem>> -> memref<1x50xi32, #tpu.memory_space<vmem>>
      %dma_start3A_257 = tpu.memref_squeeze %dma_start3A_256 : memref<1x50xi32, #tpu.memory_space<vmem>> -> memref<50xi32, #tpu.memory_space<vmem>>
      %dma_start3A_258 = arith.constant 0 : i32
      %dma_start3A_259 = arith.constant 0 : i32
      %dma_start3A_260 = tpu.memref_slice %arg3[%dma_start3A_258, %dma_start3A_259] : memref<1000000x32xf32, #tpu.memory_space<hbm>> -> memref<1000000x32xf32, #tpu.memory_space<hbm>>
      tpu.enqueue_indirect_dma source(%dma_start3A_260 : memref<1000000x32xf32, #tpu.memory_space<hbm>>) target(%dma_start3A_254 : memref<50x32xf32, #tpu.memory_space<vmem>>) offsets(%dma_start3A_257 : memref<50xi32, #tpu.memory_space<vmem>>) semaphore(%arg8 : memref<!tpu.dma_semaphore, #tpu.memory_space<semaphore_mem>>)
      %mul3A_261 = arith.constant 16 : i32
      %mul3A_262 = arith.muli %add3A_221, %mul3A_261 : i32
      %add3A_263 = arith.constant 3 : i32
      %add3A_264 = arith.addi %mul3A_262, %add3A_263 : i32
      %dma_start3A_265 = arith.constant 950 : i32
      %dma_start3A_266 = arith.constant 0 : i32
      %dma_start3A_267 = tpu.memref_slice %arg6[%dma_start3A_265, %dma_start3A_266] : memref<1600x32xf32, #tpu.memory_space<vmem>> -> memref<50x32xf32, #tpu.memory_space<vmem>>
      %dma_start3A_268 = arith.constant 0 : i32
      %dma_start3A_269 = tpu.memref_slice %arg5[%add3A_264, %dma_start3A_268] : memref<512x50xi32, #tpu.memory_space<vmem>> -> memref<1x50xi32, #tpu.memory_space<vmem>>
      %dma_start3A_270 = tpu.memref_squeeze %dma_start3A_269 : memref<1x50xi32, #tpu.memory_space<vmem>> -> memref<50xi32, #tpu.memory_space<vmem>>
      %dma_start3A_271 = arith.constant 0 : i32
      %dma_start3A_272 = arith.constant 0 : i32
      %dma_start3A_273 = tpu.memref_slice %arg3[%dma_start3A_271, %dma_start3A_272] : memref<1000000x32xf32, #tpu.memory_space<hbm>> -> memref<1000000x32xf32, #tpu.memory_space<hbm>>
      tpu.enqueue_indirect_dma source(%dma_start3A_273 : memref<1000000x32xf32, #tpu.memory_space<hbm>>) target(%dma_start3A_267 : memref<50x32xf32, #tpu.memory_space<vmem>>) offsets(%dma_start3A_270 : memref<50xi32, #tpu.memory_space<vmem>>) semaphore(%arg8 : memref<!tpu.dma_semaphore, #tpu.memory_space<semaphore_mem>>)
      %mul3A_274 = arith.constant 16 : i32
      %mul3A_275 = arith.muli %add3A_221, %mul3A_274 : i32
      %add3A_276 = arith.constant 4 : i32
      %add3A_277 = arith.addi %mul3A_275, %add3A_276 : i32
      %dma_start3A_278 = arith.constant 1000 : i32
      %dma_start3A_279 = arith.constant 0 : i32
      %dma_start3A_280 = tpu.memref_slice %arg6[%dma_start3A_278, %dma_start3A_279] : memref<1600x32xf32, #tpu.memory_space<vmem>> -> memref<50x32xf32, #tpu.memory_space<vmem>>
      %dma_start3A_281 = arith.constant 0 : i32
      %dma_start3A_282 = tpu.memref_slice %arg5[%add3A_277, %dma_start3A_281] : memref<512x50xi32, #tpu.memory_space<vmem>> -> memref<1x50xi32, #tpu.memory_space<vmem>>
      %dma_start3A_283 = tpu.memref_squeeze %dma_start3A_282 : memref<1x50xi32, #tpu.memory_space<vmem>> -> memref<50xi32, #tpu.memory_space<vmem>>
      %dma_start3A_284 = arith.constant 0 : i32
      %dma_start3A_285 = arith.constant 0 : i32
      %dma_start3A_286 = tpu.memref_slice %arg3[%dma_start3A_284, %dma_start3A_285] : memref<1000000x32xf32, #tpu.memory_space<hbm>> -> memref<1000000x32xf32, #tpu.memory_space<hbm>>
      tpu.enqueue_indirect_dma source(%dma_start3A_286 : memref<1000000x32xf32, #tpu.memory_space<hbm>>) target(%dma_start3A_280 : memref<50x32xf32, #tpu.memory_space<vmem>>) offsets(%dma_start3A_283 : memref<50xi32, #tpu.memory_space<vmem>>) semaphore(%arg8 : memref<!tpu.dma_semaphore, #tpu.memory_space<semaphore_mem>>)
      %mul3A_287 = arith.constant 16 : i32
      %mul3A_288 = arith.muli %add3A_221, %mul3A_287 : i32
      %add3A_289 = arith.constant 5 : i32
      %add3A_290 = arith.addi %mul3A_288, %add3A_289 : i32
      %dma_start3A_291 = arith.constant 1050 : i32
      %dma_start3A_292 = arith.constant 0 : i32
      %dma_start3A_293 = tpu.memref_slice %arg6[%dma_start3A_291, %dma_start3A_292] : memref<1600x32xf32, #tpu.memory_space<vmem>> -> memref<50x32xf32, #tpu.memory_space<vmem>>
      %dma_start3A_294 = arith.constant 0 : i32
      %dma_start3A_295 = tpu.memref_slice %arg5[%add3A_290, %dma_start3A_294] : memref<512x50xi32, #tpu.memory_space<vmem>> -> memref<1x50xi32, #tpu.memory_space<vmem>>
      %dma_start3A_296 = tpu.memref_squeeze %dma_start3A_295 : memref<1x50xi32, #tpu.memory_space<vmem>> -> memref<50xi32, #tpu.memory_space<vmem>>
      %dma_start3A_297 = arith.constant 0 : i32
      %dma_start3A_298 = arith.constant 0 : i32
      %dma_start3A_299 = tpu.memref_slice %arg3[%dma_start3A_297, %dma_start3A_298] : memref<1000000x32xf32, #tpu.memory_space<hbm>> -> memref<1000000x32xf32, #tpu.memory_space<hbm>>
      tpu.enqueue_indirect_dma source(%dma_start3A_299 : memref<1000000x32xf32, #tpu.memory_space<hbm>>) target(%dma_start3A_293 : memref<50x32xf32, #tpu.memory_space<vmem>>) offsets(%dma_start3A_296 : memref<50xi32, #tpu.memory_space<vmem>>) semaphore(%arg8 : memref<!tpu.dma_semaphore, #tpu.memory_space<semaphore_mem>>)
      %mul3A_300 = arith.constant 16 : i32
      %mul3A_301 = arith.muli %add3A_221, %mul3A_300 : i32
      %add3A_302 = arith.constant 6 : i32
      %add3A_303 = arith.addi %mul3A_301, %add3A_302 : i32
      %dma_start3A_304 = arith.constant 1100 : i32
      %dma_start3A_305 = arith.constant 0 : i32
      %dma_start3A_306 = tpu.memref_slice %arg6[%dma_start3A_304, %dma_start3A_305] : memref<1600x32xf32, #tpu.memory_space<vmem>> -> memref<50x32xf32, #tpu.memory_space<vmem>>
      %dma_start3A_307 = arith.constant 0 : i32
      %dma_start3A_308 = tpu.memref_slice %arg5[%add3A_303, %dma_start3A_307] : memref<512x50xi32, #tpu.memory_space<vmem>> -> memref<1x50xi32, #tpu.memory_space<vmem>>
      %dma_start3A_309 = tpu.memref_squeeze %dma_start3A_308 : memref<1x50xi32, #tpu.memory_space<vmem>> -> memref<50xi32, #tpu.memory_space<vmem>>
      %dma_start3A_310 = arith.constant 0 : i32
      %dma_start3A_311 = arith.constant 0 : i32
      %dma_start3A_312 = tpu.memref_slice %arg3[%dma_start3A_310, %dma_start3A_311] : memref<1000000x32xf32, #tpu.memory_space<hbm>> -> memref<1000000x32xf32, #tpu.memory_space<hbm>>
      tpu.enqueue_indirect_dma source(%dma_start3A_312 : memref<1000000x32xf32, #tpu.memory_space<hbm>>) target(%dma_start3A_306 : memref<50x32xf32, #tpu.memory_space<vmem>>) offsets(%dma_start3A_309 : memref<50xi32, #tpu.memory_space<vmem>>) semaphore(%arg8 : memref<!tpu.dma_semaphore, #tpu.memory_space<semaphore_mem>>)
      %mul3A_313 = arith.constant 16 : i32
      %mul3A_314 = arith.muli %add3A_221, %mul3A_313 : i32
      %add3A_315 = arith.constant 7 : i32
      %add3A_316 = arith.addi %mul3A_314, %add3A_315 : i32
      %dma_start3A_317 = arith.constant 1150 : i32
      %dma_start3A_318 = arith.constant 0 : i32
      %dma_start3A_319 = tpu.memref_slice %arg6[%dma_start3A_317, %dma_start3A_318] : memref<1600x32xf32, #tpu.memory_space<vmem>> -> memref<50x32xf32, #tpu.memory_space<vmem>>
      %dma_start3A_320 = arith.constant 0 : i32
      %dma_start3A_321 = tpu.memref_slice %arg5[%add3A_316, %dma_start3A_320] : memref<512x50xi32, #tpu.memory_space<vmem>> -> memref<1x50xi32, #tpu.memory_space<vmem>>
      %dma_start3A_322 = tpu.memref_squeeze %dma_start3A_321 : memref<1x50xi32, #tpu.memory_space<vmem>> -> memref<50xi32, #tpu.memory_space<vmem>>
      %dma_start3A_323 = arith.constant 0 : i32
      %dma_start3A_324 = arith.constant 0 : i32
      %dma_start3A_325 = tpu.memref_slice %arg3[%dma_start3A_323, %dma_start3A_324] : memref<1000000x32xf32, #tpu.memory_space<hbm>> -> memref<1000000x32xf32, #tpu.memory_space<hbm>>
      tpu.enqueue_indirect_dma source(%dma_start3A_325 : memref<1000000x32xf32, #tpu.memory_space<hbm>>) target(%dma_start3A_319 : memref<50x32xf32, #tpu.memory_space<vmem>>) offsets(%dma_start3A_322 : memref<50xi32, #tpu.memory_space<vmem>>) semaphore(%arg8 : memref<!tpu.dma_semaphore, #tpu.memory_space<semaphore_mem>>)
      %mul3A_326 = arith.constant 16 : i32
      %mul3A_327 = arith.muli %add3A_221, %mul3A_326 : i32
      %add3A_328 = arith.constant 8 : i32
      %add3A_329 = arith.addi %mul3A_327, %add3A_328 : i32
      %dma_start3A_330 = arith.constant 1200 : i32
      %dma_start3A_331 = arith.constant 0 : i32
      %dma_start3A_332 = tpu.memref_slice %arg6[%dma_start3A_330, %dma_start3A_331] : memref<1600x32xf32, #tpu.memory_space<vmem>> -> memref<50x32xf32, #tpu.memory_space<vmem>>
      %dma_start3A_333 = arith.constant 0 : i32
      %dma_start3A_334 = tpu.memref_slice %arg5[%add3A_329, %dma_start3A_333] : memref<512x50xi32, #tpu.memory_space<vmem>> -> memref<1x50xi32, #tpu.memory_space<vmem>>
      %dma_start3A_335 = tpu.memref_squeeze %dma_start3A_334 : memref<1x50xi32, #tpu.memory_space<vmem>> -> memref<50xi32, #tpu.memory_space<vmem>>
      %dma_start3A_336 = arith.constant 0 : i32
      %dma_start3A_337 = arith.constant 0 : i32
      %dma_start3A_338 = tpu.memref_slice %arg3[%dma_start3A_336, %dma_start3A_337] : memref<1000000x32xf32, #tpu.memory_space<hbm>> -> memref<1000000x32xf32, #tpu.memory_space<hbm>>
      tpu.enqueue_indirect_dma source(%dma_start3A_338 : memref<1000000x32xf32, #tpu.memory_space<hbm>>) target(%dma_start3A_332 : memref<50x32xf32, #tpu.memory_space<vmem>>) offsets(%dma_start3A_335 : memref<50xi32, #tpu.memory_space<vmem>>) semaphore(%arg8 : memref<!tpu.dma_semaphore, #tpu.memory_space<semaphore_mem>>)
      %mul3A_339 = arith.constant 16 : i32
      %mul3A_340 = arith.muli %add3A_221, %mul3A_339 : i32
      %add3A_341 = arith.constant 9 : i32
      %add3A_342 = arith.addi %mul3A_340, %add3A_341 : i32
      %dma_start3A_343 = arith.constant 1250 : i32
      %dma_start3A_344 = arith.constant 0 : i32
      %dma_start3A_345 = tpu.memref_slice %arg6[%dma_start3A_343, %dma_start3A_344] : memref<1600x32xf32, #tpu.memory_space<vmem>> -> memref<50x32xf32, #tpu.memory_space<vmem>>
      %dma_start3A_346 = arith.constant 0 : i32
      %dma_start3A_347 = tpu.memref_slice %arg5[%add3A_342, %dma_start3A_346] : memref<512x50xi32, #tpu.memory_space<vmem>> -> memref<1x50xi32, #tpu.memory_space<vmem>>
      %dma_start3A_348 = tpu.memref_squeeze %dma_start3A_347 : memref<1x50xi32, #tpu.memory_space<vmem>> -> memref<50xi32, #tpu.memory_space<vmem>>
      %dma_start3A_349 = arith.constant 0 : i32
      %dma_start3A_350 = arith.constant 0 : i32
      %dma_start3A_351 = tpu.memref_slice %arg3[%dma_start3A_349, %dma_start3A_350] : memref<1000000x32xf32, #tpu.memory_space<hbm>> -> memref<1000000x32xf32, #tpu.memory_space<hbm>>
      tpu.enqueue_indirect_dma source(%dma_start3A_351 : memref<1000000x32xf32, #tpu.memory_space<hbm>>) target(%dma_start3A_345 : memref<50x32xf32, #tpu.memory_space<vmem>>) offsets(%dma_start3A_348 : memref<50xi32, #tpu.memory_space<vmem>>) semaphore(%arg8 : memref<!tpu.dma_semaphore, #tpu.memory_space<semaphore_mem>>)
      %mul3A_352 = arith.constant 16 : i32
      %mul3A_353 = arith.muli %add3A_221, %mul3A_352 : i32
      %add3A_354 = arith.constant 10 : i32
      %add3A_355 = arith.addi %mul3A_353, %add3A_354 : i32
      %dma_start3A_356 = arith.constant 1300 : i32
      %dma_start3A_357 = arith.constant 0 : i32
      %dma_start3A_358 = tpu.memref_slice %arg6[%dma_start3A_356, %dma_start3A_357] : memref<1600x32xf32, #tpu.memory_space<vmem>> -> memref<50x32xf32, #tpu.memory_space<vmem>>
      %dma_start3A_359 = arith.constant 0 : i32
      %dma_start3A_360 = tpu.memref_slice %arg5[%add3A_355, %dma_start3A_359] : memref<512x50xi32, #tpu.memory_space<vmem>> -> memref<1x50xi32, #tpu.memory_space<vmem>>
      %dma_start3A_361 = tpu.memref_squeeze %dma_start3A_360 : memref<1x50xi32, #tpu.memory_space<vmem>> -> memref<50xi32, #tpu.memory_space<vmem>>
      %dma_start3A_362 = arith.constant 0 : i32
      %dma_start3A_363 = arith.constant 0 : i32
      %dma_start3A_364 = tpu.memref_slice %arg3[%dma_start3A_362, %dma_start3A_363] : memref<1000000x32xf32, #tpu.memory_space<hbm>> -> memref<1000000x32xf32, #tpu.memory_space<hbm>>
      tpu.enqueue_indirect_dma source(%dma_start3A_364 : memref<1000000x32xf32, #tpu.memory_space<hbm>>) target(%dma_start3A_358 : memref<50x32xf32, #tpu.memory_space<vmem>>) offsets(%dma_start3A_361 : memref<50xi32, #tpu.memory_space<vmem>>) semaphore(%arg8 : memref<!tpu.dma_semaphore, #tpu.memory_space<semaphore_mem>>)
      %mul3A_365 = arith.constant 16 : i32
      %mul3A_366 = arith.muli %add3A_221, %mul3A_365 : i32
      %add3A_367 = arith.constant 11 : i32
      %add3A_368 = arith.addi %mul3A_366, %add3A_367 : i32
      %dma_start3A_369 = arith.constant 1350 : i32
      %dma_start3A_370 = arith.constant 0 : i32
      %dma_start3A_371 = tpu.memref_slice %arg6[%dma_start3A_369, %dma_start3A_370] : memref<1600x32xf32, #tpu.memory_space<vmem>> -> memref<50x32xf32, #tpu.memory_space<vmem>>
      %dma_start3A_372 = arith.constant 0 : i32
      %dma_start3A_373 = tpu.memref_slice %arg5[%add3A_368, %dma_start3A_372] : memref<512x50xi32, #tpu.memory_space<vmem>> -> memref<1x50xi32, #tpu.memory_space<vmem>>
      %dma_start3A_374 = tpu.memref_squeeze %dma_start3A_373 : memref<1x50xi32, #tpu.memory_space<vmem>> -> memref<50xi32, #tpu.memory_space<vmem>>
      %dma_start3A_375 = arith.constant 0 : i32
      %dma_start3A_376 = arith.constant 0 : i32
      %dma_start3A_377 = tpu.memref_slice %arg3[%dma_start3A_375, %dma_start3A_376] : memref<1000000x32xf32, #tpu.memory_space<hbm>> -> memref<1000000x32xf32, #tpu.memory_space<hbm>>
      tpu.enqueue_indirect_dma source(%dma_start3A_377 : memref<1000000x32xf32, #tpu.memory_space<hbm>>) target(%dma_start3A_371 : memref<50x32xf32, #tpu.memory_space<vmem>>) offsets(%dma_start3A_374 : memref<50xi32, #tpu.memory_space<vmem>>) semaphore(%arg8 : memref<!tpu.dma_semaphore, #tpu.memory_space<semaphore_mem>>)
      %mul3A_378 = arith.constant 16 : i32
      %mul3A_379 = arith.muli %add3A_221, %mul3A_378 : i32
      %add3A_380 = arith.constant 12 : i32
      %add3A_381 = arith.addi %mul3A_379, %add3A_380 : i32
      %dma_start3A_382 = arith.constant 1400 : i32
      %dma_start3A_383 = arith.constant 0 : i32
      %dma_start3A_384 = tpu.memref_slice %arg6[%dma_start3A_382, %dma_start3A_383] : memref<1600x32xf32, #tpu.memory_space<vmem>> -> memref<50x32xf32, #tpu.memory_space<vmem>>
      %dma_start3A_385 = arith.constant 0 : i32
      %dma_start3A_386 = tpu.memref_slice %arg5[%add3A_381, %dma_start3A_385] : memref<512x50xi32, #tpu.memory_space<vmem>> -> memref<1x50xi32, #tpu.memory_space<vmem>>
      %dma_start3A_387 = tpu.memref_squeeze %dma_start3A_386 : memref<1x50xi32, #tpu.memory_space<vmem>> -> memref<50xi32, #tpu.memory_space<vmem>>
      %dma_start3A_388 = arith.constant 0 : i32
      %dma_start3A_389 = arith.constant 0 : i32
      %dma_start3A_390 = tpu.memref_slice %arg3[%dma_start3A_388, %dma_start3A_389] : memref<1000000x32xf32, #tpu.memory_space<hbm>> -> memref<1000000x32xf32, #tpu.memory_space<hbm>>
      tpu.enqueue_indirect_dma source(%dma_start3A_390 : memref<1000000x32xf32, #tpu.memory_space<hbm>>) target(%dma_start3A_384 : memref<50x32xf32, #tpu.memory_space<vmem>>) offsets(%dma_start3A_387 : memref<50xi32, #tpu.memory_space<vmem>>) semaphore(%arg8 : memref<!tpu.dma_semaphore, #tpu.memory_space<semaphore_mem>>)
      %mul3A_391 = arith.constant 16 : i32
      %mul3A_392 = arith.muli %add3A_221, %mul3A_391 : i32
      %add3A_393 = arith.constant 13 : i32
      %add3A_394 = arith.addi %mul3A_392, %add3A_393 : i32
      %dma_start3A_395 = arith.constant 1450 : i32
      %dma_start3A_396 = arith.constant 0 : i32
      %dma_start3A_397 = tpu.memref_slice %arg6[%dma_start3A_395, %dma_start3A_396] : memref<1600x32xf32, #tpu.memory_space<vmem>> -> memref<50x32xf32, #tpu.memory_space<vmem>>
      %dma_start3A_398 = arith.constant 0 : i32
      %dma_start3A_399 = tpu.memref_slice %arg5[%add3A_394, %dma_start3A_398] : memref<512x50xi32, #tpu.memory_space<vmem>> -> memref<1x50xi32, #tpu.memory_space<vmem>>
      %dma_start3A_400 = tpu.memref_squeeze %dma_start3A_399 : memref<1x50xi32, #tpu.memory_space<vmem>> -> memref<50xi32, #tpu.memory_space<vmem>>
      %dma_start3A_401 = arith.constant 0 : i32
      %dma_start3A_402 = arith.constant 0 : i32
      %dma_start3A_403 = tpu.memref_slice %arg3[%dma_start3A_401, %dma_start3A_402] : memref<1000000x32xf32, #tpu.memory_space<hbm>> -> memref<1000000x32xf32, #tpu.memory_space<hbm>>
      tpu.enqueue_indirect_dma source(%dma_start3A_403 : memref<1000000x32xf32, #tpu.memory_space<hbm>>) target(%dma_start3A_397 : memref<50x32xf32, #tpu.memory_space<vmem>>) offsets(%dma_start3A_400 : memref<50xi32, #tpu.memory_space<vmem>>) semaphore(%arg8 : memref<!tpu.dma_semaphore, #tpu.memory_space<semaphore_mem>>)
      %mul3A_404 = arith.constant 16 : i32
      %mul3A_405 = arith.muli %add3A_221, %mul3A_404 : i32
      %add3A_406 = arith.constant 14 : i32
      %add3A_407 = arith.addi %mul3A_405, %add3A_406 : i32
      %dma_start3A_408 = arith.constant 1500 : i32
      %dma_start3A_409 = arith.constant 0 : i32
      %dma_start3A_410 = tpu.memref_slice %arg6[%dma_start3A_408, %dma_start3A_409] : memref<1600x32xf32, #tpu.memory_space<vmem>> -> memref<50x32xf32, #tpu.memory_space<vmem>>
      %dma_start3A_411 = arith.constant 0 : i32
      %dma_start3A_412 = tpu.memref_slice %arg5[%add3A_407, %dma_start3A_411] : memref<512x50xi32, #tpu.memory_space<vmem>> -> memref<1x50xi32, #tpu.memory_space<vmem>>
      %dma_start3A_413 = tpu.memref_squeeze %dma_start3A_412 : memref<1x50xi32, #tpu.memory_space<vmem>> -> memref<50xi32, #tpu.memory_space<vmem>>
      %dma_start3A_414 = arith.constant 0 : i32
      %dma_start3A_415 = arith.constant 0 : i32
      %dma_start3A_416 = tpu.memref_slice %arg3[%dma_start3A_414, %dma_start3A_415] : memref<1000000x32xf32, #tpu.memory_space<hbm>> -> memref<1000000x32xf32, #tpu.memory_space<hbm>>
      tpu.enqueue_indirect_dma source(%dma_start3A_416 : memref<1000000x32xf32, #tpu.memory_space<hbm>>) target(%dma_start3A_410 : memref<50x32xf32, #tpu.memory_space<vmem>>) offsets(%dma_start3A_413 : memref<50xi32, #tpu.memory_space<vmem>>) semaphore(%arg8 : memref<!tpu.dma_semaphore, #tpu.memory_space<semaphore_mem>>)
      %mul3A_417 = arith.constant 16 : i32
      %mul3A_418 = arith.muli %add3A_221, %mul3A_417 : i32
      %add3A_419 = arith.constant 15 : i32
      %add3A_420 = arith.addi %mul3A_418, %add3A_419 : i32
      %dma_start3A_421 = arith.constant 1550 : i32
      %dma_start3A_422 = arith.constant 0 : i32
      %dma_start3A_423 = tpu.memref_slice %arg6[%dma_start3A_421, %dma_start3A_422] : memref<1600x32xf32, #tpu.memory_space<vmem>> -> memref<50x32xf32, #tpu.memory_space<vmem>>
      %dma_start3A_424 = arith.constant 0 : i32
      %dma_start3A_425 = tpu.memref_slice %arg5[%add3A_420, %dma_start3A_424] : memref<512x50xi32, #tpu.memory_space<vmem>> -> memref<1x50xi32, #tpu.memory_space<vmem>>
      %dma_start3A_426 = tpu.memref_squeeze %dma_start3A_425 : memref<1x50xi32, #tpu.memory_space<vmem>> -> memref<50xi32, #tpu.memory_space<vmem>>
      %dma_start3A_427 = arith.constant 0 : i32
      %dma_start3A_428 = arith.constant 0 : i32
      %dma_start3A_429 = tpu.memref_slice %arg3[%dma_start3A_427, %dma_start3A_428] : memref<1000000x32xf32, #tpu.memory_space<hbm>> -> memref<1000000x32xf32, #tpu.memory_space<hbm>>
      tpu.enqueue_indirect_dma source(%dma_start3A_429 : memref<1000000x32xf32, #tpu.memory_space<hbm>>) target(%dma_start3A_423 : memref<50x32xf32, #tpu.memory_space<vmem>>) offsets(%dma_start3A_426 : memref<50xi32, #tpu.memory_space<vmem>>) semaphore(%arg8 : memref<!tpu.dma_semaphore, #tpu.memory_space<semaphore_mem>>)
      %dma_wait3A = arith.constant 0 : i32
      %dma_wait3A_430 = arith.constant 0 : i32
      %dma_wait3A_431 = tpu.memref_slice %arg6[%dma_wait3A, %dma_wait3A_430] : memref<1600x32xf32, #tpu.memory_space<vmem>> -> memref<50x32xf32, #tpu.memory_space<vmem>>
      %dma_wait3A_432 = arith.constant 0 : i32
      %dma_wait3A_433 = tpu.memref_slice %arg5[%add3A_14, %dma_wait3A_432] : memref<512x50xi32, #tpu.memory_space<vmem>> -> memref<1x50xi32, #tpu.memory_space<vmem>>
      %dma_wait3A_434 = tpu.memref_squeeze %dma_wait3A_433 : memref<1x50xi32, #tpu.memory_space<vmem>> -> memref<50xi32, #tpu.memory_space<vmem>>
      %dma_wait3A_435 = arith.constant 0 : i32
      %dma_wait3A_436 = arith.constant 0 : i32
      %dma_wait3A_437 = tpu.memref_slice %arg3[%dma_wait3A_435, %dma_wait3A_436] : memref<1000000x32xf32, #tpu.memory_space<hbm>> -> memref<1000000x32xf32, #tpu.memory_space<hbm>>
      tpu.wait_indirect_dma semaphore(%arg7 : memref<!tpu.dma_semaphore, #tpu.memory_space<semaphore_mem>>) src(%dma_wait3A_437 : memref<1000000x32xf32, #tpu.memory_space<hbm>>) dst(%dma_wait3A_431 : memref<50x32xf32, #tpu.memory_space<vmem>>)
      %dma_wait3A_438 = arith.constant 50 : i32
      %dma_wait3A_439 = arith.constant 0 : i32
      %dma_wait3A_440 = tpu.memref_slice %arg6[%dma_wait3A_438, %dma_wait3A_439] : memref<1600x32xf32, #tpu.memory_space<vmem>> -> memref<50x32xf32, #tpu.memory_space<vmem>>
      %dma_wait3A_441 = arith.constant 0 : i32
      %dma_wait3A_442 = tpu.memref_slice %arg5[%add3A_26, %dma_wait3A_441] : memref<512x50xi32, #tpu.memory_space<vmem>> -> memref<1x50xi32, #tpu.memory_space<vmem>>
      %dma_wait3A_443 = tpu.memref_squeeze %dma_wait3A_442 : memref<1x50xi32, #tpu.memory_space<vmem>> -> memref<50xi32, #tpu.memory_space<vmem>>
      %dma_wait3A_444 = arith.constant 0 : i32
      %dma_wait3A_445 = arith.constant 0 : i32
      %dma_wait3A_446 = tpu.memref_slice %arg3[%dma_wait3A_444, %dma_wait3A_445] : memref<1000000x32xf32, #tpu.memory_space<hbm>> -> memref<1000000x32xf32, #tpu.memory_space<hbm>>
      tpu.wait_indirect_dma semaphore(%arg7 : memref<!tpu.dma_semaphore, #tpu.memory_space<semaphore_mem>>) src(%dma_wait3A_446 : memref<1000000x32xf32, #tpu.memory_space<hbm>>) dst(%dma_wait3A_440 : memref<50x32xf32, #tpu.memory_space<vmem>>)
      %dma_wait3A_447 = arith.constant 100 : i32
      %dma_wait3A_448 = arith.constant 0 : i32
      %dma_wait3A_449 = tpu.memref_slice %arg6[%dma_wait3A_447, %dma_wait3A_448] : memref<1600x32xf32, #tpu.memory_space<vmem>> -> memref<50x32xf32, #tpu.memory_space<vmem>>
      %dma_wait3A_450 = arith.constant 0 : i32
      %dma_wait3A_451 = tpu.memref_slice %arg5[%add3A_39, %dma_wait3A_450] : memref<512x50xi32, #tpu.memory_space<vmem>> -> memref<1x50xi32, #tpu.memory_space<vmem>>
      %dma_wait3A_452 = tpu.memref_squeeze %dma_wait3A_451 : memref<1x50xi32, #tpu.memory_space<vmem>> -> memref<50xi32, #tpu.memory_space<vmem>>
      %dma_wait3A_453 = arith.constant 0 : i32
      %dma_wait3A_454 = arith.constant 0 : i32
      %dma_wait3A_455 = tpu.memref_slice %arg3[%dma_wait3A_453, %dma_wait3A_454] : memref<1000000x32xf32, #tpu.memory_space<hbm>> -> memref<1000000x32xf32, #tpu.memory_space<hbm>>
      tpu.wait_indirect_dma semaphore(%arg7 : memref<!tpu.dma_semaphore, #tpu.memory_space<semaphore_mem>>) src(%dma_wait3A_455 : memref<1000000x32xf32, #tpu.memory_space<hbm>>) dst(%dma_wait3A_449 : memref<50x32xf32, #tpu.memory_space<vmem>>)
      %dma_wait3A_456 = arith.constant 150 : i32
      %dma_wait3A_457 = arith.constant 0 : i32
      %dma_wait3A_458 = tpu.memref_slice %arg6[%dma_wait3A_456, %dma_wait3A_457] : memref<1600x32xf32, #tpu.memory_space<vmem>> -> memref<50x32xf32, #tpu.memory_space<vmem>>
      %dma_wait3A_459 = arith.constant 0 : i32
      %dma_wait3A_460 = tpu.memref_slice %arg5[%add3A_52, %dma_wait3A_459] : memref<512x50xi32, #tpu.memory_space<vmem>> -> memref<1x50xi32, #tpu.memory_space<vmem>>
      %dma_wait3A_461 = tpu.memref_squeeze %dma_wait3A_460 : memref<1x50xi32, #tpu.memory_space<vmem>> -> memref<50xi32, #tpu.memory_space<vmem>>
      %dma_wait3A_462 = arith.constant 0 : i32
      %dma_wait3A_463 = arith.constant 0 : i32
      %dma_wait3A_464 = tpu.memref_slice %arg3[%dma_wait3A_462, %dma_wait3A_463] : memref<1000000x32xf32, #tpu.memory_space<hbm>> -> memref<1000000x32xf32, #tpu.memory_space<hbm>>
      tpu.wait_indirect_dma semaphore(%arg7 : memref<!tpu.dma_semaphore, #tpu.memory_space<semaphore_mem>>) src(%dma_wait3A_464 : memref<1000000x32xf32, #tpu.memory_space<hbm>>) dst(%dma_wait3A_458 : memref<50x32xf32, #tpu.memory_space<vmem>>)
      %dma_wait3A_465 = arith.constant 200 : i32
      %dma_wait3A_466 = arith.constant 0 : i32
      %dma_wait3A_467 = tpu.memref_slice %arg6[%dma_wait3A_465, %dma_wait3A_466] : memref<1600x32xf32, #tpu.memory_space<vmem>> -> memref<50x32xf32, #tpu.memory_space<vmem>>
      %dma_wait3A_468 = arith.constant 0 : i32
      %dma_wait3A_469 = tpu.memref_slice %arg5[%add3A_65, %dma_wait3A_468] : memref<512x50xi32, #tpu.memory_space<vmem>> -> memref<1x50xi32, #tpu.memory_space<vmem>>
      %dma_wait3A_470 = tpu.memref_squeeze %dma_wait3A_469 : memref<1x50xi32, #tpu.memory_space<vmem>> -> memref<50xi32, #tpu.memory_space<vmem>>
      %dma_wait3A_471 = arith.constant 0 : i32
      %dma_wait3A_472 = arith.constant 0 : i32
      %dma_wait3A_473 = tpu.memref_slice %arg3[%dma_wait3A_471, %dma_wait3A_472] : memref<1000000x32xf32, #tpu.memory_space<hbm>> -> memref<1000000x32xf32, #tpu.memory_space<hbm>>
      tpu.wait_indirect_dma semaphore(%arg7 : memref<!tpu.dma_semaphore, #tpu.memory_space<semaphore_mem>>) src(%dma_wait3A_473 : memref<1000000x32xf32, #tpu.memory_space<hbm>>) dst(%dma_wait3A_467 : memref<50x32xf32, #tpu.memory_space<vmem>>)
      %dma_wait3A_474 = arith.constant 250 : i32
      %dma_wait3A_475 = arith.constant 0 : i32
      %dma_wait3A_476 = tpu.memref_slice %arg6[%dma_wait3A_474, %dma_wait3A_475] : memref<1600x32xf32, #tpu.memory_space<vmem>> -> memref<50x32xf32, #tpu.memory_space<vmem>>
      %dma_wait3A_477 = arith.constant 0 : i32
      %dma_wait3A_478 = tpu.memref_slice %arg5[%add3A_78, %dma_wait3A_477] : memref<512x50xi32, #tpu.memory_space<vmem>> -> memref<1x50xi32, #tpu.memory_space<vmem>>
      %dma_wait3A_479 = tpu.memref_squeeze %dma_wait3A_478 : memref<1x50xi32, #tpu.memory_space<vmem>> -> memref<50xi32, #tpu.memory_space<vmem>>
      %dma_wait3A_480 = arith.constant 0 : i32
      %dma_wait3A_481 = arith.constant 0 : i32
      %dma_wait3A_482 = tpu.memref_slice %arg3[%dma_wait3A_480, %dma_wait3A_481] : memref<1000000x32xf32, #tpu.memory_space<hbm>> -> memref<1000000x32xf32, #tpu.memory_space<hbm>>
      tpu.wait_indirect_dma semaphore(%arg7 : memref<!tpu.dma_semaphore, #tpu.memory_space<semaphore_mem>>) src(%dma_wait3A_482 : memref<1000000x32xf32, #tpu.memory_space<hbm>>) dst(%dma_wait3A_476 : memref<50x32xf32, #tpu.memory_space<vmem>>)
      %dma_wait3A_483 = arith.constant 300 : i32
      %dma_wait3A_484 = arith.constant 0 : i32
      %dma_wait3A_485 = tpu.memref_slice %arg6[%dma_wait3A_483, %dma_wait3A_484] : memref<1600x32xf32, #tpu.memory_space<vmem>> -> memref<50x32xf32, #tpu.memory_space<vmem>>
      %dma_wait3A_486 = arith.constant 0 : i32
      %dma_wait3A_487 = tpu.memref_slice %arg5[%add3A_91, %dma_wait3A_486] : memref<512x50xi32, #tpu.memory_space<vmem>> -> memref<1x50xi32, #tpu.memory_space<vmem>>
      %dma_wait3A_488 = tpu.memref_squeeze %dma_wait3A_487 : memref<1x50xi32, #tpu.memory_space<vmem>> -> memref<50xi32, #tpu.memory_space<vmem>>
      %dma_wait3A_489 = arith.constant 0 : i32
      %dma_wait3A_490 = arith.constant 0 : i32
      %dma_wait3A_491 = tpu.memref_slice %arg3[%dma_wait3A_489, %dma_wait3A_490] : memref<1000000x32xf32, #tpu.memory_space<hbm>> -> memref<1000000x32xf32, #tpu.memory_space<hbm>>
      tpu.wait_indirect_dma semaphore(%arg7 : memref<!tpu.dma_semaphore, #tpu.memory_space<semaphore_mem>>) src(%dma_wait3A_491 : memref<1000000x32xf32, #tpu.memory_space<hbm>>) dst(%dma_wait3A_485 : memref<50x32xf32, #tpu.memory_space<vmem>>)
      %dma_wait3A_492 = arith.constant 350 : i32
      %dma_wait3A_493 = arith.constant 0 : i32
      %dma_wait3A_494 = tpu.memref_slice %arg6[%dma_wait3A_492, %dma_wait3A_493] : memref<1600x32xf32, #tpu.memory_space<vmem>> -> memref<50x32xf32, #tpu.memory_space<vmem>>
      %dma_wait3A_495 = arith.constant 0 : i32
      %dma_wait3A_496 = tpu.memref_slice %arg5[%add3A_104, %dma_wait3A_495] : memref<512x50xi32, #tpu.memory_space<vmem>> -> memref<1x50xi32, #tpu.memory_space<vmem>>
      %dma_wait3A_497 = tpu.memref_squeeze %dma_wait3A_496 : memref<1x50xi32, #tpu.memory_space<vmem>> -> memref<50xi32, #tpu.memory_space<vmem>>
      %dma_wait3A_498 = arith.constant 0 : i32
      %dma_wait3A_499 = arith.constant 0 : i32
      %dma_wait3A_500 = tpu.memref_slice %arg3[%dma_wait3A_498, %dma_wait3A_499] : memref<1000000x32xf32, #tpu.memory_space<hbm>> -> memref<1000000x32xf32, #tpu.memory_space<hbm>>
      tpu.wait_indirect_dma semaphore(%arg7 : memref<!tpu.dma_semaphore, #tpu.memory_space<semaphore_mem>>) src(%dma_wait3A_500 : memref<1000000x32xf32, #tpu.memory_space<hbm>>) dst(%dma_wait3A_494 : memref<50x32xf32, #tpu.memory_space<vmem>>)
      %dma_wait3A_501 = arith.constant 400 : i32
      %dma_wait3A_502 = arith.constant 0 : i32
      %dma_wait3A_503 = tpu.memref_slice %arg6[%dma_wait3A_501, %dma_wait3A_502] : memref<1600x32xf32, #tpu.memory_space<vmem>> -> memref<50x32xf32, #tpu.memory_space<vmem>>
      %dma_wait3A_504 = arith.constant 0 : i32
      %dma_wait3A_505 = tpu.memref_slice %arg5[%add3A_117, %dma_wait3A_504] : memref<512x50xi32, #tpu.memory_space<vmem>> -> memref<1x50xi32, #tpu.memory_space<vmem>>
      %dma_wait3A_506 = tpu.memref_squeeze %dma_wait3A_505 : memref<1x50xi32, #tpu.memory_space<vmem>> -> memref<50xi32, #tpu.memory_space<vmem>>
      %dma_wait3A_507 = arith.constant 0 : i32
      %dma_wait3A_508 = arith.constant 0 : i32
      %dma_wait3A_509 = tpu.memref_slice %arg3[%dma_wait3A_507, %dma_wait3A_508] : memref<1000000x32xf32, #tpu.memory_space<hbm>> -> memref<1000000x32xf32, #tpu.memory_space<hbm>>
      tpu.wait_indirect_dma semaphore(%arg7 : memref<!tpu.dma_semaphore, #tpu.memory_space<semaphore_mem>>) src(%dma_wait3A_509 : memref<1000000x32xf32, #tpu.memory_space<hbm>>) dst(%dma_wait3A_503 : memref<50x32xf32, #tpu.memory_space<vmem>>)
      %dma_wait3A_510 = arith.constant 450 : i32
      %dma_wait3A_511 = arith.constant 0 : i32
      %dma_wait3A_512 = tpu.memref_slice %arg6[%dma_wait3A_510, %dma_wait3A_511] : memref<1600x32xf32, #tpu.memory_space<vmem>> -> memref<50x32xf32, #tpu.memory_space<vmem>>
      %dma_wait3A_513 = arith.constant 0 : i32
      %dma_wait3A_514 = tpu.memref_slice %arg5[%add3A_130, %dma_wait3A_513] : memref<512x50xi32, #tpu.memory_space<vmem>> -> memref<1x50xi32, #tpu.memory_space<vmem>>
      %dma_wait3A_515 = tpu.memref_squeeze %dma_wait3A_514 : memref<1x50xi32, #tpu.memory_space<vmem>> -> memref<50xi32, #tpu.memory_space<vmem>>
      %dma_wait3A_516 = arith.constant 0 : i32
      %dma_wait3A_517 = arith.constant 0 : i32
      %dma_wait3A_518 = tpu.memref_slice %arg3[%dma_wait3A_516, %dma_wait3A_517] : memref<1000000x32xf32, #tpu.memory_space<hbm>> -> memref<1000000x32xf32, #tpu.memory_space<hbm>>
      tpu.wait_indirect_dma semaphore(%arg7 : memref<!tpu.dma_semaphore, #tpu.memory_space<semaphore_mem>>) src(%dma_wait3A_518 : memref<1000000x32xf32, #tpu.memory_space<hbm>>) dst(%dma_wait3A_512 : memref<50x32xf32, #tpu.memory_space<vmem>>)
      %dma_wait3A_519 = arith.constant 500 : i32
      %dma_wait3A_520 = arith.constant 0 : i32
      %dma_wait3A_521 = tpu.memref_slice %arg6[%dma_wait3A_519, %dma_wait3A_520] : memref<1600x32xf32, #tpu.memory_space<vmem>> -> memref<50x32xf32, #tpu.memory_space<vmem>>
      %dma_wait3A_522 = arith.constant 0 : i32
      %dma_wait3A_523 = tpu.memref_slice %arg5[%add3A_143, %dma_wait3A_522] : memref<512x50xi32, #tpu.memory_space<vmem>> -> memref<1x50xi32, #tpu.memory_space<vmem>>
      %dma_wait3A_524 = tpu.memref_squeeze %dma_wait3A_523 : memref<1x50xi32, #tpu.memory_space<vmem>> -> memref<50xi32, #tpu.memory_space<vmem>>
      %dma_wait3A_525 = arith.constant 0 : i32
      %dma_wait3A_526 = arith.constant 0 : i32
      %dma_wait3A_527 = tpu.memref_slice %arg3[%dma_wait3A_525, %dma_wait3A_526] : memref<1000000x32xf32, #tpu.memory_space<hbm>> -> memref<1000000x32xf32, #tpu.memory_space<hbm>>
      tpu.wait_indirect_dma semaphore(%arg7 : memref<!tpu.dma_semaphore, #tpu.memory_space<semaphore_mem>>) src(%dma_wait3A_527 : memref<1000000x32xf32, #tpu.memory_space<hbm>>) dst(%dma_wait3A_521 : memref<50x32xf32, #tpu.memory_space<vmem>>)
      %dma_wait3A_528 = arith.constant 550 : i32
      %dma_wait3A_529 = arith.constant 0 : i32
      %dma_wait3A_530 = tpu.memref_slice %arg6[%dma_wait3A_528, %dma_wait3A_529] : memref<1600x32xf32, #tpu.memory_space<vmem>> -> memref<50x32xf32, #tpu.memory_space<vmem>>
      %dma_wait3A_531 = arith.constant 0 : i32
      %dma_wait3A_532 = tpu.memref_slice %arg5[%add3A_156, %dma_wait3A_531] : memref<512x50xi32, #tpu.memory_space<vmem>> -> memref<1x50xi32, #tpu.memory_space<vmem>>
      %dma_wait3A_533 = tpu.memref_squeeze %dma_wait3A_532 : memref<1x50xi32, #tpu.memory_space<vmem>> -> memref<50xi32, #tpu.memory_space<vmem>>
      %dma_wait3A_534 = arith.constant 0 : i32
      %dma_wait3A_535 = arith.constant 0 : i32
      %dma_wait3A_536 = tpu.memref_slice %arg3[%dma_wait3A_534, %dma_wait3A_535] : memref<1000000x32xf32, #tpu.memory_space<hbm>> -> memref<1000000x32xf32, #tpu.memory_space<hbm>>
      tpu.wait_indirect_dma semaphore(%arg7 : memref<!tpu.dma_semaphore, #tpu.memory_space<semaphore_mem>>) src(%dma_wait3A_536 : memref<1000000x32xf32, #tpu.memory_space<hbm>>) dst(%dma_wait3A_530 : memref<50x32xf32, #tpu.memory_space<vmem>>)
      %dma_wait3A_537 = arith.constant 600 : i32
      %dma_wait3A_538 = arith.constant 0 : i32
      %dma_wait3A_539 = tpu.memref_slice %arg6[%dma_wait3A_537, %dma_wait3A_538] : memref<1600x32xf32, #tpu.memory_space<vmem>> -> memref<50x32xf32, #tpu.memory_space<vmem>>
      %dma_wait3A_540 = arith.constant 0 : i32
      %dma_wait3A_541 = tpu.memref_slice %arg5[%add3A_169, %dma_wait3A_540] : memref<512x50xi32, #tpu.memory_space<vmem>> -> memref<1x50xi32, #tpu.memory_space<vmem>>
      %dma_wait3A_542 = tpu.memref_squeeze %dma_wait3A_541 : memref<1x50xi32, #tpu.memory_space<vmem>> -> memref<50xi32, #tpu.memory_space<vmem>>
      %dma_wait3A_543 = arith.constant 0 : i32
      %dma_wait3A_544 = arith.constant 0 : i32
      %dma_wait3A_545 = tpu.memref_slice %arg3[%dma_wait3A_543, %dma_wait3A_544] : memref<1000000x32xf32, #tpu.memory_space<hbm>> -> memref<1000000x32xf32, #tpu.memory_space<hbm>>
      tpu.wait_indirect_dma semaphore(%arg7 : memref<!tpu.dma_semaphore, #tpu.memory_space<semaphore_mem>>) src(%dma_wait3A_545 : memref<1000000x32xf32, #tpu.memory_space<hbm>>) dst(%dma_wait3A_539 : memref<50x32xf32, #tpu.memory_space<vmem>>)
      %dma_wait3A_546 = arith.constant 650 : i32
      %dma_wait3A_547 = arith.constant 0 : i32
      %dma_wait3A_548 = tpu.memref_slice %arg6[%dma_wait3A_546, %dma_wait3A_547] : memref<1600x32xf32, #tpu.memory_space<vmem>> -> memref<50x32xf32, #tpu.memory_space<vmem>>
      %dma_wait3A_549 = arith.constant 0 : i32
      %dma_wait3A_550 = tpu.memref_slice %arg5[%add3A_182, %dma_wait3A_549] : memref<512x50xi32, #tpu.memory_space<vmem>> -> memref<1x50xi32, #tpu.memory_space<vmem>>
      %dma_wait3A_551 = tpu.memref_squeeze %dma_wait3A_550 : memref<1x50xi32, #tpu.memory_space<vmem>> -> memref<50xi32, #tpu.memory_space<vmem>>
      %dma_wait3A_552 = arith.constant 0 : i32
      %dma_wait3A_553 = arith.constant 0 : i32
      %dma_wait3A_554 = tpu.memref_slice %arg3[%dma_wait3A_552, %dma_wait3A_553] : memref<1000000x32xf32, #tpu.memory_space<hbm>> -> memref<1000000x32xf32, #tpu.memory_space<hbm>>
      tpu.wait_indirect_dma semaphore(%arg7 : memref<!tpu.dma_semaphore, #tpu.memory_space<semaphore_mem>>) src(%dma_wait3A_554 : memref<1000000x32xf32, #tpu.memory_space<hbm>>) dst(%dma_wait3A_548 : memref<50x32xf32, #tpu.memory_space<vmem>>)
      %dma_wait3A_555 = arith.constant 700 : i32
      %dma_wait3A_556 = arith.constant 0 : i32
      %dma_wait3A_557 = tpu.memref_slice %arg6[%dma_wait3A_555, %dma_wait3A_556] : memref<1600x32xf32, #tpu.memory_space<vmem>> -> memref<50x32xf32, #tpu.memory_space<vmem>>
      %dma_wait3A_558 = arith.constant 0 : i32
      %dma_wait3A_559 = tpu.memref_slice %arg5[%add3A_195, %dma_wait3A_558] : memref<512x50xi32, #tpu.memory_space<vmem>> -> memref<1x50xi32, #tpu.memory_space<vmem>>
      %dma_wait3A_560 = tpu.memref_squeeze %dma_wait3A_559 : memref<1x50xi32, #tpu.memory_space<vmem>> -> memref<50xi32, #tpu.memory_space<vmem>>
      %dma_wait3A_561 = arith.constant 0 : i32
      %dma_wait3A_562 = arith.constant 0 : i32
      %dma_wait3A_563 = tpu.memref_slice %arg3[%dma_wait3A_561, %dma_wait3A_562] : memref<1000000x32xf32, #tpu.memory_space<hbm>> -> memref<1000000x32xf32, #tpu.memory_space<hbm>>
      tpu.wait_indirect_dma semaphore(%arg7 : memref<!tpu.dma_semaphore, #tpu.memory_space<semaphore_mem>>) src(%dma_wait3A_563 : memref<1000000x32xf32, #tpu.memory_space<hbm>>) dst(%dma_wait3A_557 : memref<50x32xf32, #tpu.memory_space<vmem>>)
      %dma_wait3A_564 = arith.constant 750 : i32
      %dma_wait3A_565 = arith.constant 0 : i32
      %dma_wait3A_566 = tpu.memref_slice %arg6[%dma_wait3A_564, %dma_wait3A_565] : memref<1600x32xf32, #tpu.memory_space<vmem>> -> memref<50x32xf32, #tpu.memory_space<vmem>>
      %dma_wait3A_567 = arith.constant 0 : i32
      %dma_wait3A_568 = tpu.memref_slice %arg5[%add3A_208, %dma_wait3A_567] : memref<512x50xi32, #tpu.memory_space<vmem>> -> memref<1x50xi32, #tpu.memory_space<vmem>>
      %dma_wait3A_569 = tpu.memref_squeeze %dma_wait3A_568 : memref<1x50xi32, #tpu.memory_space<vmem>> -> memref<50xi32, #tpu.memory_space<vmem>>
      %dma_wait3A_570 = arith.constant 0 : i32
      %dma_wait3A_571 = arith.constant 0 : i32
      %dma_wait3A_572 = tpu.memref_slice %arg3[%dma_wait3A_570, %dma_wait3A_571] : memref<1000000x32xf32, #tpu.memory_space<hbm>> -> memref<1000000x32xf32, #tpu.memory_space<hbm>>
      tpu.wait_indirect_dma semaphore(%arg7 : memref<!tpu.dma_semaphore, #tpu.memory_space<semaphore_mem>>) src(%dma_wait3A_572 : memref<1000000x32xf32, #tpu.memory_space<hbm>>) dst(%dma_wait3A_566 : memref<50x32xf32, #tpu.memory_space<vmem>>)
      %mul3A_573 = arith.constant 2 : i32
      %mul3A_574 = arith.muli %mul3A_573, %scan3A_8 : i32
      %mul3A_575 = arith.constant 16 : i32
      %mul3A_576 = arith.muli %mul3A_574, %mul3A_575 : i32
      %add3A_577 = arith.addi %mul3A_2, %mul3A_576 : i32
      %add3A_578 = arith.constant 0 : i32
      %add3A_579 = arith.addi %add3A_577, %add3A_578 : i32
      %dma_start3A_580 = arith.constant 0 : i32
      %dma_start3A_581 = arith.constant 0 : i32
      %dma_start3A_582 = tpu.memref_slice %arg6[%dma_start3A_580, %dma_start3A_581] : memref<1600x32xf32, #tpu.memory_space<vmem>> -> memref<50x32xf32, #tpu.memory_space<vmem>>
      %dma_start3A_583 = arith.constant 0 : i32
      %dma_start3A_584 = arith.constant 0 : i32
      %dma_start3A_585 = tpu.memref_slice %arg4[%add3A_579, %dma_start3A_583, %dma_start3A_584] : memref<16384x50x32xf32, #tpu.memory_space<hbm>> -> memref<1x50x32xf32, #tpu.memory_space<hbm>>
      %dma_start3A_586 = tpu.memref_squeeze %dma_start3A_585 : memref<1x50x32xf32, #tpu.memory_space<hbm>> -> memref<50x32xf32, #tpu.memory_space<hbm>>
      %dma_start3A_587 = arith.constant 0 : i32
      %dma_start3A_588 = arith.constant 0 : i32
      %dma_start3A_589 = tpu.memref_slice %arg4[%add3A_579, %dma_start3A_587, %dma_start3A_588] : memref<16384x50x32xf32, #tpu.memory_space<hbm>> -> memref<1x50x32xf32, #tpu.memory_space<hbm>>
      %dma_start3A_590 = tpu.memref_squeeze %dma_start3A_589 : memref<1x50x32xf32, #tpu.memory_space<hbm>> -> memref<50x32xf32, #tpu.memory_space<hbm>>
      %dma_start3A_591 = arith.constant 0 : i32
      %dma_start3A_592 = arith.constant 0 : i32
      %dma_start3A_593 = tpu.memref_slice %arg6[%dma_start3A_591, %dma_start3A_592] : memref<1600x32xf32, #tpu.memory_space<vmem>> -> memref<50x32xf32, #tpu.memory_space<vmem>>
      tpu.enqueue_dma source(%dma_start3A_593 : memref<50x32xf32, #tpu.memory_space<vmem>>) target(%dma_start3A_590 : memref<50x32xf32, #tpu.memory_space<hbm>>) target_semaphore(%arg9 : memref<!tpu.dma_semaphore, #tpu.memory_space<semaphore_mem>>)
      %add3A_594 = arith.constant 1 : i32
      %add3A_595 = arith.addi %add3A_577, %add3A_594 : i32
      %dma_start3A_596 = arith.constant 50 : i32
      %dma_start3A_597 = arith.constant 0 : i32
      %dma_start3A_598 = tpu.memref_slice %arg6[%dma_start3A_596, %dma_start3A_597] : memref<1600x32xf32, #tpu.memory_space<vmem>> -> memref<50x32xf32, #tpu.memory_space<vmem>>
      %dma_start3A_599 = arith.constant 0 : i32
      %dma_start3A_600 = arith.constant 0 : i32
      %dma_start3A_601 = tpu.memref_slice %arg4[%add3A_595, %dma_start3A_599, %dma_start3A_600] : memref<16384x50x32xf32, #tpu.memory_space<hbm>> -> memref<1x50x32xf32, #tpu.memory_space<hbm>>
      %dma_start3A_602 = tpu.memref_squeeze %dma_start3A_601 : memref<1x50x32xf32, #tpu.memory_space<hbm>> -> memref<50x32xf32, #tpu.memory_space<hbm>>
      %dma_start3A_603 = arith.constant 0 : i32
      %dma_start3A_604 = arith.constant 0 : i32
      %dma_start3A_605 = tpu.memref_slice %arg4[%add3A_595, %dma_start3A_603, %dma_start3A_604] : memref<16384x50x32xf32, #tpu.memory_space<hbm>> -> memref<1x50x32xf32, #tpu.memory_space<hbm>>
      %dma_start3A_606 = tpu.memref_squeeze %dma_start3A_605 : memref<1x50x32xf32, #tpu.memory_space<hbm>> -> memref<50x32xf32, #tpu.memory_space<hbm>>
      %dma_start3A_607 = arith.constant 50 : i32
      %dma_start3A_608 = arith.constant 0 : i32
      %dma_start3A_609 = tpu.memref_slice %arg6[%dma_start3A_607, %dma_start3A_608] : memref<1600x32xf32, #tpu.memory_space<vmem>> -> memref<50x32xf32, #tpu.memory_space<vmem>>
      tpu.enqueue_dma source(%dma_start3A_609 : memref<50x32xf32, #tpu.memory_space<vmem>>) target(%dma_start3A_606 : memref<50x32xf32, #tpu.memory_space<hbm>>) target_semaphore(%arg9 : memref<!tpu.dma_semaphore, #tpu.memory_space<semaphore_mem>>)
      %add3A_610 = arith.constant 2 : i32
      %add3A_611 = arith.addi %add3A_577, %add3A_610 : i32
      %dma_start3A_612 = arith.constant 100 : i32
      %dma_start3A_613 = arith.constant 0 : i32
      %dma_start3A_614 = tpu.memref_slice %arg6[%dma_start3A_612, %dma_start3A_613] : memref<1600x32xf32, #tpu.memory_space<vmem>> -> memref<50x32xf32, #tpu.memory_space<vmem>>
      %dma_start3A_615 = arith.constant 0 : i32
      %dma_start3A_616 = arith.constant 0 : i32
      %dma_start3A_617 = tpu.memref_slice %arg4[%add3A_611, %dma_start3A_615, %dma_start3A_616] : memref<16384x50x32xf32, #tpu.memory_space<hbm>> -> memref<1x50x32xf32, #tpu.memory_space<hbm>>
      %dma_start3A_618 = tpu.memref_squeeze %dma_start3A_617 : memref<1x50x32xf32, #tpu.memory_space<hbm>> -> memref<50x32xf32, #tpu.memory_space<hbm>>
      %dma_start3A_619 = arith.constant 0 : i32
      %dma_start3A_620 = arith.constant 0 : i32
      %dma_start3A_621 = tpu.memref_slice %arg4[%add3A_611, %dma_start3A_619, %dma_start3A_620] : memref<16384x50x32xf32, #tpu.memory_space<hbm>> -> memref<1x50x32xf32, #tpu.memory_space<hbm>>
      %dma_start3A_622 = tpu.memref_squeeze %dma_start3A_621 : memref<1x50x32xf32, #tpu.memory_space<hbm>> -> memref<50x32xf32, #tpu.memory_space<hbm>>
      %dma_start3A_623 = arith.constant 100 : i32
      %dma_start3A_624 = arith.constant 0 : i32
      %dma_start3A_625 = tpu.memref_slice %arg6[%dma_start3A_623, %dma_start3A_624] : memref<1600x32xf32, #tpu.memory_space<vmem>> -> memref<50x32xf32, #tpu.memory_space<vmem>>
      tpu.enqueue_dma source(%dma_start3A_625 : memref<50x32xf32, #tpu.memory_space<vmem>>) target(%dma_start3A_622 : memref<50x32xf32, #tpu.memory_space<hbm>>) target_semaphore(%arg9 : memref<!tpu.dma_semaphore, #tpu.memory_space<semaphore_mem>>)
      %add3A_626 = arith.constant 3 : i32
      %add3A_627 = arith.addi %add3A_577, %add3A_626 : i32
      %dma_start3A_628 = arith.constant 150 : i32
      %dma_start3A_629 = arith.constant 0 : i32
      %dma_start3A_630 = tpu.memref_slice %arg6[%dma_start3A_628, %dma_start3A_629] : memref<1600x32xf32, #tpu.memory_space<vmem>> -> memref<50x32xf32, #tpu.memory_space<vmem>>
      %dma_start3A_631 = arith.constant 0 : i32
      %dma_start3A_632 = arith.constant 0 : i32
      %dma_start3A_633 = tpu.memref_slice %arg4[%add3A_627, %dma_start3A_631, %dma_start3A_632] : memref<16384x50x32xf32, #tpu.memory_space<hbm>> -> memref<1x50x32xf32, #tpu.memory_space<hbm>>
      %dma_start3A_634 = tpu.memref_squeeze %dma_start3A_633 : memref<1x50x32xf32, #tpu.memory_space<hbm>> -> memref<50x32xf32, #tpu.memory_space<hbm>>
      %dma_start3A_635 = arith.constant 0 : i32
      %dma_start3A_636 = arith.constant 0 : i32
      %dma_start3A_637 = tpu.memref_slice %arg4[%add3A_627, %dma_start3A_635, %dma_start3A_636] : memref<16384x50x32xf32, #tpu.memory_space<hbm>> -> memref<1x50x32xf32, #tpu.memory_space<hbm>>
      %dma_start3A_638 = tpu.memref_squeeze %dma_start3A_637 : memref<1x50x32xf32, #tpu.memory_space<hbm>> -> memref<50x32xf32, #tpu.memory_space<hbm>>
      %dma_start3A_639 = arith.constant 150 : i32
      %dma_start3A_640 = arith.constant 0 : i32
      %dma_start3A_641 = tpu.memref_slice %arg6[%dma_start3A_639, %dma_start3A_640] : memref<1600x32xf32, #tpu.memory_space<vmem>> -> memref<50x32xf32, #tpu.memory_space<vmem>>
      tpu.enqueue_dma source(%dma_start3A_641 : memref<50x32xf32, #tpu.memory_space<vmem>>) target(%dma_start3A_638 : memref<50x32xf32, #tpu.memory_space<hbm>>) target_semaphore(%arg9 : memref<!tpu.dma_semaphore, #tpu.memory_space<semaphore_mem>>)
      %add3A_642 = arith.constant 4 : i32
      %add3A_643 = arith.addi %add3A_577, %add3A_642 : i32
      %dma_start3A_644 = arith.constant 200 : i32
      %dma_start3A_645 = arith.constant 0 : i32
      %dma_start3A_646 = tpu.memref_slice %arg6[%dma_start3A_644, %dma_start3A_645] : memref<1600x32xf32, #tpu.memory_space<vmem>> -> memref<50x32xf32, #tpu.memory_space<vmem>>
      %dma_start3A_647 = arith.constant 0 : i32
      %dma_start3A_648 = arith.constant 0 : i32
      %dma_start3A_649 = tpu.memref_slice %arg4[%add3A_643, %dma_start3A_647, %dma_start3A_648] : memref<16384x50x32xf32, #tpu.memory_space<hbm>> -> memref<1x50x32xf32, #tpu.memory_space<hbm>>
      %dma_start3A_650 = tpu.memref_squeeze %dma_start3A_649 : memref<1x50x32xf32, #tpu.memory_space<hbm>> -> memref<50x32xf32, #tpu.memory_space<hbm>>
      %dma_start3A_651 = arith.constant 0 : i32
      %dma_start3A_652 = arith.constant 0 : i32
      %dma_start3A_653 = tpu.memref_slice %arg4[%add3A_643, %dma_start3A_651, %dma_start3A_652] : memref<16384x50x32xf32, #tpu.memory_space<hbm>> -> memref<1x50x32xf32, #tpu.memory_space<hbm>>
      %dma_start3A_654 = tpu.memref_squeeze %dma_start3A_653 : memref<1x50x32xf32, #tpu.memory_space<hbm>> -> memref<50x32xf32, #tpu.memory_space<hbm>>
      %dma_start3A_655 = arith.constant 200 : i32
      %dma_start3A_656 = arith.constant 0 : i32
      %dma_start3A_657 = tpu.memref_slice %arg6[%dma_start3A_655, %dma_start3A_656] : memref<1600x32xf32, #tpu.memory_space<vmem>> -> memref<50x32xf32, #tpu.memory_space<vmem>>
      tpu.enqueue_dma source(%dma_start3A_657 : memref<50x32xf32, #tpu.memory_space<vmem>>) target(%dma_start3A_654 : memref<50x32xf32, #tpu.memory_space<hbm>>) target_semaphore(%arg9 : memref<!tpu.dma_semaphore, #tpu.memory_space<semaphore_mem>>)
      %add3A_658 = arith.constant 5 : i32
      %add3A_659 = arith.addi %add3A_577, %add3A_658 : i32
      %dma_start3A_660 = arith.constant 250 : i32
      %dma_start3A_661 = arith.constant 0 : i32
      %dma_start3A_662 = tpu.memref_slice %arg6[%dma_start3A_660, %dma_start3A_661] : memref<1600x32xf32, #tpu.memory_space<vmem>> -> memref<50x32xf32, #tpu.memory_space<vmem>>
      %dma_start3A_663 = arith.constant 0 : i32
      %dma_start3A_664 = arith.constant 0 : i32
      %dma_start3A_665 = tpu.memref_slice %arg4[%add3A_659, %dma_start3A_663, %dma_start3A_664] : memref<16384x50x32xf32, #tpu.memory_space<hbm>> -> memref<1x50x32xf32, #tpu.memory_space<hbm>>
      %dma_start3A_666 = tpu.memref_squeeze %dma_start3A_665 : memref<1x50x32xf32, #tpu.memory_space<hbm>> -> memref<50x32xf32, #tpu.memory_space<hbm>>
      %dma_start3A_667 = arith.constant 0 : i32
      %dma_start3A_668 = arith.constant 0 : i32
      %dma_start3A_669 = tpu.memref_slice %arg4[%add3A_659, %dma_start3A_667, %dma_start3A_668] : memref<16384x50x32xf32, #tpu.memory_space<hbm>> -> memref<1x50x32xf32, #tpu.memory_space<hbm>>
      %dma_start3A_670 = tpu.memref_squeeze %dma_start3A_669 : memref<1x50x32xf32, #tpu.memory_space<hbm>> -> memref<50x32xf32, #tpu.memory_space<hbm>>
      %dma_start3A_671 = arith.constant 250 : i32
      %dma_start3A_672 = arith.constant 0 : i32
      %dma_start3A_673 = tpu.memref_slice %arg6[%dma_start3A_671, %dma_start3A_672] : memref<1600x32xf32, #tpu.memory_space<vmem>> -> memref<50x32xf32, #tpu.memory_space<vmem>>
      tpu.enqueue_dma source(%dma_start3A_673 : memref<50x32xf32, #tpu.memory_space<vmem>>) target(%dma_start3A_670 : memref<50x32xf32, #tpu.memory_space<hbm>>) target_semaphore(%arg9 : memref<!tpu.dma_semaphore, #tpu.memory_space<semaphore_mem>>)
      %add3A_674 = arith.constant 6 : i32
      %add3A_675 = arith.addi %add3A_577, %add3A_674 : i32
      %dma_start3A_676 = arith.constant 300 : i32
      %dma_start3A_677 = arith.constant 0 : i32
      %dma_start3A_678 = tpu.memref_slice %arg6[%dma_start3A_676, %dma_start3A_677] : memref<1600x32xf32, #tpu.memory_space<vmem>> -> memref<50x32xf32, #tpu.memory_space<vmem>>
      %dma_start3A_679 = arith.constant 0 : i32
      %dma_start3A_680 = arith.constant 0 : i32
      %dma_start3A_681 = tpu.memref_slice %arg4[%add3A_675, %dma_start3A_679, %dma_start3A_680] : memref<16384x50x32xf32, #tpu.memory_space<hbm>> -> memref<1x50x32xf32, #tpu.memory_space<hbm>>
      %dma_start3A_682 = tpu.memref_squeeze %dma_start3A_681 : memref<1x50x32xf32, #tpu.memory_space<hbm>> -> memref<50x32xf32, #tpu.memory_space<hbm>>
      %dma_start3A_683 = arith.constant 0 : i32
      %dma_start3A_684 = arith.constant 0 : i32
      %dma_start3A_685 = tpu.memref_slice %arg4[%add3A_675, %dma_start3A_683, %dma_start3A_684] : memref<16384x50x32xf32, #tpu.memory_space<hbm>> -> memref<1x50x32xf32, #tpu.memory_space<hbm>>
      %dma_start3A_686 = tpu.memref_squeeze %dma_start3A_685 : memref<1x50x32xf32, #tpu.memory_space<hbm>> -> memref<50x32xf32, #tpu.memory_space<hbm>>
      %dma_start3A_687 = arith.constant 300 : i32
      %dma_start3A_688 = arith.constant 0 : i32
      %dma_start3A_689 = tpu.memref_slice %arg6[%dma_start3A_687, %dma_start3A_688] : memref<1600x32xf32, #tpu.memory_space<vmem>> -> memref<50x32xf32, #tpu.memory_space<vmem>>
      tpu.enqueue_dma source(%dma_start3A_689 : memref<50x32xf32, #tpu.memory_space<vmem>>) target(%dma_start3A_686 : memref<50x32xf32, #tpu.memory_space<hbm>>) target_semaphore(%arg9 : memref<!tpu.dma_semaphore, #tpu.memory_space<semaphore_mem>>)
      %add3A_690 = arith.constant 7 : i32
      %add3A_691 = arith.addi %add3A_577, %add3A_690 : i32
      %dma_start3A_692 = arith.constant 350 : i32
      %dma_start3A_693 = arith.constant 0 : i32
      %dma_start3A_694 = tpu.memref_slice %arg6[%dma_start3A_692, %dma_start3A_693] : memref<1600x32xf32, #tpu.memory_space<vmem>> -> memref<50x32xf32, #tpu.memory_space<vmem>>
      %dma_start3A_695 = arith.constant 0 : i32
      %dma_start3A_696 = arith.constant 0 : i32
      %dma_start3A_697 = tpu.memref_slice %arg4[%add3A_691, %dma_start3A_695, %dma_start3A_696] : memref<16384x50x32xf32, #tpu.memory_space<hbm>> -> memref<1x50x32xf32, #tpu.memory_space<hbm>>
      %dma_start3A_698 = tpu.memref_squeeze %dma_start3A_697 : memref<1x50x32xf32, #tpu.memory_space<hbm>> -> memref<50x32xf32, #tpu.memory_space<hbm>>
      %dma_start3A_699 = arith.constant 0 : i32
      %dma_start3A_700 = arith.constant 0 : i32
      %dma_start3A_701 = tpu.memref_slice %arg4[%add3A_691, %dma_start3A_699, %dma_start3A_700] : memref<16384x50x32xf32, #tpu.memory_space<hbm>> -> memref<1x50x32xf32, #tpu.memory_space<hbm>>
      %dma_start3A_702 = tpu.memref_squeeze %dma_start3A_701 : memref<1x50x32xf32, #tpu.memory_space<hbm>> -> memref<50x32xf32, #tpu.memory_space<hbm>>
      %dma_start3A_703 = arith.constant 350 : i32
      %dma_start3A_704 = arith.constant 0 : i32
      %dma_start3A_705 = tpu.memref_slice %arg6[%dma_start3A_703, %dma_start3A_704] : memref<1600x32xf32, #tpu.memory_space<vmem>> -> memref<50x32xf32, #tpu.memory_space<vmem>>
      tpu.enqueue_dma source(%dma_start3A_705 : memref<50x32xf32, #tpu.memory_space<vmem>>) target(%dma_start3A_702 : memref<50x32xf32, #tpu.memory_space<hbm>>) target_semaphore(%arg9 : memref<!tpu.dma_semaphore, #tpu.memory_space<semaphore_mem>>)
      %add3A_706 = arith.constant 8 : i32
      %add3A_707 = arith.addi %add3A_577, %add3A_706 : i32
      %dma_start3A_708 = arith.constant 400 : i32
      %dma_start3A_709 = arith.constant 0 : i32
      %dma_start3A_710 = tpu.memref_slice %arg6[%dma_start3A_708, %dma_start3A_709] : memref<1600x32xf32, #tpu.memory_space<vmem>> -> memref<50x32xf32, #tpu.memory_space<vmem>>
      %dma_start3A_711 = arith.constant 0 : i32
      %dma_start3A_712 = arith.constant 0 : i32
      %dma_start3A_713 = tpu.memref_slice %arg4[%add3A_707, %dma_start3A_711, %dma_start3A_712] : memref<16384x50x32xf32, #tpu.memory_space<hbm>> -> memref<1x50x32xf32, #tpu.memory_space<hbm>>
      %dma_start3A_714 = tpu.memref_squeeze %dma_start3A_713 : memref<1x50x32xf32, #tpu.memory_space<hbm>> -> memref<50x32xf32, #tpu.memory_space<hbm>>
      %dma_start3A_715 = arith.constant 0 : i32
      %dma_start3A_716 = arith.constant 0 : i32
      %dma_start3A_717 = tpu.memref_slice %arg4[%add3A_707, %dma_start3A_715, %dma_start3A_716] : memref<16384x50x32xf32, #tpu.memory_space<hbm>> -> memref<1x50x32xf32, #tpu.memory_space<hbm>>
      %dma_start3A_718 = tpu.memref_squeeze %dma_start3A_717 : memref<1x50x32xf32, #tpu.memory_space<hbm>> -> memref<50x32xf32, #tpu.memory_space<hbm>>
      %dma_start3A_719 = arith.constant 400 : i32
      %dma_start3A_720 = arith.constant 0 : i32
      %dma_start3A_721 = tpu.memref_slice %arg6[%dma_start3A_719, %dma_start3A_720] : memref<1600x32xf32, #tpu.memory_space<vmem>> -> memref<50x32xf32, #tpu.memory_space<vmem>>
      tpu.enqueue_dma source(%dma_start3A_721 : memref<50x32xf32, #tpu.memory_space<vmem>>) target(%dma_start3A_718 : memref<50x32xf32, #tpu.memory_space<hbm>>) target_semaphore(%arg9 : memref<!tpu.dma_semaphore, #tpu.memory_space<semaphore_mem>>)
      %add3A_722 = arith.constant 9 : i32
      %add3A_723 = arith.addi %add3A_577, %add3A_722 : i32
      %dma_start3A_724 = arith.constant 450 : i32
      %dma_start3A_725 = arith.constant 0 : i32
      %dma_start3A_726 = tpu.memref_slice %arg6[%dma_start3A_724, %dma_start3A_725] : memref<1600x32xf32, #tpu.memory_space<vmem>> -> memref<50x32xf32, #tpu.memory_space<vmem>>
      %dma_start3A_727 = arith.constant 0 : i32
      %dma_start3A_728 = arith.constant 0 : i32
      %dma_start3A_729 = tpu.memref_slice %arg4[%add3A_723, %dma_start3A_727, %dma_start3A_728] : memref<16384x50x32xf32, #tpu.memory_space<hbm>> -> memref<1x50x32xf32, #tpu.memory_space<hbm>>
      %dma_start3A_730 = tpu.memref_squeeze %dma_start3A_729 : memref<1x50x32xf32, #tpu.memory_space<hbm>> -> memref<50x32xf32, #tpu.memory_space<hbm>>
      %dma_start3A_731 = arith.constant 0 : i32
      %dma_start3A_732 = arith.constant 0 : i32
      %dma_start3A_733 = tpu.memref_slice %arg4[%add3A_723, %dma_start3A_731, %dma_start3A_732] : memref<16384x50x32xf32, #tpu.memory_space<hbm>> -> memref<1x50x32xf32, #tpu.memory_space<hbm>>
      %dma_start3A_734 = tpu.memref_squeeze %dma_start3A_733 : memref<1x50x32xf32, #tpu.memory_space<hbm>> -> memref<50x32xf32, #tpu.memory_space<hbm>>
      %dma_start3A_735 = arith.constant 450 : i32
      %dma_start3A_736 = arith.constant 0 : i32
      %dma_start3A_737 = tpu.memref_slice %arg6[%dma_start3A_735, %dma_start3A_736] : memref<1600x32xf32, #tpu.memory_space<vmem>> -> memref<50x32xf32, #tpu.memory_space<vmem>>
      tpu.enqueue_dma source(%dma_start3A_737 : memref<50x32xf32, #tpu.memory_space<vmem>>) target(%dma_start3A_734 : memref<50x32xf32, #tpu.memory_space<hbm>>) target_semaphore(%arg9 : memref<!tpu.dma_semaphore, #tpu.memory_space<semaphore_mem>>)
      %add3A_738 = arith.constant 10 : i32
      %add3A_739 = arith.addi %add3A_577, %add3A_738 : i32
      %dma_start3A_740 = arith.constant 500 : i32
      %dma_start3A_741 = arith.constant 0 : i32
      %dma_start3A_742 = tpu.memref_slice %arg6[%dma_start3A_740, %dma_start3A_741] : memref<1600x32xf32, #tpu.memory_space<vmem>> -> memref<50x32xf32, #tpu.memory_space<vmem>>
      %dma_start3A_743 = arith.constant 0 : i32
      %dma_start3A_744 = arith.constant 0 : i32
      %dma_start3A_745 = tpu.memref_slice %arg4[%add3A_739, %dma_start3A_743, %dma_start3A_744] : memref<16384x50x32xf32, #tpu.memory_space<hbm>> -> memref<1x50x32xf32, #tpu.memory_space<hbm>>
      %dma_start3A_746 = tpu.memref_squeeze %dma_start3A_745 : memref<1x50x32xf32, #tpu.memory_space<hbm>> -> memref<50x32xf32, #tpu.memory_space<hbm>>
      %dma_start3A_747 = arith.constant 0 : i32
      %dma_start3A_748 = arith.constant 0 : i32
      %dma_start3A_749 = tpu.memref_slice %arg4[%add3A_739, %dma_start3A_747, %dma_start3A_748] : memref<16384x50x32xf32, #tpu.memory_space<hbm>> -> memref<1x50x32xf32, #tpu.memory_space<hbm>>
      %dma_start3A_750 = tpu.memref_squeeze %dma_start3A_749 : memref<1x50x32xf32, #tpu.memory_space<hbm>> -> memref<50x32xf32, #tpu.memory_space<hbm>>
      %dma_start3A_751 = arith.constant 500 : i32
      %dma_start3A_752 = arith.constant 0 : i32
      %dma_start3A_753 = tpu.memref_slice %arg6[%dma_start3A_751, %dma_start3A_752] : memref<1600x32xf32, #tpu.memory_space<vmem>> -> memref<50x32xf32, #tpu.memory_space<vmem>>
      tpu.enqueue_dma source(%dma_start3A_753 : memref<50x32xf32, #tpu.memory_space<vmem>>) target(%dma_start3A_750 : memref<50x32xf32, #tpu.memory_space<hbm>>) target_semaphore(%arg9 : memref<!tpu.dma_semaphore, #tpu.memory_space<semaphore_mem>>)
      %add3A_754 = arith.constant 11 : i32
      %add3A_755 = arith.addi %add3A_577, %add3A_754 : i32
      %dma_start3A_756 = arith.constant 550 : i32
      %dma_start3A_757 = arith.constant 0 : i32
      %dma_start3A_758 = tpu.memref_slice %arg6[%dma_start3A_756, %dma_start3A_757] : memref<1600x32xf32, #tpu.memory_space<vmem>> -> memref<50x32xf32, #tpu.memory_space<vmem>>
      %dma_start3A_759 = arith.constant 0 : i32
      %dma_start3A_760 = arith.constant 0 : i32
      %dma_start3A_761 = tpu.memref_slice %arg4[%add3A_755, %dma_start3A_759, %dma_start3A_760] : memref<16384x50x32xf32, #tpu.memory_space<hbm>> -> memref<1x50x32xf32, #tpu.memory_space<hbm>>
      %dma_start3A_762 = tpu.memref_squeeze %dma_start3A_761 : memref<1x50x32xf32, #tpu.memory_space<hbm>> -> memref<50x32xf32, #tpu.memory_space<hbm>>
      %dma_start3A_763 = arith.constant 0 : i32
      %dma_start3A_764 = arith.constant 0 : i32
      %dma_start3A_765 = tpu.memref_slice %arg4[%add3A_755, %dma_start3A_763, %dma_start3A_764] : memref<16384x50x32xf32, #tpu.memory_space<hbm>> -> memref<1x50x32xf32, #tpu.memory_space<hbm>>
      %dma_start3A_766 = tpu.memref_squeeze %dma_start3A_765 : memref<1x50x32xf32, #tpu.memory_space<hbm>> -> memref<50x32xf32, #tpu.memory_space<hbm>>
      %dma_start3A_767 = arith.constant 550 : i32
      %dma_start3A_768 = arith.constant 0 : i32
      %dma_start3A_769 = tpu.memref_slice %arg6[%dma_start3A_767, %dma_start3A_768] : memref<1600x32xf32, #tpu.memory_space<vmem>> -> memref<50x32xf32, #tpu.memory_space<vmem>>
      tpu.enqueue_dma source(%dma_start3A_769 : memref<50x32xf32, #tpu.memory_space<vmem>>) target(%dma_start3A_766 : memref<50x32xf32, #tpu.memory_space<hbm>>) target_semaphore(%arg9 : memref<!tpu.dma_semaphore, #tpu.memory_space<semaphore_mem>>)
      %add3A_770 = arith.constant 12 : i32
      %add3A_771 = arith.addi %add3A_577, %add3A_770 : i32
      %dma_start3A_772 = arith.constant 600 : i32
      %dma_start3A_773 = arith.constant 0 : i32
      %dma_start3A_774 = tpu.memref_slice %arg6[%dma_start3A_772, %dma_start3A_773] : memref<1600x32xf32, #tpu.memory_space<vmem>> -> memref<50x32xf32, #tpu.memory_space<vmem>>
      %dma_start3A_775 = arith.constant 0 : i32
      %dma_start3A_776 = arith.constant 0 : i32
      %dma_start3A_777 = tpu.memref_slice %arg4[%add3A_771, %dma_start3A_775, %dma_start3A_776] : memref<16384x50x32xf32, #tpu.memory_space<hbm>> -> memref<1x50x32xf32, #tpu.memory_space<hbm>>
      %dma_start3A_778 = tpu.memref_squeeze %dma_start3A_777 : memref<1x50x32xf32, #tpu.memory_space<hbm>> -> memref<50x32xf32, #tpu.memory_space<hbm>>
      %dma_start3A_779 = arith.constant 0 : i32
      %dma_start3A_780 = arith.constant 0 : i32
      %dma_start3A_781 = tpu.memref_slice %arg4[%add3A_771, %dma_start3A_779, %dma_start3A_780] : memref<16384x50x32xf32, #tpu.memory_space<hbm>> -> memref<1x50x32xf32, #tpu.memory_space<hbm>>
      %dma_start3A_782 = tpu.memref_squeeze %dma_start3A_781 : memref<1x50x32xf32, #tpu.memory_space<hbm>> -> memref<50x32xf32, #tpu.memory_space<hbm>>
      %dma_start3A_783 = arith.constant 600 : i32
      %dma_start3A_784 = arith.constant 0 : i32
      %dma_start3A_785 = tpu.memref_slice %arg6[%dma_start3A_783, %dma_start3A_784] : memref<1600x32xf32, #tpu.memory_space<vmem>> -> memref<50x32xf32, #tpu.memory_space<vmem>>
      tpu.enqueue_dma source(%dma_start3A_785 : memref<50x32xf32, #tpu.memory_space<vmem>>) target(%dma_start3A_782 : memref<50x32xf32, #tpu.memory_space<hbm>>) target_semaphore(%arg9 : memref<!tpu.dma_semaphore, #tpu.memory_space<semaphore_mem>>)
      %add3A_786 = arith.constant 13 : i32
      %add3A_787 = arith.addi %add3A_577, %add3A_786 : i32
      %dma_start3A_788 = arith.constant 650 : i32
      %dma_start3A_789 = arith.constant 0 : i32
      %dma_start3A_790 = tpu.memref_slice %arg6[%dma_start3A_788, %dma_start3A_789] : memref<1600x32xf32, #tpu.memory_space<vmem>> -> memref<50x32xf32, #tpu.memory_space<vmem>>
      %dma_start3A_791 = arith.constant 0 : i32
      %dma_start3A_792 = arith.constant 0 : i32
      %dma_start3A_793 = tpu.memref_slice %arg4[%add3A_787, %dma_start3A_791, %dma_start3A_792] : memref<16384x50x32xf32, #tpu.memory_space<hbm>> -> memref<1x50x32xf32, #tpu.memory_space<hbm>>
      %dma_start3A_794 = tpu.memref_squeeze %dma_start3A_793 : memref<1x50x32xf32, #tpu.memory_space<hbm>> -> memref<50x32xf32, #tpu.memory_space<hbm>>
      %dma_start3A_795 = arith.constant 0 : i32
      %dma_start3A_796 = arith.constant 0 : i32
      %dma_start3A_797 = tpu.memref_slice %arg4[%add3A_787, %dma_start3A_795, %dma_start3A_796] : memref<16384x50x32xf32, #tpu.memory_space<hbm>> -> memref<1x50x32xf32, #tpu.memory_space<hbm>>
      %dma_start3A_798 = tpu.memref_squeeze %dma_start3A_797 : memref<1x50x32xf32, #tpu.memory_space<hbm>> -> memref<50x32xf32, #tpu.memory_space<hbm>>
      %dma_start3A_799 = arith.constant 650 : i32
      %dma_start3A_800 = arith.constant 0 : i32
      %dma_start3A_801 = tpu.memref_slice %arg6[%dma_start3A_799, %dma_start3A_800] : memref<1600x32xf32, #tpu.memory_space<vmem>> -> memref<50x32xf32, #tpu.memory_space<vmem>>
      tpu.enqueue_dma source(%dma_start3A_801 : memref<50x32xf32, #tpu.memory_space<vmem>>) target(%dma_start3A_798 : memref<50x32xf32, #tpu.memory_space<hbm>>) target_semaphore(%arg9 : memref<!tpu.dma_semaphore, #tpu.memory_space<semaphore_mem>>)
      %add3A_802 = arith.constant 14 : i32
      %add3A_803 = arith.addi %add3A_577, %add3A_802 : i32
      %dma_start3A_804 = arith.constant 700 : i32
      %dma_start3A_805 = arith.constant 0 : i32
      %dma_start3A_806 = tpu.memref_slice %arg6[%dma_start3A_804, %dma_start3A_805] : memref<1600x32xf32, #tpu.memory_space<vmem>> -> memref<50x32xf32, #tpu.memory_space<vmem>>
      %dma_start3A_807 = arith.constant 0 : i32
      %dma_start3A_808 = arith.constant 0 : i32
      %dma_start3A_809 = tpu.memref_slice %arg4[%add3A_803, %dma_start3A_807, %dma_start3A_808] : memref<16384x50x32xf32, #tpu.memory_space<hbm>> -> memref<1x50x32xf32, #tpu.memory_space<hbm>>
      %dma_start3A_810 = tpu.memref_squeeze %dma_start3A_809 : memref<1x50x32xf32, #tpu.memory_space<hbm>> -> memref<50x32xf32, #tpu.memory_space<hbm>>
      %dma_start3A_811 = arith.constant 0 : i32
      %dma_start3A_812 = arith.constant 0 : i32
      %dma_start3A_813 = tpu.memref_slice %arg4[%add3A_803, %dma_start3A_811, %dma_start3A_812] : memref<16384x50x32xf32, #tpu.memory_space<hbm>> -> memref<1x50x32xf32, #tpu.memory_space<hbm>>
      %dma_start3A_814 = tpu.memref_squeeze %dma_start3A_813 : memref<1x50x32xf32, #tpu.memory_space<hbm>> -> memref<50x32xf32, #tpu.memory_space<hbm>>
      %dma_start3A_815 = arith.constant 700 : i32
      %dma_start3A_816 = arith.constant 0 : i32
      %dma_start3A_817 = tpu.memref_slice %arg6[%dma_start3A_815, %dma_start3A_816] : memref<1600x32xf32, #tpu.memory_space<vmem>> -> memref<50x32xf32, #tpu.memory_space<vmem>>
      tpu.enqueue_dma source(%dma_start3A_817 : memref<50x32xf32, #tpu.memory_space<vmem>>) target(%dma_start3A_814 : memref<50x32xf32, #tpu.memory_space<hbm>>) target_semaphore(%arg9 : memref<!tpu.dma_semaphore, #tpu.memory_space<semaphore_mem>>)
      %add3A_818 = arith.constant 15 : i32
      %add3A_819 = arith.addi %add3A_577, %add3A_818 : i32
      %dma_start3A_820 = arith.constant 750 : i32
      %dma_start3A_821 = arith.constant 0 : i32
      %dma_start3A_822 = tpu.memref_slice %arg6[%dma_start3A_820, %dma_start3A_821] : memref<1600x32xf32, #tpu.memory_space<vmem>> -> memref<50x32xf32, #tpu.memory_space<vmem>>
      %dma_start3A_823 = arith.constant 0 : i32
      %dma_start3A_824 = arith.constant 0 : i32
      %dma_start3A_825 = tpu.memref_slice %arg4[%add3A_819, %dma_start3A_823, %dma_start3A_824] : memref<16384x50x32xf32, #tpu.memory_space<hbm>> -> memref<1x50x32xf32, #tpu.memory_space<hbm>>
      %dma_start3A_826 = tpu.memref_squeeze %dma_start3A_825 : memref<1x50x32xf32, #tpu.memory_space<hbm>> -> memref<50x32xf32, #tpu.memory_space<hbm>>
      %dma_start3A_827 = arith.constant 0 : i32
      %dma_start3A_828 = arith.constant 0 : i32
      %dma_start3A_829 = tpu.memref_slice %arg4[%add3A_819, %dma_start3A_827, %dma_start3A_828] : memref<16384x50x32xf32, #tpu.memory_space<hbm>> -> memref<1x50x32xf32, #tpu.memory_space<hbm>>
      %dma_start3A_830 = tpu.memref_squeeze %dma_start3A_829 : memref<1x50x32xf32, #tpu.memory_space<hbm>> -> memref<50x32xf32, #tpu.memory_space<hbm>>
      %dma_start3A_831 = arith.constant 750 : i32
      %dma_start3A_832 = arith.constant 0 : i32
      %dma_start3A_833 = tpu.memref_slice %arg6[%dma_start3A_831, %dma_start3A_832] : memref<1600x32xf32, #tpu.memory_space<vmem>> -> memref<50x32xf32, #tpu.memory_space<vmem>>
      tpu.enqueue_dma source(%dma_start3A_833 : memref<50x32xf32, #tpu.memory_space<vmem>>) target(%dma_start3A_830 : memref<50x32xf32, #tpu.memory_space<hbm>>) target_semaphore(%arg9 : memref<!tpu.dma_semaphore, #tpu.memory_space<semaphore_mem>>)
      %dma_wait3A_834 = arith.constant 800 : i32
      %dma_wait3A_835 = arith.constant 0 : i32
      %dma_wait3A_836 = tpu.memref_slice %arg6[%dma_wait3A_834, %dma_wait3A_835] : memref<1600x32xf32, #tpu.memory_space<vmem>> -> memref<50x32xf32, #tpu.memory_space<vmem>>
      %dma_wait3A_837 = arith.constant 0 : i32
      %dma_wait3A_838 = tpu.memref_slice %arg5[%add3A_225, %dma_wait3A_837] : memref<512x50xi32, #tpu.memory_space<vmem>> -> memref<1x50xi32, #tpu.memory_space<vmem>>
      %dma_wait3A_839 = tpu.memref_squeeze %dma_wait3A_838 : memref<1x50xi32, #tpu.memory_space<vmem>> -> memref<50xi32, #tpu.memory_space<vmem>>
      %dma_wait3A_840 = arith.constant 0 : i32
      %dma_wait3A_841 = arith.constant 0 : i32
      %dma_wait3A_842 = tpu.memref_slice %arg3[%dma_wait3A_840, %dma_wait3A_841] : memref<1000000x32xf32, #tpu.memory_space<hbm>> -> memref<1000000x32xf32, #tpu.memory_space<hbm>>
      tpu.wait_indirect_dma semaphore(%arg8 : memref<!tpu.dma_semaphore, #tpu.memory_space<semaphore_mem>>) src(%dma_wait3A_842 : memref<1000000x32xf32, #tpu.memory_space<hbm>>) dst(%dma_wait3A_836 : memref<50x32xf32, #tpu.memory_space<vmem>>)
      %dma_wait3A_843 = arith.constant 850 : i32
      %dma_wait3A_844 = arith.constant 0 : i32
      %dma_wait3A_845 = tpu.memref_slice %arg6[%dma_wait3A_843, %dma_wait3A_844] : memref<1600x32xf32, #tpu.memory_space<vmem>> -> memref<50x32xf32, #tpu.memory_space<vmem>>
      %dma_wait3A_846 = arith.constant 0 : i32
      %dma_wait3A_847 = tpu.memref_slice %arg5[%add3A_238, %dma_wait3A_846] : memref<512x50xi32, #tpu.memory_space<vmem>> -> memref<1x50xi32, #tpu.memory_space<vmem>>
      %dma_wait3A_848 = tpu.memref_squeeze %dma_wait3A_847 : memref<1x50xi32, #tpu.memory_space<vmem>> -> memref<50xi32, #tpu.memory_space<vmem>>
      %dma_wait3A_849 = arith.constant 0 : i32
      %dma_wait3A_850 = arith.constant 0 : i32
      %dma_wait3A_851 = tpu.memref_slice %arg3[%dma_wait3A_849, %dma_wait3A_850] : memref<1000000x32xf32, #tpu.memory_space<hbm>> -> memref<1000000x32xf32, #tpu.memory_space<hbm>>
      tpu.wait_indirect_dma semaphore(%arg8 : memref<!tpu.dma_semaphore, #tpu.memory_space<semaphore_mem>>) src(%dma_wait3A_851 : memref<1000000x32xf32, #tpu.memory_space<hbm>>) dst(%dma_wait3A_845 : memref<50x32xf32, #tpu.memory_space<vmem>>)
      %dma_wait3A_852 = arith.constant 900 : i32
      %dma_wait3A_853 = arith.constant 0 : i32
      %dma_wait3A_854 = tpu.memref_slice %arg6[%dma_wait3A_852, %dma_wait3A_853] : memref<1600x32xf32, #tpu.memory_space<vmem>> -> memref<50x32xf32, #tpu.memory_space<vmem>>
      %dma_wait3A_855 = arith.constant 0 : i32
      %dma_wait3A_856 = tpu.memref_slice %arg5[%add3A_251, %dma_wait3A_855] : memref<512x50xi32, #tpu.memory_space<vmem>> -> memref<1x50xi32, #tpu.memory_space<vmem>>
      %dma_wait3A_857 = tpu.memref_squeeze %dma_wait3A_856 : memref<1x50xi32, #tpu.memory_space<vmem>> -> memref<50xi32, #tpu.memory_space<vmem>>
      %dma_wait3A_858 = arith.constant 0 : i32
      %dma_wait3A_859 = arith.constant 0 : i32
      %dma_wait3A_860 = tpu.memref_slice %arg3[%dma_wait3A_858, %dma_wait3A_859] : memref<1000000x32xf32, #tpu.memory_space<hbm>> -> memref<1000000x32xf32, #tpu.memory_space<hbm>>
      tpu.wait_indirect_dma semaphore(%arg8 : memref<!tpu.dma_semaphore, #tpu.memory_space<semaphore_mem>>) src(%dma_wait3A_860 : memref<1000000x32xf32, #tpu.memory_space<hbm>>) dst(%dma_wait3A_854 : memref<50x32xf32, #tpu.memory_space<vmem>>)
      %dma_wait3A_861 = arith.constant 950 : i32
      %dma_wait3A_862 = arith.constant 0 : i32
      %dma_wait3A_863 = tpu.memref_slice %arg6[%dma_wait3A_861, %dma_wait3A_862] : memref<1600x32xf32, #tpu.memory_space<vmem>> -> memref<50x32xf32, #tpu.memory_space<vmem>>
      %dma_wait3A_864 = arith.constant 0 : i32
      %dma_wait3A_865 = tpu.memref_slice %arg5[%add3A_264, %dma_wait3A_864] : memref<512x50xi32, #tpu.memory_space<vmem>> -> memref<1x50xi32, #tpu.memory_space<vmem>>
      %dma_wait3A_866 = tpu.memref_squeeze %dma_wait3A_865 : memref<1x50xi32, #tpu.memory_space<vmem>> -> memref<50xi32, #tpu.memory_space<vmem>>
      %dma_wait3A_867 = arith.constant 0 : i32
      %dma_wait3A_868 = arith.constant 0 : i32
      %dma_wait3A_869 = tpu.memref_slice %arg3[%dma_wait3A_867, %dma_wait3A_868] : memref<1000000x32xf32, #tpu.memory_space<hbm>> -> memref<1000000x32xf32, #tpu.memory_space<hbm>>
      tpu.wait_indirect_dma semaphore(%arg8 : memref<!tpu.dma_semaphore, #tpu.memory_space<semaphore_mem>>) src(%dma_wait3A_869 : memref<1000000x32xf32, #tpu.memory_space<hbm>>) dst(%dma_wait3A_863 : memref<50x32xf32, #tpu.memory_space<vmem>>)
      %dma_wait3A_870 = arith.constant 1000 : i32
      %dma_wait3A_871 = arith.constant 0 : i32
      %dma_wait3A_872 = tpu.memref_slice %arg6[%dma_wait3A_870, %dma_wait3A_871] : memref<1600x32xf32, #tpu.memory_space<vmem>> -> memref<50x32xf32, #tpu.memory_space<vmem>>
      %dma_wait3A_873 = arith.constant 0 : i32
      %dma_wait3A_874 = tpu.memref_slice %arg5[%add3A_277, %dma_wait3A_873] : memref<512x50xi32, #tpu.memory_space<vmem>> -> memref<1x50xi32, #tpu.memory_space<vmem>>
      %dma_wait3A_875 = tpu.memref_squeeze %dma_wait3A_874 : memref<1x50xi32, #tpu.memory_space<vmem>> -> memref<50xi32, #tpu.memory_space<vmem>>
      %dma_wait3A_876 = arith.constant 0 : i32
      %dma_wait3A_877 = arith.constant 0 : i32
      %dma_wait3A_878 = tpu.memref_slice %arg3[%dma_wait3A_876, %dma_wait3A_877] : memref<1000000x32xf32, #tpu.memory_space<hbm>> -> memref<1000000x32xf32, #tpu.memory_space<hbm>>
      tpu.wait_indirect_dma semaphore(%arg8 : memref<!tpu.dma_semaphore, #tpu.memory_space<semaphore_mem>>) src(%dma_wait3A_878 : memref<1000000x32xf32, #tpu.memory_space<hbm>>) dst(%dma_wait3A_872 : memref<50x32xf32, #tpu.memory_space<vmem>>)
      %dma_wait3A_879 = arith.constant 1050 : i32
      %dma_wait3A_880 = arith.constant 0 : i32
      %dma_wait3A_881 = tpu.memref_slice %arg6[%dma_wait3A_879, %dma_wait3A_880] : memref<1600x32xf32, #tpu.memory_space<vmem>> -> memref<50x32xf32, #tpu.memory_space<vmem>>
      %dma_wait3A_882 = arith.constant 0 : i32
      %dma_wait3A_883 = tpu.memref_slice %arg5[%add3A_290, %dma_wait3A_882] : memref<512x50xi32, #tpu.memory_space<vmem>> -> memref<1x50xi32, #tpu.memory_space<vmem>>
      %dma_wait3A_884 = tpu.memref_squeeze %dma_wait3A_883 : memref<1x50xi32, #tpu.memory_space<vmem>> -> memref<50xi32, #tpu.memory_space<vmem>>
      %dma_wait3A_885 = arith.constant 0 : i32
      %dma_wait3A_886 = arith.constant 0 : i32
      %dma_wait3A_887 = tpu.memref_slice %arg3[%dma_wait3A_885, %dma_wait3A_886] : memref<1000000x32xf32, #tpu.memory_space<hbm>> -> memref<1000000x32xf32, #tpu.memory_space<hbm>>
      tpu.wait_indirect_dma semaphore(%arg8 : memref<!tpu.dma_semaphore, #tpu.memory_space<semaphore_mem>>) src(%dma_wait3A_887 : memref<1000000x32xf32, #tpu.memory_space<hbm>>) dst(%dma_wait3A_881 : memref<50x32xf32, #tpu.memory_space<vmem>>)
      %dma_wait3A_888 = arith.constant 1100 : i32
      %dma_wait3A_889 = arith.constant 0 : i32
      %dma_wait3A_890 = tpu.memref_slice %arg6[%dma_wait3A_888, %dma_wait3A_889] : memref<1600x32xf32, #tpu.memory_space<vmem>> -> memref<50x32xf32, #tpu.memory_space<vmem>>
      %dma_wait3A_891 = arith.constant 0 : i32
      %dma_wait3A_892 = tpu.memref_slice %arg5[%add3A_303, %dma_wait3A_891] : memref<512x50xi32, #tpu.memory_space<vmem>> -> memref<1x50xi32, #tpu.memory_space<vmem>>
      %dma_wait3A_893 = tpu.memref_squeeze %dma_wait3A_892 : memref<1x50xi32, #tpu.memory_space<vmem>> -> memref<50xi32, #tpu.memory_space<vmem>>
      %dma_wait3A_894 = arith.constant 0 : i32
      %dma_wait3A_895 = arith.constant 0 : i32
      %dma_wait3A_896 = tpu.memref_slice %arg3[%dma_wait3A_894, %dma_wait3A_895] : memref<1000000x32xf32, #tpu.memory_space<hbm>> -> memref<1000000x32xf32, #tpu.memory_space<hbm>>
      tpu.wait_indirect_dma semaphore(%arg8 : memref<!tpu.dma_semaphore, #tpu.memory_space<semaphore_mem>>) src(%dma_wait3A_896 : memref<1000000x32xf32, #tpu.memory_space<hbm>>) dst(%dma_wait3A_890 : memref<50x32xf32, #tpu.memory_space<vmem>>)
      %dma_wait3A_897 = arith.constant 1150 : i32
      %dma_wait3A_898 = arith.constant 0 : i32
      %dma_wait3A_899 = tpu.memref_slice %arg6[%dma_wait3A_897, %dma_wait3A_898] : memref<1600x32xf32, #tpu.memory_space<vmem>> -> memref<50x32xf32, #tpu.memory_space<vmem>>
      %dma_wait3A_900 = arith.constant 0 : i32
      %dma_wait3A_901 = tpu.memref_slice %arg5[%add3A_316, %dma_wait3A_900] : memref<512x50xi32, #tpu.memory_space<vmem>> -> memref<1x50xi32, #tpu.memory_space<vmem>>
      %dma_wait3A_902 = tpu.memref_squeeze %dma_wait3A_901 : memref<1x50xi32, #tpu.memory_space<vmem>> -> memref<50xi32, #tpu.memory_space<vmem>>
      %dma_wait3A_903 = arith.constant 0 : i32
      %dma_wait3A_904 = arith.constant 0 : i32
      %dma_wait3A_905 = tpu.memref_slice %arg3[%dma_wait3A_903, %dma_wait3A_904] : memref<1000000x32xf32, #tpu.memory_space<hbm>> -> memref<1000000x32xf32, #tpu.memory_space<hbm>>
      tpu.wait_indirect_dma semaphore(%arg8 : memref<!tpu.dma_semaphore, #tpu.memory_space<semaphore_mem>>) src(%dma_wait3A_905 : memref<1000000x32xf32, #tpu.memory_space<hbm>>) dst(%dma_wait3A_899 : memref<50x32xf32, #tpu.memory_space<vmem>>)
      %dma_wait3A_906 = arith.constant 1200 : i32
      %dma_wait3A_907 = arith.constant 0 : i32
      %dma_wait3A_908 = tpu.memref_slice %arg6[%dma_wait3A_906, %dma_wait3A_907] : memref<1600x32xf32, #tpu.memory_space<vmem>> -> memref<50x32xf32, #tpu.memory_space<vmem>>
      %dma_wait3A_909 = arith.constant 0 : i32
      %dma_wait3A_910 = tpu.memref_slice %arg5[%add3A_329, %dma_wait3A_909] : memref<512x50xi32, #tpu.memory_space<vmem>> -> memref<1x50xi32, #tpu.memory_space<vmem>>
      %dma_wait3A_911 = tpu.memref_squeeze %dma_wait3A_910 : memref<1x50xi32, #tpu.memory_space<vmem>> -> memref<50xi32, #tpu.memory_space<vmem>>
      %dma_wait3A_912 = arith.constant 0 : i32
      %dma_wait3A_913 = arith.constant 0 : i32
      %dma_wait3A_914 = tpu.memref_slice %arg3[%dma_wait3A_912, %dma_wait3A_913] : memref<1000000x32xf32, #tpu.memory_space<hbm>> -> memref<1000000x32xf32, #tpu.memory_space<hbm>>
      tpu.wait_indirect_dma semaphore(%arg8 : memref<!tpu.dma_semaphore, #tpu.memory_space<semaphore_mem>>) src(%dma_wait3A_914 : memref<1000000x32xf32, #tpu.memory_space<hbm>>) dst(%dma_wait3A_908 : memref<50x32xf32, #tpu.memory_space<vmem>>)
      %dma_wait3A_915 = arith.constant 1250 : i32
      %dma_wait3A_916 = arith.constant 0 : i32
      %dma_wait3A_917 = tpu.memref_slice %arg6[%dma_wait3A_915, %dma_wait3A_916] : memref<1600x32xf32, #tpu.memory_space<vmem>> -> memref<50x32xf32, #tpu.memory_space<vmem>>
      %dma_wait3A_918 = arith.constant 0 : i32
      %dma_wait3A_919 = tpu.memref_slice %arg5[%add3A_342, %dma_wait3A_918] : memref<512x50xi32, #tpu.memory_space<vmem>> -> memref<1x50xi32, #tpu.memory_space<vmem>>
      %dma_wait3A_920 = tpu.memref_squeeze %dma_wait3A_919 : memref<1x50xi32, #tpu.memory_space<vmem>> -> memref<50xi32, #tpu.memory_space<vmem>>
      %dma_wait3A_921 = arith.constant 0 : i32
      %dma_wait3A_922 = arith.constant 0 : i32
      %dma_wait3A_923 = tpu.memref_slice %arg3[%dma_wait3A_921, %dma_wait3A_922] : memref<1000000x32xf32, #tpu.memory_space<hbm>> -> memref<1000000x32xf32, #tpu.memory_space<hbm>>
      tpu.wait_indirect_dma semaphore(%arg8 : memref<!tpu.dma_semaphore, #tpu.memory_space<semaphore_mem>>) src(%dma_wait3A_923 : memref<1000000x32xf32, #tpu.memory_space<hbm>>) dst(%dma_wait3A_917 : memref<50x32xf32, #tpu.memory_space<vmem>>)
      %dma_wait3A_924 = arith.constant 1300 : i32
      %dma_wait3A_925 = arith.constant 0 : i32
      %dma_wait3A_926 = tpu.memref_slice %arg6[%dma_wait3A_924, %dma_wait3A_925] : memref<1600x32xf32, #tpu.memory_space<vmem>> -> memref<50x32xf32, #tpu.memory_space<vmem>>
      %dma_wait3A_927 = arith.constant 0 : i32
      %dma_wait3A_928 = tpu.memref_slice %arg5[%add3A_355, %dma_wait3A_927] : memref<512x50xi32, #tpu.memory_space<vmem>> -> memref<1x50xi32, #tpu.memory_space<vmem>>
      %dma_wait3A_929 = tpu.memref_squeeze %dma_wait3A_928 : memref<1x50xi32, #tpu.memory_space<vmem>> -> memref<50xi32, #tpu.memory_space<vmem>>
      %dma_wait3A_930 = arith.constant 0 : i32
      %dma_wait3A_931 = arith.constant 0 : i32
      %dma_wait3A_932 = tpu.memref_slice %arg3[%dma_wait3A_930, %dma_wait3A_931] : memref<1000000x32xf32, #tpu.memory_space<hbm>> -> memref<1000000x32xf32, #tpu.memory_space<hbm>>
      tpu.wait_indirect_dma semaphore(%arg8 : memref<!tpu.dma_semaphore, #tpu.memory_space<semaphore_mem>>) src(%dma_wait3A_932 : memref<1000000x32xf32, #tpu.memory_space<hbm>>) dst(%dma_wait3A_926 : memref<50x32xf32, #tpu.memory_space<vmem>>)
      %dma_wait3A_933 = arith.constant 1350 : i32
      %dma_wait3A_934 = arith.constant 0 : i32
      %dma_wait3A_935 = tpu.memref_slice %arg6[%dma_wait3A_933, %dma_wait3A_934] : memref<1600x32xf32, #tpu.memory_space<vmem>> -> memref<50x32xf32, #tpu.memory_space<vmem>>
      %dma_wait3A_936 = arith.constant 0 : i32
      %dma_wait3A_937 = tpu.memref_slice %arg5[%add3A_368, %dma_wait3A_936] : memref<512x50xi32, #tpu.memory_space<vmem>> -> memref<1x50xi32, #tpu.memory_space<vmem>>
      %dma_wait3A_938 = tpu.memref_squeeze %dma_wait3A_937 : memref<1x50xi32, #tpu.memory_space<vmem>> -> memref<50xi32, #tpu.memory_space<vmem>>
      %dma_wait3A_939 = arith.constant 0 : i32
      %dma_wait3A_940 = arith.constant 0 : i32
      %dma_wait3A_941 = tpu.memref_slice %arg3[%dma_wait3A_939, %dma_wait3A_940] : memref<1000000x32xf32, #tpu.memory_space<hbm>> -> memref<1000000x32xf32, #tpu.memory_space<hbm>>
      tpu.wait_indirect_dma semaphore(%arg8 : memref<!tpu.dma_semaphore, #tpu.memory_space<semaphore_mem>>) src(%dma_wait3A_941 : memref<1000000x32xf32, #tpu.memory_space<hbm>>) dst(%dma_wait3A_935 : memref<50x32xf32, #tpu.memory_space<vmem>>)
      %dma_wait3A_942 = arith.constant 1400 : i32
      %dma_wait3A_943 = arith.constant 0 : i32
      %dma_wait3A_944 = tpu.memref_slice %arg6[%dma_wait3A_942, %dma_wait3A_943] : memref<1600x32xf32, #tpu.memory_space<vmem>> -> memref<50x32xf32, #tpu.memory_space<vmem>>
      %dma_wait3A_945 = arith.constant 0 : i32
      %dma_wait3A_946 = tpu.memref_slice %arg5[%add3A_381, %dma_wait3A_945] : memref<512x50xi32, #tpu.memory_space<vmem>> -> memref<1x50xi32, #tpu.memory_space<vmem>>
      %dma_wait3A_947 = tpu.memref_squeeze %dma_wait3A_946 : memref<1x50xi32, #tpu.memory_space<vmem>> -> memref<50xi32, #tpu.memory_space<vmem>>
      %dma_wait3A_948 = arith.constant 0 : i32
      %dma_wait3A_949 = arith.constant 0 : i32
      %dma_wait3A_950 = tpu.memref_slice %arg3[%dma_wait3A_948, %dma_wait3A_949] : memref<1000000x32xf32, #tpu.memory_space<hbm>> -> memref<1000000x32xf32, #tpu.memory_space<hbm>>
      tpu.wait_indirect_dma semaphore(%arg8 : memref<!tpu.dma_semaphore, #tpu.memory_space<semaphore_mem>>) src(%dma_wait3A_950 : memref<1000000x32xf32, #tpu.memory_space<hbm>>) dst(%dma_wait3A_944 : memref<50x32xf32, #tpu.memory_space<vmem>>)
      %dma_wait3A_951 = arith.constant 1450 : i32
      %dma_wait3A_952 = arith.constant 0 : i32
      %dma_wait3A_953 = tpu.memref_slice %arg6[%dma_wait3A_951, %dma_wait3A_952] : memref<1600x32xf32, #tpu.memory_space<vmem>> -> memref<50x32xf32, #tpu.memory_space<vmem>>
      %dma_wait3A_954 = arith.constant 0 : i32
      %dma_wait3A_955 = tpu.memref_slice %arg5[%add3A_394, %dma_wait3A_954] : memref<512x50xi32, #tpu.memory_space<vmem>> -> memref<1x50xi32, #tpu.memory_space<vmem>>
      %dma_wait3A_956 = tpu.memref_squeeze %dma_wait3A_955 : memref<1x50xi32, #tpu.memory_space<vmem>> -> memref<50xi32, #tpu.memory_space<vmem>>
      %dma_wait3A_957 = arith.constant 0 : i32
      %dma_wait3A_958 = arith.constant 0 : i32
      %dma_wait3A_959 = tpu.memref_slice %arg3[%dma_wait3A_957, %dma_wait3A_958] : memref<1000000x32xf32, #tpu.memory_space<hbm>> -> memref<1000000x32xf32, #tpu.memory_space<hbm>>
      tpu.wait_indirect_dma semaphore(%arg8 : memref<!tpu.dma_semaphore, #tpu.memory_space<semaphore_mem>>) src(%dma_wait3A_959 : memref<1000000x32xf32, #tpu.memory_space<hbm>>) dst(%dma_wait3A_953 : memref<50x32xf32, #tpu.memory_space<vmem>>)
      %dma_wait3A_960 = arith.constant 1500 : i32
      %dma_wait3A_961 = arith.constant 0 : i32
      %dma_wait3A_962 = tpu.memref_slice %arg6[%dma_wait3A_960, %dma_wait3A_961] : memref<1600x32xf32, #tpu.memory_space<vmem>> -> memref<50x32xf32, #tpu.memory_space<vmem>>
      %dma_wait3A_963 = arith.constant 0 : i32
      %dma_wait3A_964 = tpu.memref_slice %arg5[%add3A_407, %dma_wait3A_963] : memref<512x50xi32, #tpu.memory_space<vmem>> -> memref<1x50xi32, #tpu.memory_space<vmem>>
      %dma_wait3A_965 = tpu.memref_squeeze %dma_wait3A_964 : memref<1x50xi32, #tpu.memory_space<vmem>> -> memref<50xi32, #tpu.memory_space<vmem>>
      %dma_wait3A_966 = arith.constant 0 : i32
      %dma_wait3A_967 = arith.constant 0 : i32
      %dma_wait3A_968 = tpu.memref_slice %arg3[%dma_wait3A_966, %dma_wait3A_967] : memref<1000000x32xf32, #tpu.memory_space<hbm>> -> memref<1000000x32xf32, #tpu.memory_space<hbm>>
      tpu.wait_indirect_dma semaphore(%arg8 : memref<!tpu.dma_semaphore, #tpu.memory_space<semaphore_mem>>) src(%dma_wait3A_968 : memref<1000000x32xf32, #tpu.memory_space<hbm>>) dst(%dma_wait3A_962 : memref<50x32xf32, #tpu.memory_space<vmem>>)
      %dma_wait3A_969 = arith.constant 1550 : i32
      %dma_wait3A_970 = arith.constant 0 : i32
      %dma_wait3A_971 = tpu.memref_slice %arg6[%dma_wait3A_969, %dma_wait3A_970] : memref<1600x32xf32, #tpu.memory_space<vmem>> -> memref<50x32xf32, #tpu.memory_space<vmem>>
      %dma_wait3A_972 = arith.constant 0 : i32
      %dma_wait3A_973 = tpu.memref_slice %arg5[%add3A_420, %dma_wait3A_972] : memref<512x50xi32, #tpu.memory_space<vmem>> -> memref<1x50xi32, #tpu.memory_space<vmem>>
      %dma_wait3A_974 = tpu.memref_squeeze %dma_wait3A_973 : memref<1x50xi32, #tpu.memory_space<vmem>> -> memref<50xi32, #tpu.memory_space<vmem>>
      %dma_wait3A_975 = arith.constant 0 : i32
      %dma_wait3A_976 = arith.constant 0 : i32
      %dma_wait3A_977 = tpu.memref_slice %arg3[%dma_wait3A_975, %dma_wait3A_976] : memref<1000000x32xf32, #tpu.memory_space<hbm>> -> memref<1000000x32xf32, #tpu.memory_space<hbm>>
      tpu.wait_indirect_dma semaphore(%arg8 : memref<!tpu.dma_semaphore, #tpu.memory_space<semaphore_mem>>) src(%dma_wait3A_977 : memref<1000000x32xf32, #tpu.memory_space<hbm>>) dst(%dma_wait3A_971 : memref<50x32xf32, #tpu.memory_space<vmem>>)
      %mul3A_978 = arith.constant 2 : i32
      %mul3A_979 = arith.muli %mul3A_978, %scan3A_8 : i32
      %add3A_980 = arith.constant 1 : i32
      %add3A_981 = arith.addi %mul3A_979, %add3A_980 : i32
      %mul3A_982 = arith.constant 16 : i32
      %mul3A_983 = arith.muli %add3A_981, %mul3A_982 : i32
      %add3A_984 = arith.addi %mul3A_2, %mul3A_983 : i32
      %add3A_985 = arith.constant 0 : i32
      %add3A_986 = arith.addi %add3A_984, %add3A_985 : i32
      %dma_start3A_987 = arith.constant 800 : i32
      %dma_start3A_988 = arith.constant 0 : i32
      %dma_start3A_989 = tpu.memref_slice %arg6[%dma_start3A_987, %dma_start3A_988] : memref<1600x32xf32, #tpu.memory_space<vmem>> -> memref<50x32xf32, #tpu.memory_space<vmem>>
      %dma_start3A_990 = arith.constant 0 : i32
      %dma_start3A_991 = arith.constant 0 : i32
      %dma_start3A_992 = tpu.memref_slice %arg4[%add3A_986, %dma_start3A_990, %dma_start3A_991] : memref<16384x50x32xf32, #tpu.memory_space<hbm>> -> memref<1x50x32xf32, #tpu.memory_space<hbm>>
      %dma_start3A_993 = tpu.memref_squeeze %dma_start3A_992 : memref<1x50x32xf32, #tpu.memory_space<hbm>> -> memref<50x32xf32, #tpu.memory_space<hbm>>
      %dma_start3A_994 = arith.constant 0 : i32
      %dma_start3A_995 = arith.constant 0 : i32
      %dma_start3A_996 = tpu.memref_slice %arg4[%add3A_986, %dma_start3A_994, %dma_start3A_995] : memref<16384x50x32xf32, #tpu.memory_space<hbm>> -> memref<1x50x32xf32, #tpu.memory_space<hbm>>
      %dma_start3A_997 = tpu.memref_squeeze %dma_start3A_996 : memref<1x50x32xf32, #tpu.memory_space<hbm>> -> memref<50x32xf32, #tpu.memory_space<hbm>>
      %dma_start3A_998 = arith.constant 800 : i32
      %dma_start3A_999 = arith.constant 0 : i32
      %dma_start3A_1000 = tpu.memref_slice %arg6[%dma_start3A_998, %dma_start3A_999] : memref<1600x32xf32, #tpu.memory_space<vmem>> -> memref<50x32xf32, #tpu.memory_space<vmem>>
      tpu.enqueue_dma source(%dma_start3A_1000 : memref<50x32xf32, #tpu.memory_space<vmem>>) target(%dma_start3A_997 : memref<50x32xf32, #tpu.memory_space<hbm>>) target_semaphore(%arg10 : memref<!tpu.dma_semaphore, #tpu.memory_space<semaphore_mem>>)
      %add3A_1001 = arith.constant 1 : i32
      %add3A_1002 = arith.addi %add3A_984, %add3A_1001 : i32
      %dma_start3A_1003 = arith.constant 850 : i32
      %dma_start3A_1004 = arith.constant 0 : i32
      %dma_start3A_1005 = tpu.memref_slice %arg6[%dma_start3A_1003, %dma_start3A_1004] : memref<1600x32xf32, #tpu.memory_space<vmem>> -> memref<50x32xf32, #tpu.memory_space<vmem>>
      %dma_start3A_1006 = arith.constant 0 : i32
      %dma_start3A_1007 = arith.constant 0 : i32
      %dma_start3A_1008 = tpu.memref_slice %arg4[%add3A_1002, %dma_start3A_1006, %dma_start3A_1007] : memref<16384x50x32xf32, #tpu.memory_space<hbm>> -> memref<1x50x32xf32, #tpu.memory_space<hbm>>
      %dma_start3A_1009 = tpu.memref_squeeze %dma_start3A_1008 : memref<1x50x32xf32, #tpu.memory_space<hbm>> -> memref<50x32xf32, #tpu.memory_space<hbm>>
      %dma_start3A_1010 = arith.constant 0 : i32
      %dma_start3A_1011 = arith.constant 0 : i32
      %dma_start3A_1012 = tpu.memref_slice %arg4[%add3A_1002, %dma_start3A_1010, %dma_start3A_1011] : memref<16384x50x32xf32, #tpu.memory_space<hbm>> -> memref<1x50x32xf32, #tpu.memory_space<hbm>>
      %dma_start3A_1013 = tpu.memref_squeeze %dma_start3A_1012 : memref<1x50x32xf32, #tpu.memory_space<hbm>> -> memref<50x32xf32, #tpu.memory_space<hbm>>
      %dma_start3A_1014 = arith.constant 850 : i32
      %dma_start3A_1015 = arith.constant 0 : i32
      %dma_start3A_1016 = tpu.memref_slice %arg6[%dma_start3A_1014, %dma_start3A_1015] : memref<1600x32xf32, #tpu.memory_space<vmem>> -> memref<50x32xf32, #tpu.memory_space<vmem>>
      tpu.enqueue_dma source(%dma_start3A_1016 : memref<50x32xf32, #tpu.memory_space<vmem>>) target(%dma_start3A_1013 : memref<50x32xf32, #tpu.memory_space<hbm>>) target_semaphore(%arg10 : memref<!tpu.dma_semaphore, #tpu.memory_space<semaphore_mem>>)
      %add3A_1017 = arith.constant 2 : i32
      %add3A_1018 = arith.addi %add3A_984, %add3A_1017 : i32
      %dma_start3A_1019 = arith.constant 900 : i32
      %dma_start3A_1020 = arith.constant 0 : i32
      %dma_start3A_1021 = tpu.memref_slice %arg6[%dma_start3A_1019, %dma_start3A_1020] : memref<1600x32xf32, #tpu.memory_space<vmem>> -> memref<50x32xf32, #tpu.memory_space<vmem>>
      %dma_start3A_1022 = arith.constant 0 : i32
      %dma_start3A_1023 = arith.constant 0 : i32
      %dma_start3A_1024 = tpu.memref_slice %arg4[%add3A_1018, %dma_start3A_1022, %dma_start3A_1023] : memref<16384x50x32xf32, #tpu.memory_space<hbm>> -> memref<1x50x32xf32, #tpu.memory_space<hbm>>
      %dma_start3A_1025 = tpu.memref_squeeze %dma_start3A_1024 : memref<1x50x32xf32, #tpu.memory_space<hbm>> -> memref<50x32xf32, #tpu.memory_space<hbm>>
      %dma_start3A_1026 = arith.constant 0 : i32
      %dma_start3A_1027 = arith.constant 0 : i32
      %dma_start3A_1028 = tpu.memref_slice %arg4[%add3A_1018, %dma_start3A_1026, %dma_start3A_1027] : memref<16384x50x32xf32, #tpu.memory_space<hbm>> -> memref<1x50x32xf32, #tpu.memory_space<hbm>>
      %dma_start3A_1029 = tpu.memref_squeeze %dma_start3A_1028 : memref<1x50x32xf32, #tpu.memory_space<hbm>> -> memref<50x32xf32, #tpu.memory_space<hbm>>
      %dma_start3A_1030 = arith.constant 900 : i32
      %dma_start3A_1031 = arith.constant 0 : i32
      %dma_start3A_1032 = tpu.memref_slice %arg6[%dma_start3A_1030, %dma_start3A_1031] : memref<1600x32xf32, #tpu.memory_space<vmem>> -> memref<50x32xf32, #tpu.memory_space<vmem>>
      tpu.enqueue_dma source(%dma_start3A_1032 : memref<50x32xf32, #tpu.memory_space<vmem>>) target(%dma_start3A_1029 : memref<50x32xf32, #tpu.memory_space<hbm>>) target_semaphore(%arg10 : memref<!tpu.dma_semaphore, #tpu.memory_space<semaphore_mem>>)
      %add3A_1033 = arith.constant 3 : i32
      %add3A_1034 = arith.addi %add3A_984, %add3A_1033 : i32
      %dma_start3A_1035 = arith.constant 950 : i32
      %dma_start3A_1036 = arith.constant 0 : i32
      %dma_start3A_1037 = tpu.memref_slice %arg6[%dma_start3A_1035, %dma_start3A_1036] : memref<1600x32xf32, #tpu.memory_space<vmem>> -> memref<50x32xf32, #tpu.memory_space<vmem>>
      %dma_start3A_1038 = arith.constant 0 : i32
      %dma_start3A_1039 = arith.constant 0 : i32
      %dma_start3A_1040 = tpu.memref_slice %arg4[%add3A_1034, %dma_start3A_1038, %dma_start3A_1039] : memref<16384x50x32xf32, #tpu.memory_space<hbm>> -> memref<1x50x32xf32, #tpu.memory_space<hbm>>
      %dma_start3A_1041 = tpu.memref_squeeze %dma_start3A_1040 : memref<1x50x32xf32, #tpu.memory_space<hbm>> -> memref<50x32xf32, #tpu.memory_space<hbm>>
      %dma_start3A_1042 = arith.constant 0 : i32
      %dma_start3A_1043 = arith.constant 0 : i32
      %dma_start3A_1044 = tpu.memref_slice %arg4[%add3A_1034, %dma_start3A_1042, %dma_start3A_1043] : memref<16384x50x32xf32, #tpu.memory_space<hbm>> -> memref<1x50x32xf32, #tpu.memory_space<hbm>>
      %dma_start3A_1045 = tpu.memref_squeeze %dma_start3A_1044 : memref<1x50x32xf32, #tpu.memory_space<hbm>> -> memref<50x32xf32, #tpu.memory_space<hbm>>
      %dma_start3A_1046 = arith.constant 950 : i32
      %dma_start3A_1047 = arith.constant 0 : i32
      %dma_start3A_1048 = tpu.memref_slice %arg6[%dma_start3A_1046, %dma_start3A_1047] : memref<1600x32xf32, #tpu.memory_space<vmem>> -> memref<50x32xf32, #tpu.memory_space<vmem>>
      tpu.enqueue_dma source(%dma_start3A_1048 : memref<50x32xf32, #tpu.memory_space<vmem>>) target(%dma_start3A_1045 : memref<50x32xf32, #tpu.memory_space<hbm>>) target_semaphore(%arg10 : memref<!tpu.dma_semaphore, #tpu.memory_space<semaphore_mem>>)
      %add3A_1049 = arith.constant 4 : i32
      %add3A_1050 = arith.addi %add3A_984, %add3A_1049 : i32
      %dma_start3A_1051 = arith.constant 1000 : i32
      %dma_start3A_1052 = arith.constant 0 : i32
      %dma_start3A_1053 = tpu.memref_slice %arg6[%dma_start3A_1051, %dma_start3A_1052] : memref<1600x32xf32, #tpu.memory_space<vmem>> -> memref<50x32xf32, #tpu.memory_space<vmem>>
      %dma_start3A_1054 = arith.constant 0 : i32
      %dma_start3A_1055 = arith.constant 0 : i32
      %dma_start3A_1056 = tpu.memref_slice %arg4[%add3A_1050, %dma_start3A_1054, %dma_start3A_1055] : memref<16384x50x32xf32, #tpu.memory_space<hbm>> -> memref<1x50x32xf32, #tpu.memory_space<hbm>>
      %dma_start3A_1057 = tpu.memref_squeeze %dma_start3A_1056 : memref<1x50x32xf32, #tpu.memory_space<hbm>> -> memref<50x32xf32, #tpu.memory_space<hbm>>
      %dma_start3A_1058 = arith.constant 0 : i32
      %dma_start3A_1059 = arith.constant 0 : i32
      %dma_start3A_1060 = tpu.memref_slice %arg4[%add3A_1050, %dma_start3A_1058, %dma_start3A_1059] : memref<16384x50x32xf32, #tpu.memory_space<hbm>> -> memref<1x50x32xf32, #tpu.memory_space<hbm>>
      %dma_start3A_1061 = tpu.memref_squeeze %dma_start3A_1060 : memref<1x50x32xf32, #tpu.memory_space<hbm>> -> memref<50x32xf32, #tpu.memory_space<hbm>>
      %dma_start3A_1062 = arith.constant 1000 : i32
      %dma_start3A_1063 = arith.constant 0 : i32
      %dma_start3A_1064 = tpu.memref_slice %arg6[%dma_start3A_1062, %dma_start3A_1063] : memref<1600x32xf32, #tpu.memory_space<vmem>> -> memref<50x32xf32, #tpu.memory_space<vmem>>
      tpu.enqueue_dma source(%dma_start3A_1064 : memref<50x32xf32, #tpu.memory_space<vmem>>) target(%dma_start3A_1061 : memref<50x32xf32, #tpu.memory_space<hbm>>) target_semaphore(%arg10 : memref<!tpu.dma_semaphore, #tpu.memory_space<semaphore_mem>>)
      %add3A_1065 = arith.constant 5 : i32
      %add3A_1066 = arith.addi %add3A_984, %add3A_1065 : i32
      %dma_start3A_1067 = arith.constant 1050 : i32
      %dma_start3A_1068 = arith.constant 0 : i32
      %dma_start3A_1069 = tpu.memref_slice %arg6[%dma_start3A_1067, %dma_start3A_1068] : memref<1600x32xf32, #tpu.memory_space<vmem>> -> memref<50x32xf32, #tpu.memory_space<vmem>>
      %dma_start3A_1070 = arith.constant 0 : i32
      %dma_start3A_1071 = arith.constant 0 : i32
      %dma_start3A_1072 = tpu.memref_slice %arg4[%add3A_1066, %dma_start3A_1070, %dma_start3A_1071] : memref<16384x50x32xf32, #tpu.memory_space<hbm>> -> memref<1x50x32xf32, #tpu.memory_space<hbm>>
      %dma_start3A_1073 = tpu.memref_squeeze %dma_start3A_1072 : memref<1x50x32xf32, #tpu.memory_space<hbm>> -> memref<50x32xf32, #tpu.memory_space<hbm>>
      %dma_start3A_1074 = arith.constant 0 : i32
      %dma_start3A_1075 = arith.constant 0 : i32
      %dma_start3A_1076 = tpu.memref_slice %arg4[%add3A_1066, %dma_start3A_1074, %dma_start3A_1075] : memref<16384x50x32xf32, #tpu.memory_space<hbm>> -> memref<1x50x32xf32, #tpu.memory_space<hbm>>
      %dma_start3A_1077 = tpu.memref_squeeze %dma_start3A_1076 : memref<1x50x32xf32, #tpu.memory_space<hbm>> -> memref<50x32xf32, #tpu.memory_space<hbm>>
      %dma_start3A_1078 = arith.constant 1050 : i32
      %dma_start3A_1079 = arith.constant 0 : i32
      %dma_start3A_1080 = tpu.memref_slice %arg6[%dma_start3A_1078, %dma_start3A_1079] : memref<1600x32xf32, #tpu.memory_space<vmem>> -> memref<50x32xf32, #tpu.memory_space<vmem>>
      tpu.enqueue_dma source(%dma_start3A_1080 : memref<50x32xf32, #tpu.memory_space<vmem>>) target(%dma_start3A_1077 : memref<50x32xf32, #tpu.memory_space<hbm>>) target_semaphore(%arg10 : memref<!tpu.dma_semaphore, #tpu.memory_space<semaphore_mem>>)
      %add3A_1081 = arith.constant 6 : i32
      %add3A_1082 = arith.addi %add3A_984, %add3A_1081 : i32
      %dma_start3A_1083 = arith.constant 1100 : i32
      %dma_start3A_1084 = arith.constant 0 : i32
      %dma_start3A_1085 = tpu.memref_slice %arg6[%dma_start3A_1083, %dma_start3A_1084] : memref<1600x32xf32, #tpu.memory_space<vmem>> -> memref<50x32xf32, #tpu.memory_space<vmem>>
      %dma_start3A_1086 = arith.constant 0 : i32
      %dma_start3A_1087 = arith.constant 0 : i32
      %dma_start3A_1088 = tpu.memref_slice %arg4[%add3A_1082, %dma_start3A_1086, %dma_start3A_1087] : memref<16384x50x32xf32, #tpu.memory_space<hbm>> -> memref<1x50x32xf32, #tpu.memory_space<hbm>>
      %dma_start3A_1089 = tpu.memref_squeeze %dma_start3A_1088 : memref<1x50x32xf32, #tpu.memory_space<hbm>> -> memref<50x32xf32, #tpu.memory_space<hbm>>
      %dma_start3A_1090 = arith.constant 0 : i32
      %dma_start3A_1091 = arith.constant 0 : i32
      %dma_start3A_1092 = tpu.memref_slice %arg4[%add3A_1082, %dma_start3A_1090, %dma_start3A_1091] : memref<16384x50x32xf32, #tpu.memory_space<hbm>> -> memref<1x50x32xf32, #tpu.memory_space<hbm>>
      %dma_start3A_1093 = tpu.memref_squeeze %dma_start3A_1092 : memref<1x50x32xf32, #tpu.memory_space<hbm>> -> memref<50x32xf32, #tpu.memory_space<hbm>>
      %dma_start3A_1094 = arith.constant 1100 : i32
      %dma_start3A_1095 = arith.constant 0 : i32
      %dma_start3A_1096 = tpu.memref_slice %arg6[%dma_start3A_1094, %dma_start3A_1095] : memref<1600x32xf32, #tpu.memory_space<vmem>> -> memref<50x32xf32, #tpu.memory_space<vmem>>
      tpu.enqueue_dma source(%dma_start3A_1096 : memref<50x32xf32, #tpu.memory_space<vmem>>) target(%dma_start3A_1093 : memref<50x32xf32, #tpu.memory_space<hbm>>) target_semaphore(%arg10 : memref<!tpu.dma_semaphore, #tpu.memory_space<semaphore_mem>>)
      %add3A_1097 = arith.constant 7 : i32
      %add3A_1098 = arith.addi %add3A_984, %add3A_1097 : i32
      %dma_start3A_1099 = arith.constant 1150 : i32
      %dma_start3A_1100 = arith.constant 0 : i32
      %dma_start3A_1101 = tpu.memref_slice %arg6[%dma_start3A_1099, %dma_start3A_1100] : memref<1600x32xf32, #tpu.memory_space<vmem>> -> memref<50x32xf32, #tpu.memory_space<vmem>>
      %dma_start3A_1102 = arith.constant 0 : i32
      %dma_start3A_1103 = arith.constant 0 : i32
      %dma_start3A_1104 = tpu.memref_slice %arg4[%add3A_1098, %dma_start3A_1102, %dma_start3A_1103] : memref<16384x50x32xf32, #tpu.memory_space<hbm>> -> memref<1x50x32xf32, #tpu.memory_space<hbm>>
      %dma_start3A_1105 = tpu.memref_squeeze %dma_start3A_1104 : memref<1x50x32xf32, #tpu.memory_space<hbm>> -> memref<50x32xf32, #tpu.memory_space<hbm>>
      %dma_start3A_1106 = arith.constant 0 : i32
      %dma_start3A_1107 = arith.constant 0 : i32
      %dma_start3A_1108 = tpu.memref_slice %arg4[%add3A_1098, %dma_start3A_1106, %dma_start3A_1107] : memref<16384x50x32xf32, #tpu.memory_space<hbm>> -> memref<1x50x32xf32, #tpu.memory_space<hbm>>
      %dma_start3A_1109 = tpu.memref_squeeze %dma_start3A_1108 : memref<1x50x32xf32, #tpu.memory_space<hbm>> -> memref<50x32xf32, #tpu.memory_space<hbm>>
      %dma_start3A_1110 = arith.constant 1150 : i32
      %dma_start3A_1111 = arith.constant 0 : i32
      %dma_start3A_1112 = tpu.memref_slice %arg6[%dma_start3A_1110, %dma_start3A_1111] : memref<1600x32xf32, #tpu.memory_space<vmem>> -> memref<50x32xf32, #tpu.memory_space<vmem>>
      tpu.enqueue_dma source(%dma_start3A_1112 : memref<50x32xf32, #tpu.memory_space<vmem>>) target(%dma_start3A_1109 : memref<50x32xf32, #tpu.memory_space<hbm>>) target_semaphore(%arg10 : memref<!tpu.dma_semaphore, #tpu.memory_space<semaphore_mem>>)
      %add3A_1113 = arith.constant 8 : i32
      %add3A_1114 = arith.addi %add3A_984, %add3A_1113 : i32
      %dma_start3A_1115 = arith.constant 1200 : i32
      %dma_start3A_1116 = arith.constant 0 : i32
      %dma_start3A_1117 = tpu.memref_slice %arg6[%dma_start3A_1115, %dma_start3A_1116] : memref<1600x32xf32, #tpu.memory_space<vmem>> -> memref<50x32xf32, #tpu.memory_space<vmem>>
      %dma_start3A_1118 = arith.constant 0 : i32
      %dma_start3A_1119 = arith.constant 0 : i32
      %dma_start3A_1120 = tpu.memref_slice %arg4[%add3A_1114, %dma_start3A_1118, %dma_start3A_1119] : memref<16384x50x32xf32, #tpu.memory_space<hbm>> -> memref<1x50x32xf32, #tpu.memory_space<hbm>>
      %dma_start3A_1121 = tpu.memref_squeeze %dma_start3A_1120 : memref<1x50x32xf32, #tpu.memory_space<hbm>> -> memref<50x32xf32, #tpu.memory_space<hbm>>
      %dma_start3A_1122 = arith.constant 0 : i32
      %dma_start3A_1123 = arith.constant 0 : i32
      %dma_start3A_1124 = tpu.memref_slice %arg4[%add3A_1114, %dma_start3A_1122, %dma_start3A_1123] : memref<16384x50x32xf32, #tpu.memory_space<hbm>> -> memref<1x50x32xf32, #tpu.memory_space<hbm>>
      %dma_start3A_1125 = tpu.memref_squeeze %dma_start3A_1124 : memref<1x50x32xf32, #tpu.memory_space<hbm>> -> memref<50x32xf32, #tpu.memory_space<hbm>>
      %dma_start3A_1126 = arith.constant 1200 : i32
      %dma_start3A_1127 = arith.constant 0 : i32
      %dma_start3A_1128 = tpu.memref_slice %arg6[%dma_start3A_1126, %dma_start3A_1127] : memref<1600x32xf32, #tpu.memory_space<vmem>> -> memref<50x32xf32, #tpu.memory_space<vmem>>
      tpu.enqueue_dma source(%dma_start3A_1128 : memref<50x32xf32, #tpu.memory_space<vmem>>) target(%dma_start3A_1125 : memref<50x32xf32, #tpu.memory_space<hbm>>) target_semaphore(%arg10 : memref<!tpu.dma_semaphore, #tpu.memory_space<semaphore_mem>>)
      %add3A_1129 = arith.constant 9 : i32
      %add3A_1130 = arith.addi %add3A_984, %add3A_1129 : i32
      %dma_start3A_1131 = arith.constant 1250 : i32
      %dma_start3A_1132 = arith.constant 0 : i32
      %dma_start3A_1133 = tpu.memref_slice %arg6[%dma_start3A_1131, %dma_start3A_1132] : memref<1600x32xf32, #tpu.memory_space<vmem>> -> memref<50x32xf32, #tpu.memory_space<vmem>>
      %dma_start3A_1134 = arith.constant 0 : i32
      %dma_start3A_1135 = arith.constant 0 : i32
      %dma_start3A_1136 = tpu.memref_slice %arg4[%add3A_1130, %dma_start3A_1134, %dma_start3A_1135] : memref<16384x50x32xf32, #tpu.memory_space<hbm>> -> memref<1x50x32xf32, #tpu.memory_space<hbm>>
      %dma_start3A_1137 = tpu.memref_squeeze %dma_start3A_1136 : memref<1x50x32xf32, #tpu.memory_space<hbm>> -> memref<50x32xf32, #tpu.memory_space<hbm>>
      %dma_start3A_1138 = arith.constant 0 : i32
      %dma_start3A_1139 = arith.constant 0 : i32
      %dma_start3A_1140 = tpu.memref_slice %arg4[%add3A_1130, %dma_start3A_1138, %dma_start3A_1139] : memref<16384x50x32xf32, #tpu.memory_space<hbm>> -> memref<1x50x32xf32, #tpu.memory_space<hbm>>
      %dma_start3A_1141 = tpu.memref_squeeze %dma_start3A_1140 : memref<1x50x32xf32, #tpu.memory_space<hbm>> -> memref<50x32xf32, #tpu.memory_space<hbm>>
      %dma_start3A_1142 = arith.constant 1250 : i32
      %dma_start3A_1143 = arith.constant 0 : i32
      %dma_start3A_1144 = tpu.memref_slice %arg6[%dma_start3A_1142, %dma_start3A_1143] : memref<1600x32xf32, #tpu.memory_space<vmem>> -> memref<50x32xf32, #tpu.memory_space<vmem>>
      tpu.enqueue_dma source(%dma_start3A_1144 : memref<50x32xf32, #tpu.memory_space<vmem>>) target(%dma_start3A_1141 : memref<50x32xf32, #tpu.memory_space<hbm>>) target_semaphore(%arg10 : memref<!tpu.dma_semaphore, #tpu.memory_space<semaphore_mem>>)
      %add3A_1145 = arith.constant 10 : i32
      %add3A_1146 = arith.addi %add3A_984, %add3A_1145 : i32
      %dma_start3A_1147 = arith.constant 1300 : i32
      %dma_start3A_1148 = arith.constant 0 : i32
      %dma_start3A_1149 = tpu.memref_slice %arg6[%dma_start3A_1147, %dma_start3A_1148] : memref<1600x32xf32, #tpu.memory_space<vmem>> -> memref<50x32xf32, #tpu.memory_space<vmem>>
      %dma_start3A_1150 = arith.constant 0 : i32
      %dma_start3A_1151 = arith.constant 0 : i32
      %dma_start3A_1152 = tpu.memref_slice %arg4[%add3A_1146, %dma_start3A_1150, %dma_start3A_1151] : memref<16384x50x32xf32, #tpu.memory_space<hbm>> -> memref<1x50x32xf32, #tpu.memory_space<hbm>>
      %dma_start3A_1153 = tpu.memref_squeeze %dma_start3A_1152 : memref<1x50x32xf32, #tpu.memory_space<hbm>> -> memref<50x32xf32, #tpu.memory_space<hbm>>
      %dma_start3A_1154 = arith.constant 0 : i32
      %dma_start3A_1155 = arith.constant 0 : i32
      %dma_start3A_1156 = tpu.memref_slice %arg4[%add3A_1146, %dma_start3A_1154, %dma_start3A_1155] : memref<16384x50x32xf32, #tpu.memory_space<hbm>> -> memref<1x50x32xf32, #tpu.memory_space<hbm>>
      %dma_start3A_1157 = tpu.memref_squeeze %dma_start3A_1156 : memref<1x50x32xf32, #tpu.memory_space<hbm>> -> memref<50x32xf32, #tpu.memory_space<hbm>>
      %dma_start3A_1158 = arith.constant 1300 : i32
      %dma_start3A_1159 = arith.constant 0 : i32
      %dma_start3A_1160 = tpu.memref_slice %arg6[%dma_start3A_1158, %dma_start3A_1159] : memref<1600x32xf32, #tpu.memory_space<vmem>> -> memref<50x32xf32, #tpu.memory_space<vmem>>
      tpu.enqueue_dma source(%dma_start3A_1160 : memref<50x32xf32, #tpu.memory_space<vmem>>) target(%dma_start3A_1157 : memref<50x32xf32, #tpu.memory_space<hbm>>) target_semaphore(%arg10 : memref<!tpu.dma_semaphore, #tpu.memory_space<semaphore_mem>>)
      %add3A_1161 = arith.constant 11 : i32
      %add3A_1162 = arith.addi %add3A_984, %add3A_1161 : i32
      %dma_start3A_1163 = arith.constant 1350 : i32
      %dma_start3A_1164 = arith.constant 0 : i32
      %dma_start3A_1165 = tpu.memref_slice %arg6[%dma_start3A_1163, %dma_start3A_1164] : memref<1600x32xf32, #tpu.memory_space<vmem>> -> memref<50x32xf32, #tpu.memory_space<vmem>>
      %dma_start3A_1166 = arith.constant 0 : i32
      %dma_start3A_1167 = arith.constant 0 : i32
      %dma_start3A_1168 = tpu.memref_slice %arg4[%add3A_1162, %dma_start3A_1166, %dma_start3A_1167] : memref<16384x50x32xf32, #tpu.memory_space<hbm>> -> memref<1x50x32xf32, #tpu.memory_space<hbm>>
      %dma_start3A_1169 = tpu.memref_squeeze %dma_start3A_1168 : memref<1x50x32xf32, #tpu.memory_space<hbm>> -> memref<50x32xf32, #tpu.memory_space<hbm>>
      %dma_start3A_1170 = arith.constant 0 : i32
      %dma_start3A_1171 = arith.constant 0 : i32
      %dma_start3A_1172 = tpu.memref_slice %arg4[%add3A_1162, %dma_start3A_1170, %dma_start3A_1171] : memref<16384x50x32xf32, #tpu.memory_space<hbm>> -> memref<1x50x32xf32, #tpu.memory_space<hbm>>
      %dma_start3A_1173 = tpu.memref_squeeze %dma_start3A_1172 : memref<1x50x32xf32, #tpu.memory_space<hbm>> -> memref<50x32xf32, #tpu.memory_space<hbm>>
      %dma_start3A_1174 = arith.constant 1350 : i32
      %dma_start3A_1175 = arith.constant 0 : i32
      %dma_start3A_1176 = tpu.memref_slice %arg6[%dma_start3A_1174, %dma_start3A_1175] : memref<1600x32xf32, #tpu.memory_space<vmem>> -> memref<50x32xf32, #tpu.memory_space<vmem>>
      tpu.enqueue_dma source(%dma_start3A_1176 : memref<50x32xf32, #tpu.memory_space<vmem>>) target(%dma_start3A_1173 : memref<50x32xf32, #tpu.memory_space<hbm>>) target_semaphore(%arg10 : memref<!tpu.dma_semaphore, #tpu.memory_space<semaphore_mem>>)
      %add3A_1177 = arith.constant 12 : i32
      %add3A_1178 = arith.addi %add3A_984, %add3A_1177 : i32
      %dma_start3A_1179 = arith.constant 1400 : i32
      %dma_start3A_1180 = arith.constant 0 : i32
      %dma_start3A_1181 = tpu.memref_slice %arg6[%dma_start3A_1179, %dma_start3A_1180] : memref<1600x32xf32, #tpu.memory_space<vmem>> -> memref<50x32xf32, #tpu.memory_space<vmem>>
      %dma_start3A_1182 = arith.constant 0 : i32
      %dma_start3A_1183 = arith.constant 0 : i32
      %dma_start3A_1184 = tpu.memref_slice %arg4[%add3A_1178, %dma_start3A_1182, %dma_start3A_1183] : memref<16384x50x32xf32, #tpu.memory_space<hbm>> -> memref<1x50x32xf32, #tpu.memory_space<hbm>>
      %dma_start3A_1185 = tpu.memref_squeeze %dma_start3A_1184 : memref<1x50x32xf32, #tpu.memory_space<hbm>> -> memref<50x32xf32, #tpu.memory_space<hbm>>
      %dma_start3A_1186 = arith.constant 0 : i32
      %dma_start3A_1187 = arith.constant 0 : i32
      %dma_start3A_1188 = tpu.memref_slice %arg4[%add3A_1178, %dma_start3A_1186, %dma_start3A_1187] : memref<16384x50x32xf32, #tpu.memory_space<hbm>> -> memref<1x50x32xf32, #tpu.memory_space<hbm>>
      %dma_start3A_1189 = tpu.memref_squeeze %dma_start3A_1188 : memref<1x50x32xf32, #tpu.memory_space<hbm>> -> memref<50x32xf32, #tpu.memory_space<hbm>>
      %dma_start3A_1190 = arith.constant 1400 : i32
      %dma_start3A_1191 = arith.constant 0 : i32
      %dma_start3A_1192 = tpu.memref_slice %arg6[%dma_start3A_1190, %dma_start3A_1191] : memref<1600x32xf32, #tpu.memory_space<vmem>> -> memref<50x32xf32, #tpu.memory_space<vmem>>
      tpu.enqueue_dma source(%dma_start3A_1192 : memref<50x32xf32, #tpu.memory_space<vmem>>) target(%dma_start3A_1189 : memref<50x32xf32, #tpu.memory_space<hbm>>) target_semaphore(%arg10 : memref<!tpu.dma_semaphore, #tpu.memory_space<semaphore_mem>>)
      %add3A_1193 = arith.constant 13 : i32
      %add3A_1194 = arith.addi %add3A_984, %add3A_1193 : i32
      %dma_start3A_1195 = arith.constant 1450 : i32
      %dma_start3A_1196 = arith.constant 0 : i32
      %dma_start3A_1197 = tpu.memref_slice %arg6[%dma_start3A_1195, %dma_start3A_1196] : memref<1600x32xf32, #tpu.memory_space<vmem>> -> memref<50x32xf32, #tpu.memory_space<vmem>>
      %dma_start3A_1198 = arith.constant 0 : i32
      %dma_start3A_1199 = arith.constant 0 : i32
      %dma_start3A_1200 = tpu.memref_slice %arg4[%add3A_1194, %dma_start3A_1198, %dma_start3A_1199] : memref<16384x50x32xf32, #tpu.memory_space<hbm>> -> memref<1x50x32xf32, #tpu.memory_space<hbm>>
      %dma_start3A_1201 = tpu.memref_squeeze %dma_start3A_1200 : memref<1x50x32xf32, #tpu.memory_space<hbm>> -> memref<50x32xf32, #tpu.memory_space<hbm>>
      %dma_start3A_1202 = arith.constant 0 : i32
      %dma_start3A_1203 = arith.constant 0 : i32
      %dma_start3A_1204 = tpu.memref_slice %arg4[%add3A_1194, %dma_start3A_1202, %dma_start3A_1203] : memref<16384x50x32xf32, #tpu.memory_space<hbm>> -> memref<1x50x32xf32, #tpu.memory_space<hbm>>
      %dma_start3A_1205 = tpu.memref_squeeze %dma_start3A_1204 : memref<1x50x32xf32, #tpu.memory_space<hbm>> -> memref<50x32xf32, #tpu.memory_space<hbm>>
      %dma_start3A_1206 = arith.constant 1450 : i32
      %dma_start3A_1207 = arith.constant 0 : i32
      %dma_start3A_1208 = tpu.memref_slice %arg6[%dma_start3A_1206, %dma_start3A_1207] : memref<1600x32xf32, #tpu.memory_space<vmem>> -> memref<50x32xf32, #tpu.memory_space<vmem>>
      tpu.enqueue_dma source(%dma_start3A_1208 : memref<50x32xf32, #tpu.memory_space<vmem>>) target(%dma_start3A_1205 : memref<50x32xf32, #tpu.memory_space<hbm>>) target_semaphore(%arg10 : memref<!tpu.dma_semaphore, #tpu.memory_space<semaphore_mem>>)
      %add3A_1209 = arith.constant 14 : i32
      %add3A_1210 = arith.addi %add3A_984, %add3A_1209 : i32
      %dma_start3A_1211 = arith.constant 1500 : i32
      %dma_start3A_1212 = arith.constant 0 : i32
      %dma_start3A_1213 = tpu.memref_slice %arg6[%dma_start3A_1211, %dma_start3A_1212] : memref<1600x32xf32, #tpu.memory_space<vmem>> -> memref<50x32xf32, #tpu.memory_space<vmem>>
      %dma_start3A_1214 = arith.constant 0 : i32
      %dma_start3A_1215 = arith.constant 0 : i32
      %dma_start3A_1216 = tpu.memref_slice %arg4[%add3A_1210, %dma_start3A_1214, %dma_start3A_1215] : memref<16384x50x32xf32, #tpu.memory_space<hbm>> -> memref<1x50x32xf32, #tpu.memory_space<hbm>>
      %dma_start3A_1217 = tpu.memref_squeeze %dma_start3A_1216 : memref<1x50x32xf32, #tpu.memory_space<hbm>> -> memref<50x32xf32, #tpu.memory_space<hbm>>
      %dma_start3A_1218 = arith.constant 0 : i32
      %dma_start3A_1219 = arith.constant 0 : i32
      %dma_start3A_1220 = tpu.memref_slice %arg4[%add3A_1210, %dma_start3A_1218, %dma_start3A_1219] : memref<16384x50x32xf32, #tpu.memory_space<hbm>> -> memref<1x50x32xf32, #tpu.memory_space<hbm>>
      %dma_start3A_1221 = tpu.memref_squeeze %dma_start3A_1220 : memref<1x50x32xf32, #tpu.memory_space<hbm>> -> memref<50x32xf32, #tpu.memory_space<hbm>>
      %dma_start3A_1222 = arith.constant 1500 : i32
      %dma_start3A_1223 = arith.constant 0 : i32
      %dma_start3A_1224 = tpu.memref_slice %arg6[%dma_start3A_1222, %dma_start3A_1223] : memref<1600x32xf32, #tpu.memory_space<vmem>> -> memref<50x32xf32, #tpu.memory_space<vmem>>
      tpu.enqueue_dma source(%dma_start3A_1224 : memref<50x32xf32, #tpu.memory_space<vmem>>) target(%dma_start3A_1221 : memref<50x32xf32, #tpu.memory_space<hbm>>) target_semaphore(%arg10 : memref<!tpu.dma_semaphore, #tpu.memory_space<semaphore_mem>>)
      %add3A_1225 = arith.constant 15 : i32
      %add3A_1226 = arith.addi %add3A_984, %add3A_1225 : i32
      %dma_start3A_1227 = arith.constant 1550 : i32
      %dma_start3A_1228 = arith.constant 0 : i32
      %dma_start3A_1229 = tpu.memref_slice %arg6[%dma_start3A_1227, %dma_start3A_1228] : memref<1600x32xf32, #tpu.memory_space<vmem>> -> memref<50x32xf32, #tpu.memory_space<vmem>>
      %dma_start3A_1230 = arith.constant 0 : i32
      %dma_start3A_1231 = arith.constant 0 : i32
      %dma_start3A_1232 = tpu.memref_slice %arg4[%add3A_1226, %dma_start3A_1230, %dma_start3A_1231] : memref<16384x50x32xf32, #tpu.memory_space<hbm>> -> memref<1x50x32xf32, #tpu.memory_space<hbm>>
      %dma_start3A_1233 = tpu.memref_squeeze %dma_start3A_1232 : memref<1x50x32xf32, #tpu.memory_space<hbm>> -> memref<50x32xf32, #tpu.memory_space<hbm>>
      %dma_start3A_1234 = arith.constant 0 : i32
      %dma_start3A_1235 = arith.constant 0 : i32
      %dma_start3A_1236 = tpu.memref_slice %arg4[%add3A_1226, %dma_start3A_1234, %dma_start3A_1235] : memref<16384x50x32xf32, #tpu.memory_space<hbm>> -> memref<1x50x32xf32, #tpu.memory_space<hbm>>
      %dma_start3A_1237 = tpu.memref_squeeze %dma_start3A_1236 : memref<1x50x32xf32, #tpu.memory_space<hbm>> -> memref<50x32xf32, #tpu.memory_space<hbm>>
      %dma_start3A_1238 = arith.constant 1550 : i32
      %dma_start3A_1239 = arith.constant 0 : i32
      %dma_start3A_1240 = tpu.memref_slice %arg6[%dma_start3A_1238, %dma_start3A_1239] : memref<1600x32xf32, #tpu.memory_space<vmem>> -> memref<50x32xf32, #tpu.memory_space<vmem>>
      tpu.enqueue_dma source(%dma_start3A_1240 : memref<50x32xf32, #tpu.memory_space<vmem>>) target(%dma_start3A_1237 : memref<50x32xf32, #tpu.memory_space<hbm>>) target_semaphore(%arg10 : memref<!tpu.dma_semaphore, #tpu.memory_space<semaphore_mem>>)
      %dma_wait3A_1241 = arith.constant 0 : i32
      %dma_wait3A_1242 = arith.constant 0 : i32
      %dma_wait3A_1243 = tpu.memref_slice %arg6[%dma_wait3A_1241, %dma_wait3A_1242] : memref<1600x32xf32, #tpu.memory_space<vmem>> -> memref<50x32xf32, #tpu.memory_space<vmem>>
      %dma_wait3A_1244 = arith.constant 0 : i32
      %dma_wait3A_1245 = arith.constant 0 : i32
      %dma_wait3A_1246 = tpu.memref_slice %arg4[%add3A_579, %dma_wait3A_1244, %dma_wait3A_1245] : memref<16384x50x32xf32, #tpu.memory_space<hbm>> -> memref<1x50x32xf32, #tpu.memory_space<hbm>>
      %dma_wait3A_1247 = tpu.memref_squeeze %dma_wait3A_1246 : memref<1x50x32xf32, #tpu.memory_space<hbm>> -> memref<50x32xf32, #tpu.memory_space<hbm>>
      %dma_wait3A_1248 = arith.constant 0 : i32
      %dma_wait3A_1249 = arith.constant 0 : i32
      %dma_wait3A_1250 = tpu.memref_slice %arg4[%add3A_579, %dma_wait3A_1248, %dma_wait3A_1249] : memref<16384x50x32xf32, #tpu.memory_space<hbm>> -> memref<1x50x32xf32, #tpu.memory_space<hbm>>
      %dma_wait3A_1251 = tpu.memref_squeeze %dma_wait3A_1250 : memref<1x50x32xf32, #tpu.memory_space<hbm>> -> memref<50x32xf32, #tpu.memory_space<hbm>>
      %dma_wait3A_1252 = arith.constant 0 : i32
      %dma_wait3A_1253 = arith.constant 0 : i32
      %dma_wait3A_1254 = tpu.memref_slice %arg6[%dma_wait3A_1252, %dma_wait3A_1253] : memref<1600x32xf32, #tpu.memory_space<vmem>> -> memref<50x32xf32, #tpu.memory_space<vmem>>
      tpu.wait_dma2 semaphore(%arg9 : memref<!tpu.dma_semaphore, #tpu.memory_space<semaphore_mem>>) src(%dma_wait3A_1254 : memref<50x32xf32, #tpu.memory_space<vmem>>) dst(%dma_wait3A_1251 : memref<50x32xf32, #tpu.memory_space<hbm>>)
      %dma_wait3A_1255 = arith.constant 50 : i32
      %dma_wait3A_1256 = arith.constant 0 : i32
      %dma_wait3A_1257 = tpu.memref_slice %arg6[%dma_wait3A_1255, %dma_wait3A_1256] : memref<1600x32xf32, #tpu.memory_space<vmem>> -> memref<50x32xf32, #tpu.memory_space<vmem>>
      %dma_wait3A_1258 = arith.constant 0 : i32
      %dma_wait3A_1259 = arith.constant 0 : i32
      %dma_wait3A_1260 = tpu.memref_slice %arg4[%add3A_595, %dma_wait3A_1258, %dma_wait3A_1259] : memref<16384x50x32xf32, #tpu.memory_space<hbm>> -> memref<1x50x32xf32, #tpu.memory_space<hbm>>
      %dma_wait3A_1261 = tpu.memref_squeeze %dma_wait3A_1260 : memref<1x50x32xf32, #tpu.memory_space<hbm>> -> memref<50x32xf32, #tpu.memory_space<hbm>>
      %dma_wait3A_1262 = arith.constant 0 : i32
      %dma_wait3A_1263 = arith.constant 0 : i32
      %dma_wait3A_1264 = tpu.memref_slice %arg4[%add3A_595, %dma_wait3A_1262, %dma_wait3A_1263] : memref<16384x50x32xf32, #tpu.memory_space<hbm>> -> memref<1x50x32xf32, #tpu.memory_space<hbm>>
      %dma_wait3A_1265 = tpu.memref_squeeze %dma_wait3A_1264 : memref<1x50x32xf32, #tpu.memory_space<hbm>> -> memref<50x32xf32, #tpu.memory_space<hbm>>
      %dma_wait3A_1266 = arith.constant 50 : i32
      %dma_wait3A_1267 = arith.constant 0 : i32
      %dma_wait3A_1268 = tpu.memref_slice %arg6[%dma_wait3A_1266, %dma_wait3A_1267] : memref<1600x32xf32, #tpu.memory_space<vmem>> -> memref<50x32xf32, #tpu.memory_space<vmem>>
      tpu.wait_dma2 semaphore(%arg9 : memref<!tpu.dma_semaphore, #tpu.memory_space<semaphore_mem>>) src(%dma_wait3A_1268 : memref<50x32xf32, #tpu.memory_space<vmem>>) dst(%dma_wait3A_1265 : memref<50x32xf32, #tpu.memory_space<hbm>>)
      %dma_wait3A_1269 = arith.constant 100 : i32
      %dma_wait3A_1270 = arith.constant 0 : i32
      %dma_wait3A_1271 = tpu.memref_slice %arg6[%dma_wait3A_1269, %dma_wait3A_1270] : memref<1600x32xf32, #tpu.memory_space<vmem>> -> memref<50x32xf32, #tpu.memory_space<vmem>>
      %dma_wait3A_1272 = arith.constant 0 : i32
      %dma_wait3A_1273 = arith.constant 0 : i32
      %dma_wait3A_1274 = tpu.memref_slice %arg4[%add3A_611, %dma_wait3A_1272, %dma_wait3A_1273] : memref<16384x50x32xf32, #tpu.memory_space<hbm>> -> memref<1x50x32xf32, #tpu.memory_space<hbm>>
      %dma_wait3A_1275 = tpu.memref_squeeze %dma_wait3A_1274 : memref<1x50x32xf32, #tpu.memory_space<hbm>> -> memref<50x32xf32, #tpu.memory_space<hbm>>
      %dma_wait3A_1276 = arith.constant 0 : i32
      %dma_wait3A_1277 = arith.constant 0 : i32
      %dma_wait3A_1278 = tpu.memref_slice %arg4[%add3A_611, %dma_wait3A_1276, %dma_wait3A_1277] : memref<16384x50x32xf32, #tpu.memory_space<hbm>> -> memref<1x50x32xf32, #tpu.memory_space<hbm>>
      %dma_wait3A_1279 = tpu.memref_squeeze %dma_wait3A_1278 : memref<1x50x32xf32, #tpu.memory_space<hbm>> -> memref<50x32xf32, #tpu.memory_space<hbm>>
      %dma_wait3A_1280 = arith.constant 100 : i32
      %dma_wait3A_1281 = arith.constant 0 : i32
      %dma_wait3A_1282 = tpu.memref_slice %arg6[%dma_wait3A_1280, %dma_wait3A_1281] : memref<1600x32xf32, #tpu.memory_space<vmem>> -> memref<50x32xf32, #tpu.memory_space<vmem>>
      tpu.wait_dma2 semaphore(%arg9 : memref<!tpu.dma_semaphore, #tpu.memory_space<semaphore_mem>>) src(%dma_wait3A_1282 : memref<50x32xf32, #tpu.memory_space<vmem>>) dst(%dma_wait3A_1279 : memref<50x32xf32, #tpu.memory_space<hbm>>)
      %dma_wait3A_1283 = arith.constant 150 : i32
      %dma_wait3A_1284 = arith.constant 0 : i32
      %dma_wait3A_1285 = tpu.memref_slice %arg6[%dma_wait3A_1283, %dma_wait3A_1284] : memref<1600x32xf32, #tpu.memory_space<vmem>> -> memref<50x32xf32, #tpu.memory_space<vmem>>
      %dma_wait3A_1286 = arith.constant 0 : i32
      %dma_wait3A_1287 = arith.constant 0 : i32
      %dma_wait3A_1288 = tpu.memref_slice %arg4[%add3A_627, %dma_wait3A_1286, %dma_wait3A_1287] : memref<16384x50x32xf32, #tpu.memory_space<hbm>> -> memref<1x50x32xf32, #tpu.memory_space<hbm>>
      %dma_wait3A_1289 = tpu.memref_squeeze %dma_wait3A_1288 : memref<1x50x32xf32, #tpu.memory_space<hbm>> -> memref<50x32xf32, #tpu.memory_space<hbm>>
      %dma_wait3A_1290 = arith.constant 0 : i32
      %dma_wait3A_1291 = arith.constant 0 : i32
      %dma_wait3A_1292 = tpu.memref_slice %arg4[%add3A_627, %dma_wait3A_1290, %dma_wait3A_1291] : memref<16384x50x32xf32, #tpu.memory_space<hbm>> -> memref<1x50x32xf32, #tpu.memory_space<hbm>>
      %dma_wait3A_1293 = tpu.memref_squeeze %dma_wait3A_1292 : memref<1x50x32xf32, #tpu.memory_space<hbm>> -> memref<50x32xf32, #tpu.memory_space<hbm>>
      %dma_wait3A_1294 = arith.constant 150 : i32
      %dma_wait3A_1295 = arith.constant 0 : i32
      %dma_wait3A_1296 = tpu.memref_slice %arg6[%dma_wait3A_1294, %dma_wait3A_1295] : memref<1600x32xf32, #tpu.memory_space<vmem>> -> memref<50x32xf32, #tpu.memory_space<vmem>>
      tpu.wait_dma2 semaphore(%arg9 : memref<!tpu.dma_semaphore, #tpu.memory_space<semaphore_mem>>) src(%dma_wait3A_1296 : memref<50x32xf32, #tpu.memory_space<vmem>>) dst(%dma_wait3A_1293 : memref<50x32xf32, #tpu.memory_space<hbm>>)
      %dma_wait3A_1297 = arith.constant 200 : i32
      %dma_wait3A_1298 = arith.constant 0 : i32
      %dma_wait3A_1299 = tpu.memref_slice %arg6[%dma_wait3A_1297, %dma_wait3A_1298] : memref<1600x32xf32, #tpu.memory_space<vmem>> -> memref<50x32xf32, #tpu.memory_space<vmem>>
      %dma_wait3A_1300 = arith.constant 0 : i32
      %dma_wait3A_1301 = arith.constant 0 : i32
      %dma_wait3A_1302 = tpu.memref_slice %arg4[%add3A_643, %dma_wait3A_1300, %dma_wait3A_1301] : memref<16384x50x32xf32, #tpu.memory_space<hbm>> -> memref<1x50x32xf32, #tpu.memory_space<hbm>>
      %dma_wait3A_1303 = tpu.memref_squeeze %dma_wait3A_1302 : memref<1x50x32xf32, #tpu.memory_space<hbm>> -> memref<50x32xf32, #tpu.memory_space<hbm>>
      %dma_wait3A_1304 = arith.constant 0 : i32
      %dma_wait3A_1305 = arith.constant 0 : i32
      %dma_wait3A_1306 = tpu.memref_slice %arg4[%add3A_643, %dma_wait3A_1304, %dma_wait3A_1305] : memref<16384x50x32xf32, #tpu.memory_space<hbm>> -> memref<1x50x32xf32, #tpu.memory_space<hbm>>
      %dma_wait3A_1307 = tpu.memref_squeeze %dma_wait3A_1306 : memref<1x50x32xf32, #tpu.memory_space<hbm>> -> memref<50x32xf32, #tpu.memory_space<hbm>>
      %dma_wait3A_1308 = arith.constant 200 : i32
      %dma_wait3A_1309 = arith.constant 0 : i32
      %dma_wait3A_1310 = tpu.memref_slice %arg6[%dma_wait3A_1308, %dma_wait3A_1309] : memref<1600x32xf32, #tpu.memory_space<vmem>> -> memref<50x32xf32, #tpu.memory_space<vmem>>
      tpu.wait_dma2 semaphore(%arg9 : memref<!tpu.dma_semaphore, #tpu.memory_space<semaphore_mem>>) src(%dma_wait3A_1310 : memref<50x32xf32, #tpu.memory_space<vmem>>) dst(%dma_wait3A_1307 : memref<50x32xf32, #tpu.memory_space<hbm>>)
      %dma_wait3A_1311 = arith.constant 250 : i32
      %dma_wait3A_1312 = arith.constant 0 : i32
      %dma_wait3A_1313 = tpu.memref_slice %arg6[%dma_wait3A_1311, %dma_wait3A_1312] : memref<1600x32xf32, #tpu.memory_space<vmem>> -> memref<50x32xf32, #tpu.memory_space<vmem>>
      %dma_wait3A_1314 = arith.constant 0 : i32
      %dma_wait3A_1315 = arith.constant 0 : i32
      %dma_wait3A_1316 = tpu.memref_slice %arg4[%add3A_659, %dma_wait3A_1314, %dma_wait3A_1315] : memref<16384x50x32xf32, #tpu.memory_space<hbm>> -> memref<1x50x32xf32, #tpu.memory_space<hbm>>
      %dma_wait3A_1317 = tpu.memref_squeeze %dma_wait3A_1316 : memref<1x50x32xf32, #tpu.memory_space<hbm>> -> memref<50x32xf32, #tpu.memory_space<hbm>>
      %dma_wait3A_1318 = arith.constant 0 : i32
      %dma_wait3A_1319 = arith.constant 0 : i32
      %dma_wait3A_1320 = tpu.memref_slice %arg4[%add3A_659, %dma_wait3A_1318, %dma_wait3A_1319] : memref<16384x50x32xf32, #tpu.memory_space<hbm>> -> memref<1x50x32xf32, #tpu.memory_space<hbm>>
      %dma_wait3A_1321 = tpu.memref_squeeze %dma_wait3A_1320 : memref<1x50x32xf32, #tpu.memory_space<hbm>> -> memref<50x32xf32, #tpu.memory_space<hbm>>
      %dma_wait3A_1322 = arith.constant 250 : i32
      %dma_wait3A_1323 = arith.constant 0 : i32
      %dma_wait3A_1324 = tpu.memref_slice %arg6[%dma_wait3A_1322, %dma_wait3A_1323] : memref<1600x32xf32, #tpu.memory_space<vmem>> -> memref<50x32xf32, #tpu.memory_space<vmem>>
      tpu.wait_dma2 semaphore(%arg9 : memref<!tpu.dma_semaphore, #tpu.memory_space<semaphore_mem>>) src(%dma_wait3A_1324 : memref<50x32xf32, #tpu.memory_space<vmem>>) dst(%dma_wait3A_1321 : memref<50x32xf32, #tpu.memory_space<hbm>>)
      %dma_wait3A_1325 = arith.constant 300 : i32
      %dma_wait3A_1326 = arith.constant 0 : i32
      %dma_wait3A_1327 = tpu.memref_slice %arg6[%dma_wait3A_1325, %dma_wait3A_1326] : memref<1600x32xf32, #tpu.memory_space<vmem>> -> memref<50x32xf32, #tpu.memory_space<vmem>>
      %dma_wait3A_1328 = arith.constant 0 : i32
      %dma_wait3A_1329 = arith.constant 0 : i32
      %dma_wait3A_1330 = tpu.memref_slice %arg4[%add3A_675, %dma_wait3A_1328, %dma_wait3A_1329] : memref<16384x50x32xf32, #tpu.memory_space<hbm>> -> memref<1x50x32xf32, #tpu.memory_space<hbm>>
      %dma_wait3A_1331 = tpu.memref_squeeze %dma_wait3A_1330 : memref<1x50x32xf32, #tpu.memory_space<hbm>> -> memref<50x32xf32, #tpu.memory_space<hbm>>
      %dma_wait3A_1332 = arith.constant 0 : i32
      %dma_wait3A_1333 = arith.constant 0 : i32
      %dma_wait3A_1334 = tpu.memref_slice %arg4[%add3A_675, %dma_wait3A_1332, %dma_wait3A_1333] : memref<16384x50x32xf32, #tpu.memory_space<hbm>> -> memref<1x50x32xf32, #tpu.memory_space<hbm>>
      %dma_wait3A_1335 = tpu.memref_squeeze %dma_wait3A_1334 : memref<1x50x32xf32, #tpu.memory_space<hbm>> -> memref<50x32xf32, #tpu.memory_space<hbm>>
      %dma_wait3A_1336 = arith.constant 300 : i32
      %dma_wait3A_1337 = arith.constant 0 : i32
      %dma_wait3A_1338 = tpu.memref_slice %arg6[%dma_wait3A_1336, %dma_wait3A_1337] : memref<1600x32xf32, #tpu.memory_space<vmem>> -> memref<50x32xf32, #tpu.memory_space<vmem>>
      tpu.wait_dma2 semaphore(%arg9 : memref<!tpu.dma_semaphore, #tpu.memory_space<semaphore_mem>>) src(%dma_wait3A_1338 : memref<50x32xf32, #tpu.memory_space<vmem>>) dst(%dma_wait3A_1335 : memref<50x32xf32, #tpu.memory_space<hbm>>)
      %dma_wait3A_1339 = arith.constant 350 : i32
      %dma_wait3A_1340 = arith.constant 0 : i32
      %dma_wait3A_1341 = tpu.memref_slice %arg6[%dma_wait3A_1339, %dma_wait3A_1340] : memref<1600x32xf32, #tpu.memory_space<vmem>> -> memref<50x32xf32, #tpu.memory_space<vmem>>
      %dma_wait3A_1342 = arith.constant 0 : i32
      %dma_wait3A_1343 = arith.constant 0 : i32
      %dma_wait3A_1344 = tpu.memref_slice %arg4[%add3A_691, %dma_wait3A_1342, %dma_wait3A_1343] : memref<16384x50x32xf32, #tpu.memory_space<hbm>> -> memref<1x50x32xf32, #tpu.memory_space<hbm>>
      %dma_wait3A_1345 = tpu.memref_squeeze %dma_wait3A_1344 : memref<1x50x32xf32, #tpu.memory_space<hbm>> -> memref<50x32xf32, #tpu.memory_space<hbm>>
      %dma_wait3A_1346 = arith.constant 0 : i32
      %dma_wait3A_1347 = arith.constant 0 : i32
      %dma_wait3A_1348 = tpu.memref_slice %arg4[%add3A_691, %dma_wait3A_1346, %dma_wait3A_1347] : memref<16384x50x32xf32, #tpu.memory_space<hbm>> -> memref<1x50x32xf32, #tpu.memory_space<hbm>>
      %dma_wait3A_1349 = tpu.memref_squeeze %dma_wait3A_1348 : memref<1x50x32xf32, #tpu.memory_space<hbm>> -> memref<50x32xf32, #tpu.memory_space<hbm>>
      %dma_wait3A_1350 = arith.constant 350 : i32
      %dma_wait3A_1351 = arith.constant 0 : i32
      %dma_wait3A_1352 = tpu.memref_slice %arg6[%dma_wait3A_1350, %dma_wait3A_1351] : memref<1600x32xf32, #tpu.memory_space<vmem>> -> memref<50x32xf32, #tpu.memory_space<vmem>>
      tpu.wait_dma2 semaphore(%arg9 : memref<!tpu.dma_semaphore, #tpu.memory_space<semaphore_mem>>) src(%dma_wait3A_1352 : memref<50x32xf32, #tpu.memory_space<vmem>>) dst(%dma_wait3A_1349 : memref<50x32xf32, #tpu.memory_space<hbm>>)
      %dma_wait3A_1353 = arith.constant 400 : i32
      %dma_wait3A_1354 = arith.constant 0 : i32
      %dma_wait3A_1355 = tpu.memref_slice %arg6[%dma_wait3A_1353, %dma_wait3A_1354] : memref<1600x32xf32, #tpu.memory_space<vmem>> -> memref<50x32xf32, #tpu.memory_space<vmem>>
      %dma_wait3A_1356 = arith.constant 0 : i32
      %dma_wait3A_1357 = arith.constant 0 : i32
      %dma_wait3A_1358 = tpu.memref_slice %arg4[%add3A_707, %dma_wait3A_1356, %dma_wait3A_1357] : memref<16384x50x32xf32, #tpu.memory_space<hbm>> -> memref<1x50x32xf32, #tpu.memory_space<hbm>>
      %dma_wait3A_1359 = tpu.memref_squeeze %dma_wait3A_1358 : memref<1x50x32xf32, #tpu.memory_space<hbm>> -> memref<50x32xf32, #tpu.memory_space<hbm>>
      %dma_wait3A_1360 = arith.constant 0 : i32
      %dma_wait3A_1361 = arith.constant 0 : i32
      %dma_wait3A_1362 = tpu.memref_slice %arg4[%add3A_707, %dma_wait3A_1360, %dma_wait3A_1361] : memref<16384x50x32xf32, #tpu.memory_space<hbm>> -> memref<1x50x32xf32, #tpu.memory_space<hbm>>
      %dma_wait3A_1363 = tpu.memref_squeeze %dma_wait3A_1362 : memref<1x50x32xf32, #tpu.memory_space<hbm>> -> memref<50x32xf32, #tpu.memory_space<hbm>>
      %dma_wait3A_1364 = arith.constant 400 : i32
      %dma_wait3A_1365 = arith.constant 0 : i32
      %dma_wait3A_1366 = tpu.memref_slice %arg6[%dma_wait3A_1364, %dma_wait3A_1365] : memref<1600x32xf32, #tpu.memory_space<vmem>> -> memref<50x32xf32, #tpu.memory_space<vmem>>
      tpu.wait_dma2 semaphore(%arg9 : memref<!tpu.dma_semaphore, #tpu.memory_space<semaphore_mem>>) src(%dma_wait3A_1366 : memref<50x32xf32, #tpu.memory_space<vmem>>) dst(%dma_wait3A_1363 : memref<50x32xf32, #tpu.memory_space<hbm>>)
      %dma_wait3A_1367 = arith.constant 450 : i32
      %dma_wait3A_1368 = arith.constant 0 : i32
      %dma_wait3A_1369 = tpu.memref_slice %arg6[%dma_wait3A_1367, %dma_wait3A_1368] : memref<1600x32xf32, #tpu.memory_space<vmem>> -> memref<50x32xf32, #tpu.memory_space<vmem>>
      %dma_wait3A_1370 = arith.constant 0 : i32
      %dma_wait3A_1371 = arith.constant 0 : i32
      %dma_wait3A_1372 = tpu.memref_slice %arg4[%add3A_723, %dma_wait3A_1370, %dma_wait3A_1371] : memref<16384x50x32xf32, #tpu.memory_space<hbm>> -> memref<1x50x32xf32, #tpu.memory_space<hbm>>
      %dma_wait3A_1373 = tpu.memref_squeeze %dma_wait3A_1372 : memref<1x50x32xf32, #tpu.memory_space<hbm>> -> memref<50x32xf32, #tpu.memory_space<hbm>>
      %dma_wait3A_1374 = arith.constant 0 : i32
      %dma_wait3A_1375 = arith.constant 0 : i32
      %dma_wait3A_1376 = tpu.memref_slice %arg4[%add3A_723, %dma_wait3A_1374, %dma_wait3A_1375] : memref<16384x50x32xf32, #tpu.memory_space<hbm>> -> memref<1x50x32xf32, #tpu.memory_space<hbm>>
      %dma_wait3A_1377 = tpu.memref_squeeze %dma_wait3A_1376 : memref<1x50x32xf32, #tpu.memory_space<hbm>> -> memref<50x32xf32, #tpu.memory_space<hbm>>
      %dma_wait3A_1378 = arith.constant 450 : i32
      %dma_wait3A_1379 = arith.constant 0 : i32
      %dma_wait3A_1380 = tpu.memref_slice %arg6[%dma_wait3A_1378, %dma_wait3A_1379] : memref<1600x32xf32, #tpu.memory_space<vmem>> -> memref<50x32xf32, #tpu.memory_space<vmem>>
      tpu.wait_dma2 semaphore(%arg9 : memref<!tpu.dma_semaphore, #tpu.memory_space<semaphore_mem>>) src(%dma_wait3A_1380 : memref<50x32xf32, #tpu.memory_space<vmem>>) dst(%dma_wait3A_1377 : memref<50x32xf32, #tpu.memory_space<hbm>>)
      %dma_wait3A_1381 = arith.constant 500 : i32
      %dma_wait3A_1382 = arith.constant 0 : i32
      %dma_wait3A_1383 = tpu.memref_slice %arg6[%dma_wait3A_1381, %dma_wait3A_1382] : memref<1600x32xf32, #tpu.memory_space<vmem>> -> memref<50x32xf32, #tpu.memory_space<vmem>>
      %dma_wait3A_1384 = arith.constant 0 : i32
      %dma_wait3A_1385 = arith.constant 0 : i32
      %dma_wait3A_1386 = tpu.memref_slice %arg4[%add3A_739, %dma_wait3A_1384, %dma_wait3A_1385] : memref<16384x50x32xf32, #tpu.memory_space<hbm>> -> memref<1x50x32xf32, #tpu.memory_space<hbm>>
      %dma_wait3A_1387 = tpu.memref_squeeze %dma_wait3A_1386 : memref<1x50x32xf32, #tpu.memory_space<hbm>> -> memref<50x32xf32, #tpu.memory_space<hbm>>
      %dma_wait3A_1388 = arith.constant 0 : i32
      %dma_wait3A_1389 = arith.constant 0 : i32
      %dma_wait3A_1390 = tpu.memref_slice %arg4[%add3A_739, %dma_wait3A_1388, %dma_wait3A_1389] : memref<16384x50x32xf32, #tpu.memory_space<hbm>> -> memref<1x50x32xf32, #tpu.memory_space<hbm>>
      %dma_wait3A_1391 = tpu.memref_squeeze %dma_wait3A_1390 : memref<1x50x32xf32, #tpu.memory_space<hbm>> -> memref<50x32xf32, #tpu.memory_space<hbm>>
      %dma_wait3A_1392 = arith.constant 500 : i32
      %dma_wait3A_1393 = arith.constant 0 : i32
      %dma_wait3A_1394 = tpu.memref_slice %arg6[%dma_wait3A_1392, %dma_wait3A_1393] : memref<1600x32xf32, #tpu.memory_space<vmem>> -> memref<50x32xf32, #tpu.memory_space<vmem>>
      tpu.wait_dma2 semaphore(%arg9 : memref<!tpu.dma_semaphore, #tpu.memory_space<semaphore_mem>>) src(%dma_wait3A_1394 : memref<50x32xf32, #tpu.memory_space<vmem>>) dst(%dma_wait3A_1391 : memref<50x32xf32, #tpu.memory_space<hbm>>)
      %dma_wait3A_1395 = arith.constant 550 : i32
      %dma_wait3A_1396 = arith.constant 0 : i32
      %dma_wait3A_1397 = tpu.memref_slice %arg6[%dma_wait3A_1395, %dma_wait3A_1396] : memref<1600x32xf32, #tpu.memory_space<vmem>> -> memref<50x32xf32, #tpu.memory_space<vmem>>
      %dma_wait3A_1398 = arith.constant 0 : i32
      %dma_wait3A_1399 = arith.constant 0 : i32
      %dma_wait3A_1400 = tpu.memref_slice %arg4[%add3A_755, %dma_wait3A_1398, %dma_wait3A_1399] : memref<16384x50x32xf32, #tpu.memory_space<hbm>> -> memref<1x50x32xf32, #tpu.memory_space<hbm>>
      %dma_wait3A_1401 = tpu.memref_squeeze %dma_wait3A_1400 : memref<1x50x32xf32, #tpu.memory_space<hbm>> -> memref<50x32xf32, #tpu.memory_space<hbm>>
      %dma_wait3A_1402 = arith.constant 0 : i32
      %dma_wait3A_1403 = arith.constant 0 : i32
      %dma_wait3A_1404 = tpu.memref_slice %arg4[%add3A_755, %dma_wait3A_1402, %dma_wait3A_1403] : memref<16384x50x32xf32, #tpu.memory_space<hbm>> -> memref<1x50x32xf32, #tpu.memory_space<hbm>>
      %dma_wait3A_1405 = tpu.memref_squeeze %dma_wait3A_1404 : memref<1x50x32xf32, #tpu.memory_space<hbm>> -> memref<50x32xf32, #tpu.memory_space<hbm>>
      %dma_wait3A_1406 = arith.constant 550 : i32
      %dma_wait3A_1407 = arith.constant 0 : i32
      %dma_wait3A_1408 = tpu.memref_slice %arg6[%dma_wait3A_1406, %dma_wait3A_1407] : memref<1600x32xf32, #tpu.memory_space<vmem>> -> memref<50x32xf32, #tpu.memory_space<vmem>>
      tpu.wait_dma2 semaphore(%arg9 : memref<!tpu.dma_semaphore, #tpu.memory_space<semaphore_mem>>) src(%dma_wait3A_1408 : memref<50x32xf32, #tpu.memory_space<vmem>>) dst(%dma_wait3A_1405 : memref<50x32xf32, #tpu.memory_space<hbm>>)
      %dma_wait3A_1409 = arith.constant 600 : i32
      %dma_wait3A_1410 = arith.constant 0 : i32
      %dma_wait3A_1411 = tpu.memref_slice %arg6[%dma_wait3A_1409, %dma_wait3A_1410] : memref<1600x32xf32, #tpu.memory_space<vmem>> -> memref<50x32xf32, #tpu.memory_space<vmem>>
      %dma_wait3A_1412 = arith.constant 0 : i32
      %dma_wait3A_1413 = arith.constant 0 : i32
      %dma_wait3A_1414 = tpu.memref_slice %arg4[%add3A_771, %dma_wait3A_1412, %dma_wait3A_1413] : memref<16384x50x32xf32, #tpu.memory_space<hbm>> -> memref<1x50x32xf32, #tpu.memory_space<hbm>>
      %dma_wait3A_1415 = tpu.memref_squeeze %dma_wait3A_1414 : memref<1x50x32xf32, #tpu.memory_space<hbm>> -> memref<50x32xf32, #tpu.memory_space<hbm>>
      %dma_wait3A_1416 = arith.constant 0 : i32
      %dma_wait3A_1417 = arith.constant 0 : i32
      %dma_wait3A_1418 = tpu.memref_slice %arg4[%add3A_771, %dma_wait3A_1416, %dma_wait3A_1417] : memref<16384x50x32xf32, #tpu.memory_space<hbm>> -> memref<1x50x32xf32, #tpu.memory_space<hbm>>
      %dma_wait3A_1419 = tpu.memref_squeeze %dma_wait3A_1418 : memref<1x50x32xf32, #tpu.memory_space<hbm>> -> memref<50x32xf32, #tpu.memory_space<hbm>>
      %dma_wait3A_1420 = arith.constant 600 : i32
      %dma_wait3A_1421 = arith.constant 0 : i32
      %dma_wait3A_1422 = tpu.memref_slice %arg6[%dma_wait3A_1420, %dma_wait3A_1421] : memref<1600x32xf32, #tpu.memory_space<vmem>> -> memref<50x32xf32, #tpu.memory_space<vmem>>
      tpu.wait_dma2 semaphore(%arg9 : memref<!tpu.dma_semaphore, #tpu.memory_space<semaphore_mem>>) src(%dma_wait3A_1422 : memref<50x32xf32, #tpu.memory_space<vmem>>) dst(%dma_wait3A_1419 : memref<50x32xf32, #tpu.memory_space<hbm>>)
      %dma_wait3A_1423 = arith.constant 650 : i32
      %dma_wait3A_1424 = arith.constant 0 : i32
      %dma_wait3A_1425 = tpu.memref_slice %arg6[%dma_wait3A_1423, %dma_wait3A_1424] : memref<1600x32xf32, #tpu.memory_space<vmem>> -> memref<50x32xf32, #tpu.memory_space<vmem>>
      %dma_wait3A_1426 = arith.constant 0 : i32
      %dma_wait3A_1427 = arith.constant 0 : i32
      %dma_wait3A_1428 = tpu.memref_slice %arg4[%add3A_787, %dma_wait3A_1426, %dma_wait3A_1427] : memref<16384x50x32xf32, #tpu.memory_space<hbm>> -> memref<1x50x32xf32, #tpu.memory_space<hbm>>
      %dma_wait3A_1429 = tpu.memref_squeeze %dma_wait3A_1428 : memref<1x50x32xf32, #tpu.memory_space<hbm>> -> memref<50x32xf32, #tpu.memory_space<hbm>>
      %dma_wait3A_1430 = arith.constant 0 : i32
      %dma_wait3A_1431 = arith.constant 0 : i32
      %dma_wait3A_1432 = tpu.memref_slice %arg4[%add3A_787, %dma_wait3A_1430, %dma_wait3A_1431] : memref<16384x50x32xf32, #tpu.memory_space<hbm>> -> memref<1x50x32xf32, #tpu.memory_space<hbm>>
      %dma_wait3A_1433 = tpu.memref_squeeze %dma_wait3A_1432 : memref<1x50x32xf32, #tpu.memory_space<hbm>> -> memref<50x32xf32, #tpu.memory_space<hbm>>
      %dma_wait3A_1434 = arith.constant 650 : i32
      %dma_wait3A_1435 = arith.constant 0 : i32
      %dma_wait3A_1436 = tpu.memref_slice %arg6[%dma_wait3A_1434, %dma_wait3A_1435] : memref<1600x32xf32, #tpu.memory_space<vmem>> -> memref<50x32xf32, #tpu.memory_space<vmem>>
      tpu.wait_dma2 semaphore(%arg9 : memref<!tpu.dma_semaphore, #tpu.memory_space<semaphore_mem>>) src(%dma_wait3A_1436 : memref<50x32xf32, #tpu.memory_space<vmem>>) dst(%dma_wait3A_1433 : memref<50x32xf32, #tpu.memory_space<hbm>>)
      %dma_wait3A_1437 = arith.constant 700 : i32
      %dma_wait3A_1438 = arith.constant 0 : i32
      %dma_wait3A_1439 = tpu.memref_slice %arg6[%dma_wait3A_1437, %dma_wait3A_1438] : memref<1600x32xf32, #tpu.memory_space<vmem>> -> memref<50x32xf32, #tpu.memory_space<vmem>>
      %dma_wait3A_1440 = arith.constant 0 : i32
      %dma_wait3A_1441 = arith.constant 0 : i32
      %dma_wait3A_1442 = tpu.memref_slice %arg4[%add3A_803, %dma_wait3A_1440, %dma_wait3A_1441] : memref<16384x50x32xf32, #tpu.memory_space<hbm>> -> memref<1x50x32xf32, #tpu.memory_space<hbm>>
      %dma_wait3A_1443 = tpu.memref_squeeze %dma_wait3A_1442 : memref<1x50x32xf32, #tpu.memory_space<hbm>> -> memref<50x32xf32, #tpu.memory_space<hbm>>
      %dma_wait3A_1444 = arith.constant 0 : i32
      %dma_wait3A_1445 = arith.constant 0 : i32
      %dma_wait3A_1446 = tpu.memref_slice %arg4[%add3A_803, %dma_wait3A_1444, %dma_wait3A_1445] : memref<16384x50x32xf32, #tpu.memory_space<hbm>> -> memref<1x50x32xf32, #tpu.memory_space<hbm>>
      %dma_wait3A_1447 = tpu.memref_squeeze %dma_wait3A_1446 : memref<1x50x32xf32, #tpu.memory_space<hbm>> -> memref<50x32xf32, #tpu.memory_space<hbm>>
      %dma_wait3A_1448 = arith.constant 700 : i32
      %dma_wait3A_1449 = arith.constant 0 : i32
      %dma_wait3A_1450 = tpu.memref_slice %arg6[%dma_wait3A_1448, %dma_wait3A_1449] : memref<1600x32xf32, #tpu.memory_space<vmem>> -> memref<50x32xf32, #tpu.memory_space<vmem>>
      tpu.wait_dma2 semaphore(%arg9 : memref<!tpu.dma_semaphore, #tpu.memory_space<semaphore_mem>>) src(%dma_wait3A_1450 : memref<50x32xf32, #tpu.memory_space<vmem>>) dst(%dma_wait3A_1447 : memref<50x32xf32, #tpu.memory_space<hbm>>)
      %dma_wait3A_1451 = arith.constant 750 : i32
      %dma_wait3A_1452 = arith.constant 0 : i32
      %dma_wait3A_1453 = tpu.memref_slice %arg6[%dma_wait3A_1451, %dma_wait3A_1452] : memref<1600x32xf32, #tpu.memory_space<vmem>> -> memref<50x32xf32, #tpu.memory_space<vmem>>
      %dma_wait3A_1454 = arith.constant 0 : i32
      %dma_wait3A_1455 = arith.constant 0 : i32
      %dma_wait3A_1456 = tpu.memref_slice %arg4[%add3A_819, %dma_wait3A_1454, %dma_wait3A_1455] : memref<16384x50x32xf32, #tpu.memory_space<hbm>> -> memref<1x50x32xf32, #tpu.memory_space<hbm>>
      %dma_wait3A_1457 = tpu.memref_squeeze %dma_wait3A_1456 : memref<1x50x32xf32, #tpu.memory_space<hbm>> -> memref<50x32xf32, #tpu.memory_space<hbm>>
      %dma_wait3A_1458 = arith.constant 0 : i32
      %dma_wait3A_1459 = arith.constant 0 : i32
      %dma_wait3A_1460 = tpu.memref_slice %arg4[%add3A_819, %dma_wait3A_1458, %dma_wait3A_1459] : memref<16384x50x32xf32, #tpu.memory_space<hbm>> -> memref<1x50x32xf32, #tpu.memory_space<hbm>>
      %dma_wait3A_1461 = tpu.memref_squeeze %dma_wait3A_1460 : memref<1x50x32xf32, #tpu.memory_space<hbm>> -> memref<50x32xf32, #tpu.memory_space<hbm>>
      %dma_wait3A_1462 = arith.constant 750 : i32
      %dma_wait3A_1463 = arith.constant 0 : i32
      %dma_wait3A_1464 = tpu.memref_slice %arg6[%dma_wait3A_1462, %dma_wait3A_1463] : memref<1600x32xf32, #tpu.memory_space<vmem>> -> memref<50x32xf32, #tpu.memory_space<vmem>>
      tpu.wait_dma2 semaphore(%arg9 : memref<!tpu.dma_semaphore, #tpu.memory_space<semaphore_mem>>) src(%dma_wait3A_1464 : memref<50x32xf32, #tpu.memory_space<vmem>>) dst(%dma_wait3A_1461 : memref<50x32xf32, #tpu.memory_space<hbm>>)
      %dma_wait3A_1465 = arith.constant 800 : i32
      %dma_wait3A_1466 = arith.constant 0 : i32
      %dma_wait3A_1467 = tpu.memref_slice %arg6[%dma_wait3A_1465, %dma_wait3A_1466] : memref<1600x32xf32, #tpu.memory_space<vmem>> -> memref<50x32xf32, #tpu.memory_space<vmem>>
      %dma_wait3A_1468 = arith.constant 0 : i32
      %dma_wait3A_1469 = arith.constant 0 : i32
      %dma_wait3A_1470 = tpu.memref_slice %arg4[%add3A_986, %dma_wait3A_1468, %dma_wait3A_1469] : memref<16384x50x32xf32, #tpu.memory_space<hbm>> -> memref<1x50x32xf32, #tpu.memory_space<hbm>>
      %dma_wait3A_1471 = tpu.memref_squeeze %dma_wait3A_1470 : memref<1x50x32xf32, #tpu.memory_space<hbm>> -> memref<50x32xf32, #tpu.memory_space<hbm>>
      %dma_wait3A_1472 = arith.constant 0 : i32
      %dma_wait3A_1473 = arith.constant 0 : i32
      %dma_wait3A_1474 = tpu.memref_slice %arg4[%add3A_986, %dma_wait3A_1472, %dma_wait3A_1473] : memref<16384x50x32xf32, #tpu.memory_space<hbm>> -> memref<1x50x32xf32, #tpu.memory_space<hbm>>
      %dma_wait3A_1475 = tpu.memref_squeeze %dma_wait3A_1474 : memref<1x50x32xf32, #tpu.memory_space<hbm>> -> memref<50x32xf32, #tpu.memory_space<hbm>>
      %dma_wait3A_1476 = arith.constant 800 : i32
      %dma_wait3A_1477 = arith.constant 0 : i32
      %dma_wait3A_1478 = tpu.memref_slice %arg6[%dma_wait3A_1476, %dma_wait3A_1477] : memref<1600x32xf32, #tpu.memory_space<vmem>> -> memref<50x32xf32, #tpu.memory_space<vmem>>
      tpu.wait_dma2 semaphore(%arg10 : memref<!tpu.dma_semaphore, #tpu.memory_space<semaphore_mem>>) src(%dma_wait3A_1478 : memref<50x32xf32, #tpu.memory_space<vmem>>) dst(%dma_wait3A_1475 : memref<50x32xf32, #tpu.memory_space<hbm>>)
      %dma_wait3A_1479 = arith.constant 850 : i32
      %dma_wait3A_1480 = arith.constant 0 : i32
      %dma_wait3A_1481 = tpu.memref_slice %arg6[%dma_wait3A_1479, %dma_wait3A_1480] : memref<1600x32xf32, #tpu.memory_space<vmem>> -> memref<50x32xf32, #tpu.memory_space<vmem>>
      %dma_wait3A_1482 = arith.constant 0 : i32
      %dma_wait3A_1483 = arith.constant 0 : i32
      %dma_wait3A_1484 = tpu.memref_slice %arg4[%add3A_1002, %dma_wait3A_1482, %dma_wait3A_1483] : memref<16384x50x32xf32, #tpu.memory_space<hbm>> -> memref<1x50x32xf32, #tpu.memory_space<hbm>>
      %dma_wait3A_1485 = tpu.memref_squeeze %dma_wait3A_1484 : memref<1x50x32xf32, #tpu.memory_space<hbm>> -> memref<50x32xf32, #tpu.memory_space<hbm>>
      %dma_wait3A_1486 = arith.constant 0 : i32
      %dma_wait3A_1487 = arith.constant 0 : i32
      %dma_wait3A_1488 = tpu.memref_slice %arg4[%add3A_1002, %dma_wait3A_1486, %dma_wait3A_1487] : memref<16384x50x32xf32, #tpu.memory_space<hbm>> -> memref<1x50x32xf32, #tpu.memory_space<hbm>>
      %dma_wait3A_1489 = tpu.memref_squeeze %dma_wait3A_1488 : memref<1x50x32xf32, #tpu.memory_space<hbm>> -> memref<50x32xf32, #tpu.memory_space<hbm>>
      %dma_wait3A_1490 = arith.constant 850 : i32
      %dma_wait3A_1491 = arith.constant 0 : i32
      %dma_wait3A_1492 = tpu.memref_slice %arg6[%dma_wait3A_1490, %dma_wait3A_1491] : memref<1600x32xf32, #tpu.memory_space<vmem>> -> memref<50x32xf32, #tpu.memory_space<vmem>>
      tpu.wait_dma2 semaphore(%arg10 : memref<!tpu.dma_semaphore, #tpu.memory_space<semaphore_mem>>) src(%dma_wait3A_1492 : memref<50x32xf32, #tpu.memory_space<vmem>>) dst(%dma_wait3A_1489 : memref<50x32xf32, #tpu.memory_space<hbm>>)
      %dma_wait3A_1493 = arith.constant 900 : i32
      %dma_wait3A_1494 = arith.constant 0 : i32
      %dma_wait3A_1495 = tpu.memref_slice %arg6[%dma_wait3A_1493, %dma_wait3A_1494] : memref<1600x32xf32, #tpu.memory_space<vmem>> -> memref<50x32xf32, #tpu.memory_space<vmem>>
      %dma_wait3A_1496 = arith.constant 0 : i32
      %dma_wait3A_1497 = arith.constant 0 : i32
      %dma_wait3A_1498 = tpu.memref_slice %arg4[%add3A_1018, %dma_wait3A_1496, %dma_wait3A_1497] : memref<16384x50x32xf32, #tpu.memory_space<hbm>> -> memref<1x50x32xf32, #tpu.memory_space<hbm>>
      %dma_wait3A_1499 = tpu.memref_squeeze %dma_wait3A_1498 : memref<1x50x32xf32, #tpu.memory_space<hbm>> -> memref<50x32xf32, #tpu.memory_space<hbm>>
      %dma_wait3A_1500 = arith.constant 0 : i32
      %dma_wait3A_1501 = arith.constant 0 : i32
      %dma_wait3A_1502 = tpu.memref_slice %arg4[%add3A_1018, %dma_wait3A_1500, %dma_wait3A_1501] : memref<16384x50x32xf32, #tpu.memory_space<hbm>> -> memref<1x50x32xf32, #tpu.memory_space<hbm>>
      %dma_wait3A_1503 = tpu.memref_squeeze %dma_wait3A_1502 : memref<1x50x32xf32, #tpu.memory_space<hbm>> -> memref<50x32xf32, #tpu.memory_space<hbm>>
      %dma_wait3A_1504 = arith.constant 900 : i32
      %dma_wait3A_1505 = arith.constant 0 : i32
      %dma_wait3A_1506 = tpu.memref_slice %arg6[%dma_wait3A_1504, %dma_wait3A_1505] : memref<1600x32xf32, #tpu.memory_space<vmem>> -> memref<50x32xf32, #tpu.memory_space<vmem>>
      tpu.wait_dma2 semaphore(%arg10 : memref<!tpu.dma_semaphore, #tpu.memory_space<semaphore_mem>>) src(%dma_wait3A_1506 : memref<50x32xf32, #tpu.memory_space<vmem>>) dst(%dma_wait3A_1503 : memref<50x32xf32, #tpu.memory_space<hbm>>)
      %dma_wait3A_1507 = arith.constant 950 : i32
      %dma_wait3A_1508 = arith.constant 0 : i32
      %dma_wait3A_1509 = tpu.memref_slice %arg6[%dma_wait3A_1507, %dma_wait3A_1508] : memref<1600x32xf32, #tpu.memory_space<vmem>> -> memref<50x32xf32, #tpu.memory_space<vmem>>
      %dma_wait3A_1510 = arith.constant 0 : i32
      %dma_wait3A_1511 = arith.constant 0 : i32
      %dma_wait3A_1512 = tpu.memref_slice %arg4[%add3A_1034, %dma_wait3A_1510, %dma_wait3A_1511] : memref<16384x50x32xf32, #tpu.memory_space<hbm>> -> memref<1x50x32xf32, #tpu.memory_space<hbm>>
      %dma_wait3A_1513 = tpu.memref_squeeze %dma_wait3A_1512 : memref<1x50x32xf32, #tpu.memory_space<hbm>> -> memref<50x32xf32, #tpu.memory_space<hbm>>
      %dma_wait3A_1514 = arith.constant 0 : i32
      %dma_wait3A_1515 = arith.constant 0 : i32
      %dma_wait3A_1516 = tpu.memref_slice %arg4[%add3A_1034, %dma_wait3A_1514, %dma_wait3A_1515] : memref<16384x50x32xf32, #tpu.memory_space<hbm>> -> memref<1x50x32xf32, #tpu.memory_space<hbm>>
      %dma_wait3A_1517 = tpu.memref_squeeze %dma_wait3A_1516 : memref<1x50x32xf32, #tpu.memory_space<hbm>> -> memref<50x32xf32, #tpu.memory_space<hbm>>
      %dma_wait3A_1518 = arith.constant 950 : i32
      %dma_wait3A_1519 = arith.constant 0 : i32
      %dma_wait3A_1520 = tpu.memref_slice %arg6[%dma_wait3A_1518, %dma_wait3A_1519] : memref<1600x32xf32, #tpu.memory_space<vmem>> -> memref<50x32xf32, #tpu.memory_space<vmem>>
      tpu.wait_dma2 semaphore(%arg10 : memref<!tpu.dma_semaphore, #tpu.memory_space<semaphore_mem>>) src(%dma_wait3A_1520 : memref<50x32xf32, #tpu.memory_space<vmem>>) dst(%dma_wait3A_1517 : memref<50x32xf32, #tpu.memory_space<hbm>>)
      %dma_wait3A_1521 = arith.constant 1000 : i32
      %dma_wait3A_1522 = arith.constant 0 : i32
      %dma_wait3A_1523 = tpu.memref_slice %arg6[%dma_wait3A_1521, %dma_wait3A_1522] : memref<1600x32xf32, #tpu.memory_space<vmem>> -> memref<50x32xf32, #tpu.memory_space<vmem>>
      %dma_wait3A_1524 = arith.constant 0 : i32
      %dma_wait3A_1525 = arith.constant 0 : i32
      %dma_wait3A_1526 = tpu.memref_slice %arg4[%add3A_1050, %dma_wait3A_1524, %dma_wait3A_1525] : memref<16384x50x32xf32, #tpu.memory_space<hbm>> -> memref<1x50x32xf32, #tpu.memory_space<hbm>>
      %dma_wait3A_1527 = tpu.memref_squeeze %dma_wait3A_1526 : memref<1x50x32xf32, #tpu.memory_space<hbm>> -> memref<50x32xf32, #tpu.memory_space<hbm>>
      %dma_wait3A_1528 = arith.constant 0 : i32
      %dma_wait3A_1529 = arith.constant 0 : i32
      %dma_wait3A_1530 = tpu.memref_slice %arg4[%add3A_1050, %dma_wait3A_1528, %dma_wait3A_1529] : memref<16384x50x32xf32, #tpu.memory_space<hbm>> -> memref<1x50x32xf32, #tpu.memory_space<hbm>>
      %dma_wait3A_1531 = tpu.memref_squeeze %dma_wait3A_1530 : memref<1x50x32xf32, #tpu.memory_space<hbm>> -> memref<50x32xf32, #tpu.memory_space<hbm>>
      %dma_wait3A_1532 = arith.constant 1000 : i32
      %dma_wait3A_1533 = arith.constant 0 : i32
      %dma_wait3A_1534 = tpu.memref_slice %arg6[%dma_wait3A_1532, %dma_wait3A_1533] : memref<1600x32xf32, #tpu.memory_space<vmem>> -> memref<50x32xf32, #tpu.memory_space<vmem>>
      tpu.wait_dma2 semaphore(%arg10 : memref<!tpu.dma_semaphore, #tpu.memory_space<semaphore_mem>>) src(%dma_wait3A_1534 : memref<50x32xf32, #tpu.memory_space<vmem>>) dst(%dma_wait3A_1531 : memref<50x32xf32, #tpu.memory_space<hbm>>)
      %dma_wait3A_1535 = arith.constant 1050 : i32
      %dma_wait3A_1536 = arith.constant 0 : i32
      %dma_wait3A_1537 = tpu.memref_slice %arg6[%dma_wait3A_1535, %dma_wait3A_1536] : memref<1600x32xf32, #tpu.memory_space<vmem>> -> memref<50x32xf32, #tpu.memory_space<vmem>>
      %dma_wait3A_1538 = arith.constant 0 : i32
      %dma_wait3A_1539 = arith.constant 0 : i32
      %dma_wait3A_1540 = tpu.memref_slice %arg4[%add3A_1066, %dma_wait3A_1538, %dma_wait3A_1539] : memref<16384x50x32xf32, #tpu.memory_space<hbm>> -> memref<1x50x32xf32, #tpu.memory_space<hbm>>
      %dma_wait3A_1541 = tpu.memref_squeeze %dma_wait3A_1540 : memref<1x50x32xf32, #tpu.memory_space<hbm>> -> memref<50x32xf32, #tpu.memory_space<hbm>>
      %dma_wait3A_1542 = arith.constant 0 : i32
      %dma_wait3A_1543 = arith.constant 0 : i32
      %dma_wait3A_1544 = tpu.memref_slice %arg4[%add3A_1066, %dma_wait3A_1542, %dma_wait3A_1543] : memref<16384x50x32xf32, #tpu.memory_space<hbm>> -> memref<1x50x32xf32, #tpu.memory_space<hbm>>
      %dma_wait3A_1545 = tpu.memref_squeeze %dma_wait3A_1544 : memref<1x50x32xf32, #tpu.memory_space<hbm>> -> memref<50x32xf32, #tpu.memory_space<hbm>>
      %dma_wait3A_1546 = arith.constant 1050 : i32
      %dma_wait3A_1547 = arith.constant 0 : i32
      %dma_wait3A_1548 = tpu.memref_slice %arg6[%dma_wait3A_1546, %dma_wait3A_1547] : memref<1600x32xf32, #tpu.memory_space<vmem>> -> memref<50x32xf32, #tpu.memory_space<vmem>>
      tpu.wait_dma2 semaphore(%arg10 : memref<!tpu.dma_semaphore, #tpu.memory_space<semaphore_mem>>) src(%dma_wait3A_1548 : memref<50x32xf32, #tpu.memory_space<vmem>>) dst(%dma_wait3A_1545 : memref<50x32xf32, #tpu.memory_space<hbm>>)
      %dma_wait3A_1549 = arith.constant 1100 : i32
      %dma_wait3A_1550 = arith.constant 0 : i32
      %dma_wait3A_1551 = tpu.memref_slice %arg6[%dma_wait3A_1549, %dma_wait3A_1550] : memref<1600x32xf32, #tpu.memory_space<vmem>> -> memref<50x32xf32, #tpu.memory_space<vmem>>
      %dma_wait3A_1552 = arith.constant 0 : i32
      %dma_wait3A_1553 = arith.constant 0 : i32
      %dma_wait3A_1554 = tpu.memref_slice %arg4[%add3A_1082, %dma_wait3A_1552, %dma_wait3A_1553] : memref<16384x50x32xf32, #tpu.memory_space<hbm>> -> memref<1x50x32xf32, #tpu.memory_space<hbm>>
      %dma_wait3A_1555 = tpu.memref_squeeze %dma_wait3A_1554 : memref<1x50x32xf32, #tpu.memory_space<hbm>> -> memref<50x32xf32, #tpu.memory_space<hbm>>
      %dma_wait3A_1556 = arith.constant 0 : i32
      %dma_wait3A_1557 = arith.constant 0 : i32
      %dma_wait3A_1558 = tpu.memref_slice %arg4[%add3A_1082, %dma_wait3A_1556, %dma_wait3A_1557] : memref<16384x50x32xf32, #tpu.memory_space<hbm>> -> memref<1x50x32xf32, #tpu.memory_space<hbm>>
      %dma_wait3A_1559 = tpu.memref_squeeze %dma_wait3A_1558 : memref<1x50x32xf32, #tpu.memory_space<hbm>> -> memref<50x32xf32, #tpu.memory_space<hbm>>
      %dma_wait3A_1560 = arith.constant 1100 : i32
      %dma_wait3A_1561 = arith.constant 0 : i32
      %dma_wait3A_1562 = tpu.memref_slice %arg6[%dma_wait3A_1560, %dma_wait3A_1561] : memref<1600x32xf32, #tpu.memory_space<vmem>> -> memref<50x32xf32, #tpu.memory_space<vmem>>
      tpu.wait_dma2 semaphore(%arg10 : memref<!tpu.dma_semaphore, #tpu.memory_space<semaphore_mem>>) src(%dma_wait3A_1562 : memref<50x32xf32, #tpu.memory_space<vmem>>) dst(%dma_wait3A_1559 : memref<50x32xf32, #tpu.memory_space<hbm>>)
      %dma_wait3A_1563 = arith.constant 1150 : i32
      %dma_wait3A_1564 = arith.constant 0 : i32
      %dma_wait3A_1565 = tpu.memref_slice %arg6[%dma_wait3A_1563, %dma_wait3A_1564] : memref<1600x32xf32, #tpu.memory_space<vmem>> -> memref<50x32xf32, #tpu.memory_space<vmem>>
      %dma_wait3A_1566 = arith.constant 0 : i32
      %dma_wait3A_1567 = arith.constant 0 : i32
      %dma_wait3A_1568 = tpu.memref_slice %arg4[%add3A_1098, %dma_wait3A_1566, %dma_wait3A_1567] : memref<16384x50x32xf32, #tpu.memory_space<hbm>> -> memref<1x50x32xf32, #tpu.memory_space<hbm>>
      %dma_wait3A_1569 = tpu.memref_squeeze %dma_wait3A_1568 : memref<1x50x32xf32, #tpu.memory_space<hbm>> -> memref<50x32xf32, #tpu.memory_space<hbm>>
      %dma_wait3A_1570 = arith.constant 0 : i32
      %dma_wait3A_1571 = arith.constant 0 : i32
      %dma_wait3A_1572 = tpu.memref_slice %arg4[%add3A_1098, %dma_wait3A_1570, %dma_wait3A_1571] : memref<16384x50x32xf32, #tpu.memory_space<hbm>> -> memref<1x50x32xf32, #tpu.memory_space<hbm>>
      %dma_wait3A_1573 = tpu.memref_squeeze %dma_wait3A_1572 : memref<1x50x32xf32, #tpu.memory_space<hbm>> -> memref<50x32xf32, #tpu.memory_space<hbm>>
      %dma_wait3A_1574 = arith.constant 1150 : i32
      %dma_wait3A_1575 = arith.constant 0 : i32
      %dma_wait3A_1576 = tpu.memref_slice %arg6[%dma_wait3A_1574, %dma_wait3A_1575] : memref<1600x32xf32, #tpu.memory_space<vmem>> -> memref<50x32xf32, #tpu.memory_space<vmem>>
      tpu.wait_dma2 semaphore(%arg10 : memref<!tpu.dma_semaphore, #tpu.memory_space<semaphore_mem>>) src(%dma_wait3A_1576 : memref<50x32xf32, #tpu.memory_space<vmem>>) dst(%dma_wait3A_1573 : memref<50x32xf32, #tpu.memory_space<hbm>>)
      %dma_wait3A_1577 = arith.constant 1200 : i32
      %dma_wait3A_1578 = arith.constant 0 : i32
      %dma_wait3A_1579 = tpu.memref_slice %arg6[%dma_wait3A_1577, %dma_wait3A_1578] : memref<1600x32xf32, #tpu.memory_space<vmem>> -> memref<50x32xf32, #tpu.memory_space<vmem>>
      %dma_wait3A_1580 = arith.constant 0 : i32
      %dma_wait3A_1581 = arith.constant 0 : i32
      %dma_wait3A_1582 = tpu.memref_slice %arg4[%add3A_1114, %dma_wait3A_1580, %dma_wait3A_1581] : memref<16384x50x32xf32, #tpu.memory_space<hbm>> -> memref<1x50x32xf32, #tpu.memory_space<hbm>>
      %dma_wait3A_1583 = tpu.memref_squeeze %dma_wait3A_1582 : memref<1x50x32xf32, #tpu.memory_space<hbm>> -> memref<50x32xf32, #tpu.memory_space<hbm>>
      %dma_wait3A_1584 = arith.constant 0 : i32
      %dma_wait3A_1585 = arith.constant 0 : i32
      %dma_wait3A_1586 = tpu.memref_slice %arg4[%add3A_1114, %dma_wait3A_1584, %dma_wait3A_1585] : memref<16384x50x32xf32, #tpu.memory_space<hbm>> -> memref<1x50x32xf32, #tpu.memory_space<hbm>>
      %dma_wait3A_1587 = tpu.memref_squeeze %dma_wait3A_1586 : memref<1x50x32xf32, #tpu.memory_space<hbm>> -> memref<50x32xf32, #tpu.memory_space<hbm>>
      %dma_wait3A_1588 = arith.constant 1200 : i32
      %dma_wait3A_1589 = arith.constant 0 : i32
      %dma_wait3A_1590 = tpu.memref_slice %arg6[%dma_wait3A_1588, %dma_wait3A_1589] : memref<1600x32xf32, #tpu.memory_space<vmem>> -> memref<50x32xf32, #tpu.memory_space<vmem>>
      tpu.wait_dma2 semaphore(%arg10 : memref<!tpu.dma_semaphore, #tpu.memory_space<semaphore_mem>>) src(%dma_wait3A_1590 : memref<50x32xf32, #tpu.memory_space<vmem>>) dst(%dma_wait3A_1587 : memref<50x32xf32, #tpu.memory_space<hbm>>)
      %dma_wait3A_1591 = arith.constant 1250 : i32
      %dma_wait3A_1592 = arith.constant 0 : i32
      %dma_wait3A_1593 = tpu.memref_slice %arg6[%dma_wait3A_1591, %dma_wait3A_1592] : memref<1600x32xf32, #tpu.memory_space<vmem>> -> memref<50x32xf32, #tpu.memory_space<vmem>>
      %dma_wait3A_1594 = arith.constant 0 : i32
      %dma_wait3A_1595 = arith.constant 0 : i32
      %dma_wait3A_1596 = tpu.memref_slice %arg4[%add3A_1130, %dma_wait3A_1594, %dma_wait3A_1595] : memref<16384x50x32xf32, #tpu.memory_space<hbm>> -> memref<1x50x32xf32, #tpu.memory_space<hbm>>
      %dma_wait3A_1597 = tpu.memref_squeeze %dma_wait3A_1596 : memref<1x50x32xf32, #tpu.memory_space<hbm>> -> memref<50x32xf32, #tpu.memory_space<hbm>>
      %dma_wait3A_1598 = arith.constant 0 : i32
      %dma_wait3A_1599 = arith.constant 0 : i32
      %dma_wait3A_1600 = tpu.memref_slice %arg4[%add3A_1130, %dma_wait3A_1598, %dma_wait3A_1599] : memref<16384x50x32xf32, #tpu.memory_space<hbm>> -> memref<1x50x32xf32, #tpu.memory_space<hbm>>
      %dma_wait3A_1601 = tpu.memref_squeeze %dma_wait3A_1600 : memref<1x50x32xf32, #tpu.memory_space<hbm>> -> memref<50x32xf32, #tpu.memory_space<hbm>>
      %dma_wait3A_1602 = arith.constant 1250 : i32
      %dma_wait3A_1603 = arith.constant 0 : i32
      %dma_wait3A_1604 = tpu.memref_slice %arg6[%dma_wait3A_1602, %dma_wait3A_1603] : memref<1600x32xf32, #tpu.memory_space<vmem>> -> memref<50x32xf32, #tpu.memory_space<vmem>>
      tpu.wait_dma2 semaphore(%arg10 : memref<!tpu.dma_semaphore, #tpu.memory_space<semaphore_mem>>) src(%dma_wait3A_1604 : memref<50x32xf32, #tpu.memory_space<vmem>>) dst(%dma_wait3A_1601 : memref<50x32xf32, #tpu.memory_space<hbm>>)
      %dma_wait3A_1605 = arith.constant 1300 : i32
      %dma_wait3A_1606 = arith.constant 0 : i32
      %dma_wait3A_1607 = tpu.memref_slice %arg6[%dma_wait3A_1605, %dma_wait3A_1606] : memref<1600x32xf32, #tpu.memory_space<vmem>> -> memref<50x32xf32, #tpu.memory_space<vmem>>
      %dma_wait3A_1608 = arith.constant 0 : i32
      %dma_wait3A_1609 = arith.constant 0 : i32
      %dma_wait3A_1610 = tpu.memref_slice %arg4[%add3A_1146, %dma_wait3A_1608, %dma_wait3A_1609] : memref<16384x50x32xf32, #tpu.memory_space<hbm>> -> memref<1x50x32xf32, #tpu.memory_space<hbm>>
      %dma_wait3A_1611 = tpu.memref_squeeze %dma_wait3A_1610 : memref<1x50x32xf32, #tpu.memory_space<hbm>> -> memref<50x32xf32, #tpu.memory_space<hbm>>
      %dma_wait3A_1612 = arith.constant 0 : i32
      %dma_wait3A_1613 = arith.constant 0 : i32
      %dma_wait3A_1614 = tpu.memref_slice %arg4[%add3A_1146, %dma_wait3A_1612, %dma_wait3A_1613] : memref<16384x50x32xf32, #tpu.memory_space<hbm>> -> memref<1x50x32xf32, #tpu.memory_space<hbm>>
      %dma_wait3A_1615 = tpu.memref_squeeze %dma_wait3A_1614 : memref<1x50x32xf32, #tpu.memory_space<hbm>> -> memref<50x32xf32, #tpu.memory_space<hbm>>
      %dma_wait3A_1616 = arith.constant 1300 : i32
      %dma_wait3A_1617 = arith.constant 0 : i32
      %dma_wait3A_1618 = tpu.memref_slice %arg6[%dma_wait3A_1616, %dma_wait3A_1617] : memref<1600x32xf32, #tpu.memory_space<vmem>> -> memref<50x32xf32, #tpu.memory_space<vmem>>
      tpu.wait_dma2 semaphore(%arg10 : memref<!tpu.dma_semaphore, #tpu.memory_space<semaphore_mem>>) src(%dma_wait3A_1618 : memref<50x32xf32, #tpu.memory_space<vmem>>) dst(%dma_wait3A_1615 : memref<50x32xf32, #tpu.memory_space<hbm>>)
      %dma_wait3A_1619 = arith.constant 1350 : i32
      %dma_wait3A_1620 = arith.constant 0 : i32
      %dma_wait3A_1621 = tpu.memref_slice %arg6[%dma_wait3A_1619, %dma_wait3A_1620] : memref<1600x32xf32, #tpu.memory_space<vmem>> -> memref<50x32xf32, #tpu.memory_space<vmem>>
      %dma_wait3A_1622 = arith.constant 0 : i32
      %dma_wait3A_1623 = arith.constant 0 : i32
      %dma_wait3A_1624 = tpu.memref_slice %arg4[%add3A_1162, %dma_wait3A_1622, %dma_wait3A_1623] : memref<16384x50x32xf32, #tpu.memory_space<hbm>> -> memref<1x50x32xf32, #tpu.memory_space<hbm>>
      %dma_wait3A_1625 = tpu.memref_squeeze %dma_wait3A_1624 : memref<1x50x32xf32, #tpu.memory_space<hbm>> -> memref<50x32xf32, #tpu.memory_space<hbm>>
      %dma_wait3A_1626 = arith.constant 0 : i32
      %dma_wait3A_1627 = arith.constant 0 : i32
      %dma_wait3A_1628 = tpu.memref_slice %arg4[%add3A_1162, %dma_wait3A_1626, %dma_wait3A_1627] : memref<16384x50x32xf32, #tpu.memory_space<hbm>> -> memref<1x50x32xf32, #tpu.memory_space<hbm>>
      %dma_wait3A_1629 = tpu.memref_squeeze %dma_wait3A_1628 : memref<1x50x32xf32, #tpu.memory_space<hbm>> -> memref<50x32xf32, #tpu.memory_space<hbm>>
      %dma_wait3A_1630 = arith.constant 1350 : i32
      %dma_wait3A_1631 = arith.constant 0 : i32
      %dma_wait3A_1632 = tpu.memref_slice %arg6[%dma_wait3A_1630, %dma_wait3A_1631] : memref<1600x32xf32, #tpu.memory_space<vmem>> -> memref<50x32xf32, #tpu.memory_space<vmem>>
      tpu.wait_dma2 semaphore(%arg10 : memref<!tpu.dma_semaphore, #tpu.memory_space<semaphore_mem>>) src(%dma_wait3A_1632 : memref<50x32xf32, #tpu.memory_space<vmem>>) dst(%dma_wait3A_1629 : memref<50x32xf32, #tpu.memory_space<hbm>>)
      %dma_wait3A_1633 = arith.constant 1400 : i32
      %dma_wait3A_1634 = arith.constant 0 : i32
      %dma_wait3A_1635 = tpu.memref_slice %arg6[%dma_wait3A_1633, %dma_wait3A_1634] : memref<1600x32xf32, #tpu.memory_space<vmem>> -> memref<50x32xf32, #tpu.memory_space<vmem>>
      %dma_wait3A_1636 = arith.constant 0 : i32
      %dma_wait3A_1637 = arith.constant 0 : i32
      %dma_wait3A_1638 = tpu.memref_slice %arg4[%add3A_1178, %dma_wait3A_1636, %dma_wait3A_1637] : memref<16384x50x32xf32, #tpu.memory_space<hbm>> -> memref<1x50x32xf32, #tpu.memory_space<hbm>>
      %dma_wait3A_1639 = tpu.memref_squeeze %dma_wait3A_1638 : memref<1x50x32xf32, #tpu.memory_space<hbm>> -> memref<50x32xf32, #tpu.memory_space<hbm>>
      %dma_wait3A_1640 = arith.constant 0 : i32
      %dma_wait3A_1641 = arith.constant 0 : i32
      %dma_wait3A_1642 = tpu.memref_slice %arg4[%add3A_1178, %dma_wait3A_1640, %dma_wait3A_1641] : memref<16384x50x32xf32, #tpu.memory_space<hbm>> -> memref<1x50x32xf32, #tpu.memory_space<hbm>>
      %dma_wait3A_1643 = tpu.memref_squeeze %dma_wait3A_1642 : memref<1x50x32xf32, #tpu.memory_space<hbm>> -> memref<50x32xf32, #tpu.memory_space<hbm>>
      %dma_wait3A_1644 = arith.constant 1400 : i32
      %dma_wait3A_1645 = arith.constant 0 : i32
      %dma_wait3A_1646 = tpu.memref_slice %arg6[%dma_wait3A_1644, %dma_wait3A_1645] : memref<1600x32xf32, #tpu.memory_space<vmem>> -> memref<50x32xf32, #tpu.memory_space<vmem>>
      tpu.wait_dma2 semaphore(%arg10 : memref<!tpu.dma_semaphore, #tpu.memory_space<semaphore_mem>>) src(%dma_wait3A_1646 : memref<50x32xf32, #tpu.memory_space<vmem>>) dst(%dma_wait3A_1643 : memref<50x32xf32, #tpu.memory_space<hbm>>)
      %dma_wait3A_1647 = arith.constant 1450 : i32
      %dma_wait3A_1648 = arith.constant 0 : i32
      %dma_wait3A_1649 = tpu.memref_slice %arg6[%dma_wait3A_1647, %dma_wait3A_1648] : memref<1600x32xf32, #tpu.memory_space<vmem>> -> memref<50x32xf32, #tpu.memory_space<vmem>>
      %dma_wait3A_1650 = arith.constant 0 : i32
      %dma_wait3A_1651 = arith.constant 0 : i32
      %dma_wait3A_1652 = tpu.memref_slice %arg4[%add3A_1194, %dma_wait3A_1650, %dma_wait3A_1651] : memref<16384x50x32xf32, #tpu.memory_space<hbm>> -> memref<1x50x32xf32, #tpu.memory_space<hbm>>
      %dma_wait3A_1653 = tpu.memref_squeeze %dma_wait3A_1652 : memref<1x50x32xf32, #tpu.memory_space<hbm>> -> memref<50x32xf32, #tpu.memory_space<hbm>>
      %dma_wait3A_1654 = arith.constant 0 : i32
      %dma_wait3A_1655 = arith.constant 0 : i32
      %dma_wait3A_1656 = tpu.memref_slice %arg4[%add3A_1194, %dma_wait3A_1654, %dma_wait3A_1655] : memref<16384x50x32xf32, #tpu.memory_space<hbm>> -> memref<1x50x32xf32, #tpu.memory_space<hbm>>
      %dma_wait3A_1657 = tpu.memref_squeeze %dma_wait3A_1656 : memref<1x50x32xf32, #tpu.memory_space<hbm>> -> memref<50x32xf32, #tpu.memory_space<hbm>>
      %dma_wait3A_1658 = arith.constant 1450 : i32
      %dma_wait3A_1659 = arith.constant 0 : i32
      %dma_wait3A_1660 = tpu.memref_slice %arg6[%dma_wait3A_1658, %dma_wait3A_1659] : memref<1600x32xf32, #tpu.memory_space<vmem>> -> memref<50x32xf32, #tpu.memory_space<vmem>>
      tpu.wait_dma2 semaphore(%arg10 : memref<!tpu.dma_semaphore, #tpu.memory_space<semaphore_mem>>) src(%dma_wait3A_1660 : memref<50x32xf32, #tpu.memory_space<vmem>>) dst(%dma_wait3A_1657 : memref<50x32xf32, #tpu.memory_space<hbm>>)
      %dma_wait3A_1661 = arith.constant 1500 : i32
      %dma_wait3A_1662 = arith.constant 0 : i32
      %dma_wait3A_1663 = tpu.memref_slice %arg6[%dma_wait3A_1661, %dma_wait3A_1662] : memref<1600x32xf32, #tpu.memory_space<vmem>> -> memref<50x32xf32, #tpu.memory_space<vmem>>
      %dma_wait3A_1664 = arith.constant 0 : i32
      %dma_wait3A_1665 = arith.constant 0 : i32
      %dma_wait3A_1666 = tpu.memref_slice %arg4[%add3A_1210, %dma_wait3A_1664, %dma_wait3A_1665] : memref<16384x50x32xf32, #tpu.memory_space<hbm>> -> memref<1x50x32xf32, #tpu.memory_space<hbm>>
      %dma_wait3A_1667 = tpu.memref_squeeze %dma_wait3A_1666 : memref<1x50x32xf32, #tpu.memory_space<hbm>> -> memref<50x32xf32, #tpu.memory_space<hbm>>
      %dma_wait3A_1668 = arith.constant 0 : i32
      %dma_wait3A_1669 = arith.constant 0 : i32
      %dma_wait3A_1670 = tpu.memref_slice %arg4[%add3A_1210, %dma_wait3A_1668, %dma_wait3A_1669] : memref<16384x50x32xf32, #tpu.memory_space<hbm>> -> memref<1x50x32xf32, #tpu.memory_space<hbm>>
      %dma_wait3A_1671 = tpu.memref_squeeze %dma_wait3A_1670 : memref<1x50x32xf32, #tpu.memory_space<hbm>> -> memref<50x32xf32, #tpu.memory_space<hbm>>
      %dma_wait3A_1672 = arith.constant 1500 : i32
      %dma_wait3A_1673 = arith.constant 0 : i32
      %dma_wait3A_1674 = tpu.memref_slice %arg6[%dma_wait3A_1672, %dma_wait3A_1673] : memref<1600x32xf32, #tpu.memory_space<vmem>> -> memref<50x32xf32, #tpu.memory_space<vmem>>
      tpu.wait_dma2 semaphore(%arg10 : memref<!tpu.dma_semaphore, #tpu.memory_space<semaphore_mem>>) src(%dma_wait3A_1674 : memref<50x32xf32, #tpu.memory_space<vmem>>) dst(%dma_wait3A_1671 : memref<50x32xf32, #tpu.memory_space<hbm>>)
      %dma_wait3A_1675 = arith.constant 1550 : i32
      %dma_wait3A_1676 = arith.constant 0 : i32
      %dma_wait3A_1677 = tpu.memref_slice %arg6[%dma_wait3A_1675, %dma_wait3A_1676] : memref<1600x32xf32, #tpu.memory_space<vmem>> -> memref<50x32xf32, #tpu.memory_space<vmem>>
      %dma_wait3A_1678 = arith.constant 0 : i32
      %dma_wait3A_1679 = arith.constant 0 : i32
      %dma_wait3A_1680 = tpu.memref_slice %arg4[%add3A_1226, %dma_wait3A_1678, %dma_wait3A_1679] : memref<16384x50x32xf32, #tpu.memory_space<hbm>> -> memref<1x50x32xf32, #tpu.memory_space<hbm>>
      %dma_wait3A_1681 = tpu.memref_squeeze %dma_wait3A_1680 : memref<1x50x32xf32, #tpu.memory_space<hbm>> -> memref<50x32xf32, #tpu.memory_space<hbm>>
      %dma_wait3A_1682 = arith.constant 0 : i32
      %dma_wait3A_1683 = arith.constant 0 : i32
      %dma_wait3A_1684 = tpu.memref_slice %arg4[%add3A_1226, %dma_wait3A_1682, %dma_wait3A_1683] : memref<16384x50x32xf32, #tpu.memory_space<hbm>> -> memref<1x50x32xf32, #tpu.memory_space<hbm>>
      %dma_wait3A_1685 = tpu.memref_squeeze %dma_wait3A_1684 : memref<1x50x32xf32, #tpu.memory_space<hbm>> -> memref<50x32xf32, #tpu.memory_space<hbm>>
      %dma_wait3A_1686 = arith.constant 1550 : i32
      %dma_wait3A_1687 = arith.constant 0 : i32
      %dma_wait3A_1688 = tpu.memref_slice %arg6[%dma_wait3A_1686, %dma_wait3A_1687] : memref<1600x32xf32, #tpu.memory_space<vmem>> -> memref<50x32xf32, #tpu.memory_space<vmem>>
      tpu.wait_dma2 semaphore(%arg10 : memref<!tpu.dma_semaphore, #tpu.memory_space<semaphore_mem>>) src(%dma_wait3A_1688 : memref<50x32xf32, #tpu.memory_space<vmem>>) dst(%dma_wait3A_1685 : memref<50x32xf32, #tpu.memory_space<hbm>>)
    }
    %scan3A_7 = arith.constant 16 : i32
    return
  }
}

</mosaic_0001>

<sc_bundles>
// kernel: _gather.3.cloned.1.call-start
scs
__scs_entry_jumppad:
0x0: {  	(pc) =	sbr.rel $0x88, $3  }
0x1: {  	(tag) =	ssettag $0x0;
	lr =	simm.s32 $0x1  }
0x2: {  	[smem:$0x3F9F] =	sst lr;
	_ =	strace $0xD0000000  }
0x3: {  	_ = 	snop  }
0x4: {  	_ = 	snop  }
0x5: {  	_ = 	snop  }
0x6: {  	_ = 	snop  }
0x7: {  	_ = 	snop  }
__scs_overlays_trampoline_lowered:
0x8: {  	[smem:$0x3FAE] =	sst s0  }
0x9: {  	[smem:$0x3FAF] =	sst s1  }
0xa: {  	[smem:$0x3FB0] =	sst s2  }
0xb: {  	[smem:$0x3FB1] =	sst s3  }
0xc: {  	[smem:$0x3FB2] =	sst s4  }
0xd: {  	[smem:$0x3FB3] =	sst s5  }
0xe: {  	[smem:$0x3FB4] =	sst s6  }
0xf: {  	[smem:$0x3FB5] =	sst s7  }
0x10: {  	[smem:$0x3FB6] =	sst s8  }
0x11: {  	[smem:$0x3FB7] =	sst s9;
	s0 =	simm.s32 @!p0 $0x0  }
0x12: {  	s1 =	sld [smem:$0x3F9D];
	s0 =	simm.s32 @p0 $0x1  }
0x13: {  	[smem:$0x3FB8] =	sst s0;
	s0 =	simm.s32 @!p1 $0x0  }
0x14: {  	s2 =	sld [smem:$0x3F9C];
	s0 =	simm.s32 @p1 $0x1  }
0x15: {  	[smem:$0x3FB9] =	sst s0;
	s0 =	simm.s32 @!p2 $0x0  }
0x16: {  	s3 =	sld [smem:$0x3FDB];
	s0 =	simm.s32 @p2 $0x1  }
0x17: {  	s4 =	simm.s32 $0x1BF5;
	[smem:$0x3FBB] =	sst s0  }
0x18: {  	s0 =	sld [smem:$0x3F9E];
	_ =	swait.ge [sflag:s4], $0x0  }
0x19: {  	s7 =	sld [smem:$0x3F9F]  }
0x1a: {  	s8 =	sadd.s32 $0xFFFFE003, lr  }
0x1b: {  	s9 =	sadd.s32 $0xFFFFFEF7, lr;
	s5 =	simm.s32 $0xFFFFFFFF;
	p2 =	slt.u32 s8, $0xFFFFF086  }
0x1c: {  	p1 =	slt.u32 s9, $0xF7A;
	s5 =	simm.s32 @!p2 $0x0  }
0x1d: {  	s5 =	simm.s32 @p1 $0x1;
	p0 =	seq.s32 s7, s2  }
0x1e: {  	s7 =	smul.u32 @!p0 $0xF7A, s2;
	p2 =	seq.s32 @!p0 s5, $0x0  }
0x1f: {  	s9 =	smul.u32 $0xF7A, s1;
	s8 =	simm.s32 @!p0 $0x1BF5;
	p2 =	por !p2, p0  }
0x20: {  	[sflag:s8] =	ssyncset.s32 @!p0 $0xFFFFF086;
	s6 =	sadd.s32 @!p0 s3, s7;
	s7 =	simm.s32 @!p0 $0x108  }
0x21: {  	s3 =	sadd.s32 s3, s9;
	s6 =	sadd.s32 @!p0 $0x88, s6;
	s7 =	simm.s32 @p2 $0x1082  }
0x22: {  	[simem:s7], [sflag:s8] =	dma.local @!p0 [hbm:s6], $0xF7A  }
0x23: {  	s9 =	sor.u32 $0xD0000000, s2;
	s6 =	simm.s32 $0x108;
	_ =	swait.ge @!p0 [sflag:s8], $0x0  }
0x24: {  	s3 =	sadd.s32 $0x88, s3;
	s6 =	simm.s32 @!p1 $0x1082;
	[sflag:s4] =	ssyncset.s32 $0xFFFFF086  }
0x25: {  	[simem:s6], [sflag:s4] =	dma.local [hbm:s3], $0xF7A  }
0x26: {  	[smem:$0x3F9F] =	sst s1;
	(tag) =	ssettag s2;
	_ =	strace s9  }
0x27: {  	s1 =	sld [smem:$0x3FAF]  }
0x28: {  	s2 =	sld [smem:$0x3FB0]  }
0x29: {  	s4 =	sld [smem:$0x3FB2]  }
0x2a: {  	p0 =	seq.s32 s5, $0x0;
	s5 =	sld [smem:$0x3FB3]  }
0x2b: {  	s6 =	sld [smem:$0x3FB4]  }
0x2c: {  	s7 =	sld [smem:$0x3FB5]  }
0x2d: {  	s3 =	simm.s32 $0x108;
	s8 =	sld [smem:$0x3FB6]  }
0x2e: {  	s3 =	simm.s32 @!p0 $0x1082;
	s9 =	sld [smem:$0x3FB7]  }
0x2f: {  	lr =	sadd.s32 s0, s3;
	s0 =	sld [smem:$0x3FAE]  }
0x30: {  	s3 =	sld [smem:$0x3FB1]  }
0x31: {  	[smem:$0x3FBA] =	sst s10  }
0x32: {  	s10 =	sld [smem:$0x3FB8];
	_ =	sdelay $0x3  }
0x33: {  	p0 =	seq.s32 s10, $0x1;
	s10 =	sld [smem:$0x3FBA];
	_ =	sdelay $0x3  }
0x34: {  	[smem:$0x3FBA] =	sst s10  }
0x35: {  	s10 =	sld [smem:$0x3FB9];
	_ =	sdelay $0x3  }
0x36: {  	p1 =	seq.s32 s10, $0x1;
	s10 =	sld [smem:$0x3FBA];
	_ =	sdelay $0x3  }
0x37: {  	[smem:$0x3FBA] =	sst s10  }
0x38: {  	s10 =	sld [smem:$0x3FBB]  }
0x39: {  	_ = 	snop;
	(pc) =	sbr.ind lr, $3  }
0x3a: {  	_ = 	snop  }
0x3b: {  	_ = 	snop  }
0x3c: {  	p2 =	seq.s32 s10, $0x1;
	s10 =	sld [smem:$0x3FBA]  }
0x3d: {  	_ =	shalt  }
0x3e: {  	_ =	shalt  }
0x3f: {  	_ =	shalt  }
0x40: {  	_ =	shalt  }
0x41: {  	_ =	shalt  }
0x42: {  	_ =	shalt  }
0x43: {  	_ =	shalt  }
0x44: {  	_ =	shalt  }
0x45: {  	_ =	shalt  }
0x46: {  	_ =	shalt  }
0x47: {  	_ =	shalt  }
0x48: {  	_ =	shalt  }
0x49: {  	_ =	shalt  }
0x4a: {  	_ =	shalt  }
0x4b: {  	_ =	shalt  }
0x4c: {  	_ =	shalt  }
0x4d: {  	_ =	shalt  }
0x4e: {  	_ =	shalt  }
0x4f: {  	_ =	shalt  }
0x50: {  	_ =	shalt  }
0x51: {  	_ =	shalt  }
0x52: {  	_ =	shalt  }
0x53: {  	_ =	shalt  }
0x54: {  	_ =	shalt  }
0x55: {  	_ =	shalt  }
0x56: {  	_ =	shalt  }
0x57: {  	_ =	shalt  }
0x58: {  	_ =	shalt  }
0x59: {  	_ =	shalt  }
0x5a: {  	_ =	shalt  }
0x5b: {  	_ =	shalt  }
0x5c: {  	_ =	shalt  }
0x5d: {  	_ =	shalt  }
0x5e: {  	_ =	shalt  }
0x5f: {  	_ =	shalt  }
0x60: {  	_ =	shalt  }
0x61: {  	_ =	shalt  }
0x62: {  	_ =	shalt  }
0x63: {  	_ =	shalt  }
0x64: {  	_ =	shalt  }
0x65: {  	_ =	shalt  }
0x66: {  	_ =	shalt  }
0x67: {  	_ =	shalt  }
0x68: {  	_ =	shalt  }
0x69: {  	_ =	shalt  }
0x6a: {  	_ =	shalt  }
0x6b: {  	_ =	shalt  }
0x6c: {  	_ =	shalt  }
0x6d: {  	_ =	shalt  }
0x6e: {  	_ =	shalt  }
0x6f: {  	_ =	shalt  }
0x70: {  	_ =	shalt  }
0x71: {  	_ =	shalt  }
0x72: {  	_ =	shalt  }
0x73: {  	_ =	shalt  }
0x74: {  	_ =	shalt  }
0x75: {  	_ =	shalt  }
0x76: {  	_ =	shalt  }
0x77: {  	_ =	shalt  }
0x78: {  	_ =	shalt  }
0x79: {  	_ =	shalt  }
0x7a: {  	_ =	shalt  }
0x7b: {  	_ =	shalt  }
0x7c: {  	_ =	shalt  }
0x7d: {  	_ =	shalt  }
0x7e: {  	_ =	shalt  }
0x7f: {  	_ =	shalt  }
0x80: {  	_ =	shalt  }
0x81: {  	_ =	shalt  }
0x82: {  	_ =	shalt  }
0x83: {  	_ =	shalt  }
0x84: {  	_ =	shalt  }
0x85: {  	_ =	shalt  }
0x86: {  	_ =	shalt  }
0x87: {  	_ =	shalt  }
.Lfunc_end0:
.L_simem_size_0:
called_computation.1_lowered:
.L_overlay_start_0:
0x88: {  	s2 =	sld [smem:$0x3FD9]  }
0x89: {  	s3 =	sld [smem:$0x3FFE];
	_ =	sdelay $0x1  }
0x8a: {  	s1 =	srdreg.scid  }
0x8b: {  	s0 =	sand.u32 $0x1, s1  }
0x8c: {  	s17 =	sshll.u32 s0, $0xA;
	s2 =	sadd.s32 s3, s2  }
0x8d: {  	s2 =	sadd.s32 s2, s17  }
0x8e: {  	[smem:$0x3FC6] =	sst s2  }
0x8f: {  	_ = 	snop  }
0x90: {  	s2 =	sld [smem:$0x3FD0];
	(tm) =	ssettm $0x1  }
0x91: {  	s18 =	sld [smem:$0x3FFB];
	_ =	sdelay $0x3  }
0x92: {  	_ =	strace s18  }
0x93: {  	s3 =	sld [smem:$0x3FFC];
	_ =	sdelay $0x3  }
0x94: {  	_ =	strace s3  }
0x95: {  	s3 =	sld [smem:$0x3FFD];
	_ =	sdelay $0x3  }
0x96: {  	_ =	strace s3  }
0x97: {  	_ =	strace $0x8FFFFFFF  }
0x98: {  	s19 =	sld [smem:$0x3FDB];
	_ =	sdelay $0x1  }
0x99: {  	s4 =	simm.s32 $_scs_section_size  }
0x9a: {  	s5 =	simm.s32 $_size__tile_overlayer_lowered;
	s6 =	simm.s32 $_tile_overlayer_lowered  }
0x9b: {  	s22 =	simm.s32 $0x1BFF;
	s21 =	sshll.u32 s6, $0x1;
	s3 =	sadd.s32 s4, s19  }
0x9c: {  	s7 =	simm.s32 $0x0;
	s20 =	sshll.u32 s5, $0x1;
	s5 =	sadd.s32 s21, s3  }
0x9d: {  	[timem:s7], [sflag:s22] =	dma.local [hbm:s5], s20  }
0x9e: {  	_ =	swait.ge [sflag:s22], s20  }
0x9f: {  	s4 =	ssub.s32 $0x0, s20;
	[sflag:s22] =	ssyncset.done $0x0  }
0xa0: {  	[sflag:s22] =	ssyncadd.s32 s4;
	_ =	sdelay $0x1  }
0xa1: {  	s23 =	simm.s32 $0x1B8B  }
0xa2: {  	_ =	swait.ge [sflag:s23], $0x1  }
0xa3: {  	[sflag:s23] =	ssyncset.done $0x0  }
0xa4: {  	s25 =	simm.s32 $0x1B8E;
	s24 =	sld [smem:$0x3FFE];
	[sflag:s23] =	ssyncadd.s32 $0xFFFFFFFF  }
0xa5: {  	s26 =	simm.s32 $execute0_lowered;
	[smem:$0x3FD2] =	sst s25  }
0xa6: {  	s5 =	sshll.u32 s26, $0x1;
	_ =	strace $0x80000046;
	[dreg:$0x1] =	wrdreg $0xFFFFFFFF  }
0xa7: {  	s28 =	simm.s32 $_size_execute0_lowered;
	s3 =	sadd.s32 s3, s5;
	[dreg:$0x0] =	wrdreg $0x0  }
0xa8: {  	s5 =	sshll.u32 s28, $0x1;
	[dreg:$0x2] =	wrdreg s3  }
0xa9: {  	[dreg:$0x3] =	wrdreg s5  }
0xaa: {  	[dreg:$0x4] =	wrdreg $0xC0  }
0xab: {  	_ =	task [dreg:s7], $0x5FFFF  }
0xac: {  	[dreg:$0x1] =	wrdreg $0xFFFFFFFF  }
0xad: {  	[dreg:$0x0] =	wrdreg $0x60  }
0xae: {  	[dreg:$0x2] =	wrdreg s24  }
0xaf: {  	[dreg:$0x3] =	wrdreg s2  }
0xb0: {  	[dreg:$0x4] =	wrdreg $0x9  }
0xb1: {  	_ =	task.clear_ibuf [dreg:s7], $0x5FFFF;
	_ =	strace $0x90000046  }
0xb2: {  	s29 =	simm.s32 $0x9;
	_ =	strace $0x80000048  }
0xb3: {  	_ =	swait.ge [sflag:s29], $0x1  }
0xb4: {  	[sflag:s29] =	ssyncadd.s32 $0xFFFFFFFF  }
0xb5: {  	_ =	strace $0x90000048  }
0xb6: {  	_ =	sfence  }
0xb7: {  	s30 =	sld [smem:$0x0];
	_ =	sdelay $0x2  }
0xb8: {  	s31 =	sshll.u32 s1, $0xD;
	s1 =	sshrl.u32 s1, $0x2  }
0xb9: {  	s3 =	sand.u32 $0x4000, s31;
	s1 =	sadd.s32 s1, s30  }
0xba: {  	s0 =	sor.u32 s3, s0;
	s1 =	sshll.u32 s1, $0x11  }
0xbb: {  	s0 =	sor.u32 s1, s0  }
0xbc: {  	s0 =	sadd.s32 $0x8F2B, s0  }
0xbd: {  	[sflag:s0] =	ssyncadd.remote.s32 $0x1  }
0xbe: {  	_ =	sfence.sel $0xFFFF  }
0xbf: {  	[dreg:$0x0] =	wrdreg $0xFFFFFFFF;
	(pc) =	sbr.abs _section_cstart, $3  }
0xc0: {  	[dreg:$0x1] =	wrdreg $0xFFFFFFFF  }
0xc1: {  	_ =	task.clear_ibuf [dreg:s7], $0x2FFFF;
	_ =	strace $0x9FFFFFFF  }
0xc2: {  	(tm) =	ssettm $0x7FFFFFFF  }
0xc3: {  	_ =	shalt  }
tec
execute0_lowered:
.L_overlay_start_1:
0x0: {  	(tag) =	ssettag $0x1  }
0x1: {  	s0 =	srdreg.scid  }
0x2: {  	s4 =	stileid.u32;
	s20 =	rddreg [dreg:$0x0]  }
0x3: {  	s3 =	simm.s32 $0x0;
	s1 =	sand.u32 $0x1, s0;
	s6 =	smul.u32 $0x32000, s4  }
0x4: {  	s19 =	sshll.u32 s4, $0xA;
	s5 =	smul.u32 $0x190000, s4;
	[smem:$0x7FF] =	sst s3  }
0x5: {  	s4 =	sadd.s32 $0xF42E00, s20;
	s2 =	sshll.u32 s1, $0x9;
	s7 =	smul.u32 $0xC8000, s1  }
0x6: {  	s8 =	smul.u32 $0x19000, s1;
	s1 =	ssub.s32 $0x2, s1;
	s0 =	sor.u32 s2, s19  }
0x7: {  	_ =	strace $0x80000047;
	s2 =	sshrl.u32 s1, $0x1;
	s0 =	smul.u32 $0x7, s0  }
0x8: {  	s5 =	sadd.s32 s7, s5;
	s6 =	sadd.s32 s8, s6;
	s1 =	ssub.s32 s1, s2  }
0x9: {  	s7 =	sadd.s32 $0xC1C0, s5;
	[dreg:$0x3] =	wrdreg s6;
	s22 =	sadd.s32 $0xBB80, s5  }
0xa: {  	s24 =	sadd.s32 $0xB540, s5;
	s26 =	sadd.s32 $0xAF00, s5;
	s21 =	sshrl.u32 s7, $0x3  }
0xb: {  	s29 =	sadd.s32 $0xA8C0, s5;
	s23 =	sshrl.u32 s22, $0x3;
	[dreg:$0x4] =	wrdreg s21  }
0xc: {  	s31 =	sadd.s32 $0xA280, s5;
	s25 =	sshrl.u32 s24, $0x3;
	[dreg:$0x5] =	wrdreg s23  }
0xd: {  	s8 =	sadd.s32 $0x9C40, s5;
	s28 =	sshrl.u32 s26, $0x3;
	[dreg:$0x6] =	wrdreg s25  }
0xe: {  	s10 =	sadd.s32 $0x9600, s5;
	s30 =	sshrl.u32 s29, $0x3;
	[dreg:$0x7] =	wrdreg s28  }
0xf: {  	s12 =	sadd.s32 $0x8FC0, s5;
	s7 =	sshrl.u32 s31, $0x3;
	[dreg:$0x8] =	wrdreg s30  }
0x10: {  	s14 =	sadd.s32 $0x8980, s5;
	s9 =	sshrl.u32 s8, $0x3;
	[dreg:$0x9] =	wrdreg s7  }
0x11: {  	s16 =	sadd.s32 $0x8340, s5;
	s11 =	sshrl.u32 s10, $0x3;
	[dreg:$0xa] =	wrdreg s9  }
0x12: {  	s18 =	sor.u32 $0x7D00, s5;
	s13 =	sshrl.u32 s12, $0x3;
	[dreg:$0xb] =	wrdreg s11  }
0x13: {  	s0 =	sadd.s32 s0, s20;
	s15 =	sshrl.u32 s14, $0x3;
	[dreg:$0xc] =	wrdreg s13  }
0x14: {  	s17 =	sshrl.u32 s16, $0x3;
	s19 =	sshrl.u32 s18, $0x3;
	[dreg:$0xd] =	wrdreg s15  }
0x15: {  	s20 =	sor.u32 $0x76C0, s5;
	s22 =	sor.u32 $0x7080, s5;
	[dreg:$0xe] =	wrdreg s17  }
0x16: {  	s24 =	sor.u32 $0x6A40, s5;
	[dreg:$0xf] =	wrdreg s19;
	s21 =	sshrl.u32 s20, $0x3  }
0x17: {  	s26 =	sor.u32 $0x5DC0, s5;
	s23 =	sshrl.u32 s22, $0x3;
	[dreg:$0x10] =	wrdreg s21  }
0x18: {  	s29 =	sor.u32 $0x5780, s5;
	s25 =	sshrl.u32 s24, $0x3;
	[dreg:$0x11] =	wrdreg s23  }
0x19: {  	s31 =	sor.u32 $0x5140, s5;
	s28 =	sshrl.u32 s26, $0x3;
	[dreg:$0x12] =	wrdreg s25  }
0x1a: {  	s30 =	sshrl.u32 s29, $0x3;
	s8 =	sshrl.u32 s31, $0x3;
	[dreg:$0x13] =	wrdreg s28  }
0x1b: {  	s9 =	sor.u32 $0x4B00, s5;
	s11 =	sor.u32 $0x44C0, s5;
	[dreg:$0x14] =	wrdreg s30  }
0x1c: {  	s13 =	sor.u32 $0x3E80, s5;
	s0 =	sadd.s32 $0xA00, s0;
	[dreg:$0x15] =	wrdreg s8  }
0x1d: {  	s15 =	sor.u32 $0x3840, s5;
	s31 =	smax.u32 s1, $0x1;
	[smem:$0x7FB] =	sst s0  }
0x1e: {  	s17 =	sor.u32 $0x3200, s5;
	s10 =	sshrl.u32 s9, $0x3;
	[smem:$0x7FC] =	sst s31  }
0x1f: {  	s19 =	sor.u32 $0x2BC0, s5;
	s12 =	sshrl.u32 s11, $0x3;
	[dreg:$0x16] =	wrdreg s10  }
0x20: {  	s14 =	sshrl.u32 s13, $0x3;
	s16 =	sshrl.u32 s15, $0x3;
	[dreg:$0x17] =	wrdreg s12  }
0x21: {  	s18 =	sshrl.u32 s17, $0x3;
	s20 =	sshrl.u32 s19, $0x3;
	[dreg:$0x18] =	wrdreg s14  }
0x22: {  	s21 =	sor.u32 $0x2580, s5;
	s23 =	sor.u32 $0x1F40, s5;
	[dreg:$0x19] =	wrdreg s16  }
0x23: {  	s25 =	sor.u32 $0x1900, s5;
	s28 =	sor.u32 $0x12C0, s5;
	[dreg:$0x1a] =	wrdreg s18  }
0x24: {  	s5 =	sor.u32 $0xC80, s5;
	[dreg:$0x1b] =	wrdreg s20;
	s22 =	sshrl.u32 s21, $0x3  }
0x25: {  	s8 =	simm.s32 $0x32;
	s24 =	sshrl.u32 s23, $0x3;
	[dreg:$0x1c] =	wrdreg s22  }
0x26: {  	s13 =	simm.s32 $0x1;
	s26 =	sshrl.u32 s25, $0x3;
	[dreg:$0x1d] =	wrdreg s24  }
0x27: {  	s15 =	simm.s32 $0x3;
	s29 =	sshrl.u32 s28, $0x3;
	[dreg:$0x1e] =	wrdreg s26  }
0x28: {  	s0 =	simm.s32 $0x0;
	s30 =	sshrl.u32 s5, $0x3;
	[dreg:$0x1f] =	wrdreg s29  }
0x29: {  	s14 =	simm.s32 $0x2;
	s16 =	simm.s32 $0x4;
	[smem:$0x7FD] =	sst s30  }
.LBB2_1:
0x2a: {  	s17 =	sld [smem:$0x7FB];
	_ =	sdelay $0x1  }
0x2b: {  	[smem:$0x7FA] =	sst s0;
	s25 =	simm.s32 $0x5  }
0x2c: {  	[tilespmem:s3], [sflag:$0x5] =	stream.linear.gather [hbm4b:s17+s3], $0x7000, $0x38;
	[tilespmem:$0x13800] =	vst v63  }
0x2d: {  	_ =	swait.ge [sflag:s25], $0x7000  }
0x2e: {  	[sflag:s25] =	ssyncset.done $0x0  }
0x2f: {  	s26 =	simm.s32 $0x0;
	s18 =	simm.s32 $0x7000;
	[sflag:s25] =	ssyncadd.s32 $0xFFFF9000  }
0x30: {  	[tilespmem:s18], [sflag:$0x1] =	stream.indirect.gather [hbm4b:s4+s8], $0x20, s26, s8, $0xb8;
	[tilespmem:$0x13800] =	vst v63  }
0x31: {  	s28 =	simm.s32 $0x38;
	s21 =	simm.s32 $0x7640  }
0x32: {  	[tilespmem:s21], [sflag:$0x1] =	stream.indirect.gather [hbm4b:s4+s8], $0x20, s28, s8, $0xb8;
	[tilespmem:$0x13800] =	vst v63  }
0x33: {  	s29 =	simm.s32 $0x70;
	s22 =	simm.s32 $0x7C80  }
0x34: {  	[tilespmem:s22], [sflag:$0x1] =	stream.indirect.gather [hbm4b:s4+s8], $0x20, s29, s8, $0xb8;
	[tilespmem:$0x13800] =	vst v63  }
0x35: {  	s30 =	simm.s32 $0xA8;
	s23 =	simm.s32 $0x82C0  }
0x36: {  	[tilespmem:s23], [sflag:$0x1] =	stream.indirect.gather [hbm4b:s4+s8], $0x20, s30, s8, $0xb8;
	[tilespmem:$0x13800] =	vst v63  }
0x37: {  	s31 =	simm.s32 $0xE0;
	s24 =	simm.s32 $0x8900  }
0x38: {  	[tilespmem:s24], [sflag:$0x1] =	stream.indirect.gather [hbm4b:s4+s8], $0x20, s31, s8, $0xb8;
	[tilespmem:$0x13800] =	vst v63  }
0x39: {  	s0 =	simm.s32 $0x118;
	s25 =	simm.s32 $0x8F40  }
0x3a: {  	[tilespmem:s25], [sflag:$0x1] =	stream.indirect.gather [hbm4b:s4+s8], $0x20, s0, s8, $0xb8;
	[tilespmem:$0x13800] =	vst v63  }
0x3b: {  	s1 =	simm.s32 $0x150;
	s26 =	simm.s32 $0x9580  }
0x3c: {  	[tilespmem:s26], [sflag:$0x1] =	stream.indirect.gather [hbm4b:s4+s8], $0x20, s1, s8, $0xb8;
	[tilespmem:$0x13800] =	vst v63  }
0x3d: {  	s2 =	simm.s32 $0x188;
	s28 =	simm.s32 $0x9BC0  }
0x3e: {  	[tilespmem:s28], [sflag:$0x1] =	stream.indirect.gather [hbm4b:s4+s8], $0x20, s2, s8, $0xb8;
	[tilespmem:$0x13800] =	vst v63  }
0x3f: {  	s5 =	simm.s32 $0x1C0;
	s1 =	simm.s32 $0xA200  }
0x40: {  	[tilespmem:s1], [sflag:$0x1] =	stream.indirect.gather [hbm4b:s4+s8], $0x20, s5, s8, $0xb8;
	[tilespmem:$0x13800] =	vst v63  }
0x41: {  	s6 =	simm.s32 $0x1F8;
	s0 =	simm.s32 $0xA840  }
0x42: {  	[tilespmem:s0], [sflag:$0x1] =	stream.indirect.gather [hbm4b:s4+s8], $0x20, s6, s8, $0xb8;
	[tilespmem:$0x13800] =	vst v63  }
0x43: {  	s7 =	simm.s32 $0x230;
	s5 =	simm.s32 $0xAE80  }
0x44: {  	[tilespmem:s5], [sflag:$0x1] =	stream.indirect.gather [hbm4b:s4+s8], $0x20, s7, s8, $0xb8;
	[tilespmem:$0x13800] =	vst v63  }
0x45: {  	s9 =	simm.s32 $0x268;
	s6 =	simm.s32 $0xB4C0  }
0x46: {  	[tilespmem:s6], [sflag:$0x1] =	stream.indirect.gather [hbm4b:s4+s8], $0x20, s9, s8, $0xb8;
	[tilespmem:$0x13800] =	vst v63  }
0x47: {  	s10 =	simm.s32 $0x2A0;
	s7 =	simm.s32 $0xBB00  }
0x48: {  	[tilespmem:s7], [sflag:$0x1] =	stream.indirect.gather [hbm4b:s4+s8], $0x20, s10, s8, $0xb8;
	[tilespmem:$0x13800] =	vst v63  }
0x49: {  	s11 =	simm.s32 $0x2D8;
	s2 =	simm.s32 $0xC140  }
0x4a: {  	[tilespmem:s2], [sflag:$0x1] =	stream.indirect.gather [hbm4b:s4+s8], $0x20, s11, s8, $0xb8;
	[tilespmem:$0x13800] =	vst v63  }
0x4b: {  	s12 =	simm.s32 $0x310;
	s9 =	simm.s32 $0xC780  }
0x4c: {  	[tilespmem:s9], [sflag:$0x1] =	stream.indirect.gather [hbm4b:s4+s8], $0x20, s12, s8, $0xb8;
	[tilespmem:$0x13800] =	vst v63  }
0x4d: {  	s19 =	simm.s32 $0x348;
	s10 =	simm.s32 $0xCDC0  }
0x4e: {  	[tilespmem:s10], [sflag:$0x1] =	stream.indirect.gather [hbm4b:s4+s8], $0x20, s19, s8, $0xb8;
	[tilespmem:$0x13800] =	vst v63  }
0x4f: {  	s20 =	simm.s32 $0x380;
	s11 =	simm.s32 $0xD400  }
0x50: {  	[tilespmem:s11], [sflag:$0x2] =	stream.indirect.gather [hbm4b:s4+s8], $0x20, s20, s8, $0xb8;
	[tilespmem:$0x13800] =	vst v63  }
0x51: {  	s29 =	simm.s32 $0x3B8;
	s12 =	simm.s32 $0xDA40  }
0x52: {  	[tilespmem:s12], [sflag:$0x2] =	stream.indirect.gather [hbm4b:s4+s8], $0x20, s29, s8, $0xb8;
	[tilespmem:$0x13800] =	vst v63  }
0x53: {  	s30 =	simm.s32 $0x3F0;
	s29 =	simm.s32 $0xE080  }
0x54: {  	[tilespmem:s29], [sflag:$0x2] =	stream.indirect.gather [hbm4b:s4+s8], $0x20, s30, s8, $0xb8;
	[tilespmem:$0x13800] =	vst v63  }
0x55: {  	s31 =	simm.s32 $0x428;
	s30 =	simm.s32 $0xE6C0  }
0x56: {  	[tilespmem:s30], [sflag:$0x2] =	stream.indirect.gather [hbm4b:s4+s8], $0x20, s31, s8, $0xb8;
	[tilespmem:$0x13800] =	vst v63  }
0x57: {  	s19 =	simm.s32 $0x460;
	s31 =	simm.s32 $0xED00  }
0x58: {  	[tilespmem:s31], [sflag:$0x2] =	stream.indirect.gather [hbm4b:s4+s8], $0x20, s19, s8, $0xb8;
	[tilespmem:$0x13800] =	vst v63  }
0x59: {  	s20 =	simm.s32 $0x498;
	s19 =	simm.s32 $0xF340  }
0x5a: {  	[tilespmem:s19], [sflag:$0x2] =	stream.indirect.gather [hbm4b:s4+s8], $0x20, s20, s8, $0xb8;
	[tilespmem:$0x13800] =	vst v63  }
0x5b: {  	s19 =	simm.s32 $0x4D0;
	s20 =	simm.s32 $0xF980  }
0x5c: {  	[tilespmem:s20], [sflag:$0x2] =	stream.indirect.gather [hbm4b:s4+s8], $0x20, s19, s8, $0xb8;
	[tilespmem:$0x13800] =	vst v63  }
0x5d: {  	s19 =	simm.s32 $0x508;
	s20 =	simm.s32 $0xFFC0  }
0x5e: {  	[tilespmem:s20], [sflag:$0x2] =	stream.indirect.gather [hbm4b:s4+s8], $0x20, s19, s8, $0xb8;
	[tilespmem:$0x13800] =	vst v63  }
0x5f: {  	s19 =	simm.s32 $0x540;
	s20 =	simm.s32 $0x10600  }
0x60: {  	[tilespmem:s20], [sflag:$0x2] =	stream.indirect.gather [hbm4b:s4+s8], $0x20, s19, s8, $0xb8;
	[tilespmem:$0x13800] =	vst v63  }
0x61: {  	s19 =	simm.s32 $0x578;
	s20 =	simm.s32 $0x10C40  }
0x62: {  	[tilespmem:s20], [sflag:$0x2] =	stream.indirect.gather [hbm4b:s4+s8], $0x20, s19, s8, $0xb8;
	[tilespmem:$0x13800] =	vst v63  }
0x63: {  	s19 =	simm.s32 $0x5B0;
	s20 =	simm.s32 $0x11280  }
0x64: {  	[tilespmem:s20], [sflag:$0x2] =	stream.indirect.gather [hbm4b:s4+s8], $0x20, s19, s8, $0xb8;
	[tilespmem:$0x13800] =	vst v63  }
0x65: {  	s19 =	simm.s32 $0x5E8;
	s20 =	simm.s32 $0x118C0  }
0x66: {  	[tilespmem:s20], [sflag:$0x2] =	stream.indirect.gather [hbm4b:s4+s8], $0x20, s19, s8, $0xb8;
	[tilespmem:$0x13800] =	vst v63  }
0x67: {  	s19 =	simm.s32 $0x620;
	s20 =	simm.s32 $0x11F00  }
0x68: {  	[tilespmem:s20], [sflag:$0x2] =	stream.indirect.gather [hbm4b:s4+s8], $0x20, s19, s8, $0xb8;
	[tilespmem:$0x13800] =	vst v63  }
0x69: {  	s19 =	simm.s32 $0x658;
	s20 =	simm.s32 $0x12540  }
0x6a: {  	[tilespmem:s20], [sflag:$0x2] =	stream.indirect.gather [hbm4b:s4+s8], $0x20, s19, s8, $0xb8;
	[tilespmem:$0x13800] =	vst v63  }
0x6b: {  	s19 =	simm.s32 $0x690;
	s20 =	simm.s32 $0x12B80  }
0x6c: {  	[tilespmem:s20], [sflag:$0x2] =	stream.indirect.gather [hbm4b:s4+s8], $0x20, s19, s8, $0xb8;
	[tilespmem:$0x13800] =	vst v63  }
0x6d: {  	s19 =	simm.s32 $0x6C8;
	s20 =	simm.s32 $0x131C0  }
0x6e: {  	[tilespmem:s20], [sflag:$0x2] =	stream.indirect.gather [hbm4b:s4+s8], $0x20, s19, s8, $0xb8;
	[tilespmem:$0x13800] =	vst v63  }
0x6f: {  	_ =	swait.ge [sflag:s13], $0x640  }
0x70: {  	[sflag:s13] =	ssyncset.done $0x0  }
0x71: {  	[sflag:s13] =	ssyncadd.s32 $0xFFFFF9C0  }
0x72: {  	_ =	swait.ge [sflag:s13], $0x640  }
0x73: {  	[sflag:s13] =	ssyncset.done $0x0  }
0x74: {  	[sflag:s13] =	ssyncadd.s32 $0xFFFFF9C0  }
0x75: {  	_ =	swait.ge [sflag:s13], $0x640  }
0x76: {  	[sflag:s13] =	ssyncset.done $0x0  }
0x77: {  	[sflag:s13] =	ssyncadd.s32 $0xFFFFF9C0  }
0x78: {  	_ =	swait.ge [sflag:s13], $0x640  }
0x79: {  	[sflag:s13] =	ssyncset.done $0x0  }
0x7a: {  	[sflag:s13] =	ssyncadd.s32 $0xFFFFF9C0  }
0x7b: {  	_ =	swait.ge [sflag:s13], $0x640  }
0x7c: {  	[sflag:s13] =	ssyncset.done $0x0  }
0x7d: {  	[sflag:s13] =	ssyncadd.s32 $0xFFFFF9C0  }
0x7e: {  	_ =	swait.ge [sflag:s13], $0x640  }
0x7f: {  	[sflag:s13] =	ssyncset.done $0x0  }
0x80: {  	[sflag:s13] =	ssyncadd.s32 $0xFFFFF9C0  }
0x81: {  	_ =	swait.ge [sflag:s13], $0x640  }
0x82: {  	[sflag:s13] =	ssyncset.done $0x0  }
0x83: {  	[sflag:s13] =	ssyncadd.s32 $0xFFFFF9C0  }
0x84: {  	_ =	swait.ge [sflag:s13], $0x640  }
0x85: {  	[sflag:s13] =	ssyncset.done $0x0  }
0x86: {  	[sflag:s13] =	ssyncadd.s32 $0xFFFFF9C0  }
0x87: {  	_ =	swait.ge [sflag:s13], $0x640  }
0x88: {  	[sflag:s13] =	ssyncset.done $0x0  }
0x89: {  	[sflag:s13] =	ssyncadd.s32 $0xFFFFF9C0  }
0x8a: {  	_ =	swait.ge [sflag:s13], $0x640  }
0x8b: {  	[sflag:s13] =	ssyncset.done $0x0  }
0x8c: {  	[sflag:s13] =	ssyncadd.s32 $0xFFFFF9C0  }
0x8d: {  	_ =	swait.ge [sflag:s13], $0x640  }
0x8e: {  	[sflag:s13] =	ssyncset.done $0x0  }
0x8f: {  	[sflag:s13] =	ssyncadd.s32 $0xFFFFF9C0  }
0x90: {  	_ =	swait.ge [sflag:s13], $0x640  }
0x91: {  	[sflag:s13] =	ssyncset.done $0x0  }
0x92: {  	[sflag:s13] =	ssyncadd.s32 $0xFFFFF9C0  }
0x93: {  	_ =	swait.ge [sflag:s13], $0x640  }
0x94: {  	[sflag:s13] =	ssyncset.done $0x0  }
0x95: {  	[sflag:s13] =	ssyncadd.s32 $0xFFFFF9C0  }
0x96: {  	_ =	swait.ge [sflag:s13], $0x640  }
0x97: {  	[sflag:s13] =	ssyncset.done $0x0  }
0x98: {  	[sflag:s13] =	ssyncadd.s32 $0xFFFFF9C0  }
0x99: {  	_ =	swait.ge [sflag:s13], $0x640  }
0x9a: {  	[sflag:s13] =	ssyncset.done $0x0  }
0x9b: {  	[sflag:s13] =	ssyncadd.s32 $0xFFFFF9C0  }
0x9c: {  	_ =	swait.ge [sflag:s13], $0x640  }
0x9d: {  	[sflag:s13] =	ssyncset.done $0x0  }
0x9e: {  	s19 =	rddreg [dreg:$0x3];
	[sflag:s13] =	ssyncadd.s32 $0xFFFFF9C0  }
0x9f: {  	s20 =	rddreg [dreg:$0x1]  }
0xa0: {  	s17 =	sadd.s32 s20, s19  }
0xa1: {  	[hbm4b:s17+s3] =	stream.linear.scatter [tilespmem:s18], [sflag:$0x3], $0x640, $0x38;
	[tilespmem:$0x13800] =	vst v63  }
0xa2: {  	s18 =	sld [smem:$0x7FD]  }
0xa3: {  	s19 =	sadd.s32 $0xC8, s17  }
0xa4: {  	[hbm4b:s19+s3] =	stream.linear.scatter [tilespmem:s21], [sflag:$0x3], $0x640, $0x38;
	[tilespmem:$0x13800] =	vst v63  }
0xa5: {  	s19 =	rddreg [dreg:$0x1f];
	s18 =	sadd.s32 s20, s18  }
0xa6: {  	[hbm4b:s18+s3] =	stream.linear.scatter [tilespmem:s22], [sflag:$0x3], $0x640, $0x38;
	[tilespmem:$0x13800] =	vst v63  }
0xa7: {  	s21 =	rddreg [dreg:$0x1e];
	s19 =	sadd.s32 s20, s19  }
0xa8: {  	[hbm4b:s19+s3] =	stream.linear.scatter [tilespmem:s23], [sflag:$0x3], $0x640, $0x38;
	[tilespmem:$0x13800] =	vst v63  }
0xa9: {  	s22 =	rddreg [dreg:$0x1d];
	s18 =	sadd.s32 s20, s21  }
0xaa: {  	[hbm4b:s18+s3] =	stream.linear.scatter [tilespmem:s24], [sflag:$0x3], $0x640, $0x38;
	[tilespmem:$0x13800] =	vst v63  }
0xab: {  	s23 =	rddreg [dreg:$0x1c];
	s19 =	sadd.s32 s20, s22  }
0xac: {  	[hbm4b:s19+s3] =	stream.linear.scatter [tilespmem:s25], [sflag:$0x3], $0x640, $0x38;
	[tilespmem:$0x13800] =	vst v63  }
0xad: {  	s24 =	rddreg [dreg:$0x1b];
	s18 =	sadd.s32 s20, s23  }
0xae: {  	[hbm4b:s18+s3] =	stream.linear.scatter [tilespmem:s26], [sflag:$0x3], $0x640, $0x38;
	[tilespmem:$0x13800] =	vst v63  }
0xaf: {  	s25 =	rddreg [dreg:$0x1a];
	s19 =	sadd.s32 s20, s24  }
0xb0: {  	[hbm4b:s19+s3] =	stream.linear.scatter [tilespmem:s28], [sflag:$0x3], $0x640, $0x38;
	[tilespmem:$0x13800] =	vst v63  }
0xb1: {  	s26 =	rddreg [dreg:$0x19];
	s18 =	sadd.s32 s20, s25  }
0xb2: {  	[hbm4b:s18+s3] =	stream.linear.scatter [tilespmem:s1], [sflag:$0x3], $0x640, $0x38;
	[tilespmem:$0x13800] =	vst v63  }
0xb3: {  	s28 =	rddreg [dreg:$0x18];
	s19 =	sadd.s32 s20, s26  }
0xb4: {  	[hbm4b:s19+s3] =	stream.linear.scatter [tilespmem:s0], [sflag:$0x3], $0x640, $0x38;
	[tilespmem:$0x13800] =	vst v63  }
0xb5: {  	s1 =	rddreg [dreg:$0x17];
	s18 =	sadd.s32 s20, s28  }
0xb6: {  	[hbm4b:s18+s3] =	stream.linear.scatter [tilespmem:s5], [sflag:$0x3], $0x640, $0x38;
	[tilespmem:$0x13800] =	vst v63  }
0xb7: {  	s21 =	rddreg [dreg:$0x16];
	s19 =	sadd.s32 s20, s1  }
0xb8: {  	[hbm4b:s19+s3] =	stream.linear.scatter [tilespmem:s6], [sflag:$0x3], $0x640, $0x38;
	[tilespmem:$0x13800] =	vst v63  }
0xb9: {  	s22 =	rddreg [dreg:$0x15];
	s18 =	sadd.s32 s20, s21  }
0xba: {  	[hbm4b:s18+s3] =	stream.linear.scatter [tilespmem:s7], [sflag:$0x3], $0x640, $0x38;
	[tilespmem:$0x13800] =	vst v63  }
0xbb: {  	s23 =	rddreg [dreg:$0x14];
	s19 =	sadd.s32 s20, s22  }
0xbc: {  	[hbm4b:s19+s3] =	stream.linear.scatter [tilespmem:s2], [sflag:$0x3], $0x640, $0x38;
	[tilespmem:$0x13800] =	vst v63  }
0xbd: {  	s24 =	rddreg [dreg:$0x13];
	s18 =	sadd.s32 s20, s23  }
0xbe: {  	[hbm4b:s18+s3] =	stream.linear.scatter [tilespmem:s9], [sflag:$0x3], $0x640, $0x38;
	[tilespmem:$0x13800] =	vst v63  }
0xbf: {  	s25 =	sadd.s32 s20, s24  }
0xc0: {  	[hbm4b:s25+s3] =	stream.linear.scatter [tilespmem:s10], [sflag:$0x3], $0x640, $0x38;
	[tilespmem:$0x13800] =	vst v63  }
0xc1: {  	_ =	swait.ge [sflag:s14], $0x640  }
0xc2: {  	[sflag:s14] =	ssyncset.done $0x0  }
0xc3: {  	[sflag:s14] =	ssyncadd.s32 $0xFFFFF9C0  }
0xc4: {  	_ =	swait.ge [sflag:s14], $0x640  }
0xc5: {  	[sflag:s14] =	ssyncset.done $0x0  }
0xc6: {  	[sflag:s14] =	ssyncadd.s32 $0xFFFFF9C0  }
0xc7: {  	_ =	swait.ge [sflag:s14], $0x640  }
0xc8: {  	[sflag:s14] =	ssyncset.done $0x0  }
0xc9: {  	[sflag:s14] =	ssyncadd.s32 $0xFFFFF9C0  }
0xca: {  	_ =	swait.ge [sflag:s14], $0x640  }
0xcb: {  	[sflag:s14] =	ssyncset.done $0x0  }
0xcc: {  	[sflag:s14] =	ssyncadd.s32 $0xFFFFF9C0  }
0xcd: {  	_ =	swait.ge [sflag:s14], $0x640  }
0xce: {  	[sflag:s14] =	ssyncset.done $0x0  }
0xcf: {  	[sflag:s14] =	ssyncadd.s32 $0xFFFFF9C0  }
0xd0: {  	_ =	swait.ge [sflag:s14], $0x640  }
0xd1: {  	[sflag:s14] =	ssyncset.done $0x0  }
0xd2: {  	[sflag:s14] =	ssyncadd.s32 $0xFFFFF9C0  }
0xd3: {  	_ =	swait.ge [sflag:s14], $0x640  }
0xd4: {  	[sflag:s14] =	ssyncset.done $0x0  }
0xd5: {  	[sflag:s14] =	ssyncadd.s32 $0xFFFFF9C0  }
0xd6: {  	_ =	swait.ge [sflag:s14], $0x640  }
0xd7: {  	[sflag:s14] =	ssyncset.done $0x0  }
0xd8: {  	[sflag:s14] =	ssyncadd.s32 $0xFFFFF9C0  }
0xd9: {  	_ =	swait.ge [sflag:s14], $0x640  }
0xda: {  	[sflag:s14] =	ssyncset.done $0x0  }
0xdb: {  	[sflag:s14] =	ssyncadd.s32 $0xFFFFF9C0  }
0xdc: {  	_ =	swait.ge [sflag:s14], $0x640  }
0xdd: {  	[sflag:s14] =	ssyncset.done $0x0  }
0xde: {  	[sflag:s14] =	ssyncadd.s32 $0xFFFFF9C0  }
0xdf: {  	_ =	swait.ge [sflag:s14], $0x640  }
0xe0: {  	[sflag:s14] =	ssyncset.done $0x0  }
0xe1: {  	[sflag:s14] =	ssyncadd.s32 $0xFFFFF9C0  }
0xe2: {  	_ =	swait.ge [sflag:s14], $0x640  }
0xe3: {  	[sflag:s14] =	ssyncset.done $0x0  }
0xe4: {  	[sflag:s14] =	ssyncadd.s32 $0xFFFFF9C0  }
0xe5: {  	_ =	swait.ge [sflag:s14], $0x640  }
0xe6: {  	[sflag:s14] =	ssyncset.done $0x0  }
0xe7: {  	[sflag:s14] =	ssyncadd.s32 $0xFFFFF9C0  }
0xe8: {  	_ =	swait.ge [sflag:s14], $0x640  }
0xe9: {  	[sflag:s14] =	ssyncset.done $0x0  }
0xea: {  	[sflag:s14] =	ssyncadd.s32 $0xFFFFF9C0  }
0xeb: {  	_ =	swait.ge [sflag:s14], $0x640  }
0xec: {  	[sflag:s14] =	ssyncset.done $0x0  }
0xed: {  	[sflag:s14] =	ssyncadd.s32 $0xFFFFF9C0  }
0xee: {  	_ =	swait.ge [sflag:s14], $0x640  }
0xef: {  	[sflag:s14] =	ssyncset.done $0x0  }
0xf0: {  	s17 =	sadd.s32 $0xC80, s17;
	s26 =	rddreg [dreg:$0x12];
	[sflag:s14] =	ssyncadd.s32 $0xFFFFF9C0  }
0xf1: {  	[hbm4b:s17+s3] =	stream.linear.scatter [tilespmem:s11], [sflag:$0x4], $0x640, $0x38;
	[tilespmem:$0x13800] =	vst v63  }
0xf2: {  	s28 =	rddreg [dreg:$0x11];
	s0 =	sadd.s32 s20, s26  }
0xf3: {  	[hbm4b:s0+s3] =	stream.linear.scatter [tilespmem:s12], [sflag:$0x4], $0x640, $0x38;
	[tilespmem:$0x13800] =	vst v63  }
0xf4: {  	s1 =	rddreg [dreg:$0x10];
	s2 =	sadd.s32 s20, s28  }
0xf5: {  	[hbm4b:s2+s3] =	stream.linear.scatter [tilespmem:s29], [sflag:$0x4], $0x640, $0x38;
	[tilespmem:$0x13800] =	vst v63  }
0xf6: {  	s5 =	rddreg [dreg:$0xf];
	s6 =	sadd.s32 s20, s1  }
0xf7: {  	[hbm4b:s6+s3] =	stream.linear.scatter [tilespmem:s30], [sflag:$0x4], $0x640, $0x38;
	[tilespmem:$0x13800] =	vst v63  }
0xf8: {  	s7 =	rddreg [dreg:$0xe];
	s9 =	sadd.s32 s20, s5  }
0xf9: {  	[hbm4b:s9+s3] =	stream.linear.scatter [tilespmem:s31], [sflag:$0x4], $0x640, $0x38;
	[tilespmem:$0x13800] =	vst v63  }
0xfa: {  	s21 =	simm.s32 $0xF340;
	s10 =	rddreg [dreg:$0xd];
	s11 =	sadd.s32 s20, s7  }
0xfb: {  	[hbm4b:s11+s3] =	stream.linear.scatter [tilespmem:s21], [sflag:$0x4], $0x640, $0x38;
	[tilespmem:$0x13800] =	vst v63  }
0xfc: {  	s24 =	simm.s32 $0xF980;
	s22 =	sadd.s32 s20, s10;
	s12 =	rddreg [dreg:$0xc]  }
0xfd: {  	[hbm4b:s22+s3] =	stream.linear.scatter [tilespmem:s24], [sflag:$0x4], $0x640, $0x38;
	[tilespmem:$0x13800] =	vst v63  }
0xfe: {  	s23 =	rddreg [dreg:$0xb];
	s28 =	simm.s32 $0xFFC0;
	s25 =	sadd.s32 s20, s12  }
0xff: {  	[hbm4b:s25+s3] =	stream.linear.scatter [tilespmem:s28], [sflag:$0x4], $0x640, $0x38;
	[tilespmem:$0x13800] =	vst v63  }
0x100: {  	s26 =	rddreg [dreg:$0xa];
	s29 =	sadd.s32 s20, s23;
	s31 =	simm.s32 $0x10600  }
0x101: {  	[hbm4b:s29+s3] =	stream.linear.scatter [tilespmem:s31], [sflag:$0x4], $0x640, $0x38;
	[tilespmem:$0x13800] =	vst v63  }
0x102: {  	s5 =	simm.s32 $0x10C40;
	s1 =	sadd.s32 s20, s26;
	s30 =	rddreg [dreg:$0x9]  }
0x103: {  	[hbm4b:s1+s3] =	stream.linear.scatter [tilespmem:s5], [sflag:$0x4], $0x640, $0x38;
	[tilespmem:$0x13800] =	vst v63  }
0x104: {  	s2 =	rddreg [dreg:$0x8];
	s6 =	sadd.s32 s20, s30;
	s9 =	simm.s32 $0x11280  }
0x105: {  	[hbm4b:s6+s3] =	stream.linear.scatter [tilespmem:s9], [sflag:$0x4], $0x640, $0x38;
	[tilespmem:$0x13800] =	vst v63  }
0x106: {  	s7 =	rddreg [dreg:$0x7];
	s12 =	simm.s32 $0x118C0;
	s10 =	sadd.s32 s20, s2  }
0x107: {  	[hbm4b:s10+s3] =	stream.linear.scatter [tilespmem:s12], [sflag:$0x4], $0x640, $0x38;
	[tilespmem:$0x13800] =	vst v63  }
0x108: {  	s23 =	simm.s32 $0x11F00;
	s11 =	rddreg [dreg:$0x6];
	s21 =	sadd.s32 s20, s7  }
0x109: {  	[hbm4b:s21+s3] =	stream.linear.scatter [tilespmem:s23], [sflag:$0x4], $0x640, $0x38;
	[tilespmem:$0x13800] =	vst v63  }
0x10a: {  	s26 =	simm.s32 $0x12540;
	s22 =	rddreg [dreg:$0x5];
	s24 =	sadd.s32 s20, s11  }
0x10b: {  	[hbm4b:s24+s3] =	stream.linear.scatter [tilespmem:s26], [sflag:$0x4], $0x640, $0x38;
	[tilespmem:$0x13800] =	vst v63  }
0x10c: {  	s25 =	rddreg [dreg:$0x4];
	s28 =	sadd.s32 s20, s22;
	s29 =	simm.s32 $0x12B80  }
0x10d: {  	[hbm4b:s28+s3] =	stream.linear.scatter [tilespmem:s29], [sflag:$0x4], $0x640, $0x38;
	[tilespmem:$0x13800] =	vst v63  }
0x10e: {  	s30 =	sadd.s32 s20, s25;
	s31 =	simm.s32 $0x131C0  }
0x10f: {  	[hbm4b:s30+s3] =	stream.linear.scatter [tilespmem:s31], [sflag:$0x4], $0x640, $0x38;
	[tilespmem:$0x13800] =	vst v63  }
0x110: {  	_ =	swait.ge [sflag:s15], $0x640  }
0x111: {  	[sflag:s15] =	ssyncset.done $0x0  }
0x112: {  	[sflag:s15] =	ssyncadd.s32 $0xFFFFF9C0  }
0x113: {  	_ =	swait.ge [sflag:s15], $0x640  }
0x114: {  	[sflag:s15] =	ssyncset.done $0x0  }
0x115: {  	[sflag:s15] =	ssyncadd.s32 $0xFFFFF9C0  }
0x116: {  	_ =	swait.ge [sflag:s15], $0x640  }
0x117: {  	[sflag:s15] =	ssyncset.done $0x0  }
0x118: {  	[sflag:s15] =	ssyncadd.s32 $0xFFFFF9C0  }
0x119: {  	_ =	swait.ge [sflag:s15], $0x640  }
0x11a: {  	[sflag:s15] =	ssyncset.done $0x0  }
0x11b: {  	[sflag:s15] =	ssyncadd.s32 $0xFFFFF9C0  }
0x11c: {  	_ =	swait.ge [sflag:s15], $0x640  }
0x11d: {  	[sflag:s15] =	ssyncset.done $0x0  }
0x11e: {  	[sflag:s15] =	ssyncadd.s32 $0xFFFFF9C0  }
0x11f: {  	_ =	swait.ge [sflag:s15], $0x640  }
0x120: {  	[sflag:s15] =	ssyncset.done $0x0  }
0x121: {  	[sflag:s15] =	ssyncadd.s32 $0xFFFFF9C0  }
0x122: {  	_ =	swait.ge [sflag:s15], $0x640  }
0x123: {  	[sflag:s15] =	ssyncset.done $0x0  }
0x124: {  	[sflag:s15] =	ssyncadd.s32 $0xFFFFF9C0  }
0x125: {  	_ =	swait.ge [sflag:s15], $0x640  }
0x126: {  	[sflag:s15] =	ssyncset.done $0x0  }
0x127: {  	[sflag:s15] =	ssyncadd.s32 $0xFFFFF9C0  }
0x128: {  	_ =	swait.ge [sflag:s15], $0x640  }
0x129: {  	[sflag:s15] =	ssyncset.done $0x0  }
0x12a: {  	[sflag:s15] =	ssyncadd.s32 $0xFFFFF9C0  }
0x12b: {  	_ =	swait.ge [sflag:s15], $0x640  }
0x12c: {  	[sflag:s15] =	ssyncset.done $0x0  }
0x12d: {  	[sflag:s15] =	ssyncadd.s32 $0xFFFFF9C0  }
0x12e: {  	_ =	swait.ge [sflag:s15], $0x640  }
0x12f: {  	[sflag:s15] =	ssyncset.done $0x0  }
0x130: {  	[sflag:s15] =	ssyncadd.s32 $0xFFFFF9C0  }
0x131: {  	_ =	swait.ge [sflag:s15], $0x640  }
0x132: {  	[sflag:s15] =	ssyncset.done $0x0  }
0x133: {  	[sflag:s15] =	ssyncadd.s32 $0xFFFFF9C0  }
0x134: {  	_ =	swait.ge [sflag:s15], $0x640  }
0x135: {  	[sflag:s15] =	ssyncset.done $0x0  }
0x136: {  	[sflag:s15] =	ssyncadd.s32 $0xFFFFF9C0  }
0x137: {  	_ =	swait.ge [sflag:s15], $0x640  }
0x138: {  	[sflag:s15] =	ssyncset.done $0x0  }
0x139: {  	[sflag:s15] =	ssyncadd.s32 $0xFFFFF9C0  }
0x13a: {  	_ =	swait.ge [sflag:s15], $0x640  }
0x13b: {  	[sflag:s15] =	ssyncset.done $0x0  }
0x13c: {  	[sflag:s15] =	ssyncadd.s32 $0xFFFFF9C0  }
0x13d: {  	_ =	swait.ge [sflag:s15], $0x640  }
0x13e: {  	[sflag:s15] =	ssyncset.done $0x0  }
0x13f: {  	[sflag:s15] =	ssyncadd.s32 $0xFFFFF9C0  }
0x140: {  	_ =	swait.ge [sflag:s16], $0x640  }
0x141: {  	[sflag:s16] =	ssyncset.done $0x0  }
0x142: {  	[sflag:s16] =	ssyncadd.s32 $0xFFFFF9C0  }
0x143: {  	_ =	swait.ge [sflag:s16], $0x640  }
0x144: {  	[sflag:s16] =	ssyncset.done $0x0  }
0x145: {  	[sflag:s16] =	ssyncadd.s32 $0xFFFFF9C0  }
0x146: {  	_ =	swait.ge [sflag:s16], $0x640  }
0x147: {  	[sflag:s16] =	ssyncset.done $0x0  }
0x148: {  	[sflag:s16] =	ssyncadd.s32 $0xFFFFF9C0  }
0x149: {  	_ =	swait.ge [sflag:s16], $0x640  }
0x14a: {  	[sflag:s16] =	ssyncset.done $0x0  }
0x14b: {  	[sflag:s16] =	ssyncadd.s32 $0xFFFFF9C0  }
0x14c: {  	_ =	swait.ge [sflag:s16], $0x640  }
0x14d: {  	[sflag:s16] =	ssyncset.done $0x0  }
0x14e: {  	[sflag:s16] =	ssyncadd.s32 $0xFFFFF9C0  }
0x14f: {  	_ =	swait.ge [sflag:s16], $0x640  }
0x150: {  	[sflag:s16] =	ssyncset.done $0x0  }
0x151: {  	[sflag:s16] =	ssyncadd.s32 $0xFFFFF9C0  }
0x152: {  	_ =	swait.ge [sflag:s16], $0x640  }
0x153: {  	[sflag:s16] =	ssyncset.done $0x0  }
0x154: {  	[sflag:s16] =	ssyncadd.s32 $0xFFFFF9C0  }
0x155: {  	_ =	swait.ge [sflag:s16], $0x640  }
0x156: {  	[sflag:s16] =	ssyncset.done $0x0  }
0x157: {  	[sflag:s16] =	ssyncadd.s32 $0xFFFFF9C0  }
0x158: {  	_ =	swait.ge [sflag:s16], $0x640  }
0x159: {  	[sflag:s16] =	ssyncset.done $0x0  }
0x15a: {  	[sflag:s16] =	ssyncadd.s32 $0xFFFFF9C0  }
0x15b: {  	_ =	swait.ge [sflag:s16], $0x640  }
0x15c: {  	[sflag:s16] =	ssyncset.done $0x0  }
0x15d: {  	[sflag:s16] =	ssyncadd.s32 $0xFFFFF9C0  }
0x15e: {  	_ =	swait.ge [sflag:s16], $0x640  }
0x15f: {  	[sflag:s16] =	ssyncset.done $0x0  }
0x160: {  	[sflag:s16] =	ssyncadd.s32 $0xFFFFF9C0  }
0x161: {  	_ =	swait.ge [sflag:s16], $0x640  }
0x162: {  	[sflag:s16] =	ssyncset.done $0x0  }
0x163: {  	[sflag:s16] =	ssyncadd.s32 $0xFFFFF9C0  }
0x164: {  	_ =	swait.ge [sflag:s16], $0x640  }
0x165: {  	[sflag:s16] =	ssyncset.done $0x0  }
0x166: {  	[sflag:s16] =	ssyncadd.s32 $0xFFFFF9C0  }
0x167: {  	_ =	swait.ge [sflag:s16], $0x640  }
0x168: {  	[sflag:s16] =	ssyncset.done $0x0  }
0x169: {  	[sflag:s16] =	ssyncadd.s32 $0xFFFFF9C0  }
0x16a: {  	_ =	swait.ge [sflag:s16], $0x640  }
0x16b: {  	[sflag:s16] =	ssyncset.done $0x0  }
0x16c: {  	[sflag:s16] =	ssyncadd.s32 $0xFFFFF9C0  }
0x16d: {  	s19 =	simm.s32 $0x3800;
	_ =	swait.ge [sflag:s16], $0x640  }
0x16e: {  	s18 =	simm.s32 $0x1C00;
	s17 =	sadd.s32 $0x1900, s20;
	[sflag:s16] =	ssyncset.done $0x0  }
.LBB2_2:
0x16f: {  	s20 =	sshra.s32 s18, $0x2;
	[sflag:s16] =	ssyncadd.s32 $0xFFFFF9C0;
	s22 =	simm.s32 $0x7000  }
0x170: {  	[tilespmem:s22], [sflag:$0x1] =	stream.indirect.gather [hbm4b:s4+s8], $0x20, s20, s8, $0xb8;
	[tilespmem:$0x13800] =	vst v63  }
0x171: {  	s24 =	simm.s32 $0x7640;
	s1 =	sadd.s32 $0x38, s20  }
0x172: {  	[tilespmem:s24], [sflag:$0x1] =	stream.indirect.gather [hbm4b:s4+s8], $0x20, s1, s8, $0xb8;
	[tilespmem:$0x13800] =	vst v63  }
0x173: {  	s25 =	simm.s32 $0x7C80;
	s2 =	sadd.s32 $0x70, s20  }
0x174: {  	[tilespmem:s25], [sflag:$0x1] =	stream.indirect.gather [hbm4b:s4+s8], $0x20, s2, s8, $0xb8;
	[tilespmem:$0x13800] =	vst v63  }
0x175: {  	s26 =	simm.s32 $0x82C0;
	s5 =	sadd.s32 $0xA8, s20  }
0x176: {  	[tilespmem:s26], [sflag:$0x1] =	stream.indirect.gather [hbm4b:s4+s8], $0x20, s5, s8, $0xb8;
	[tilespmem:$0x13800] =	vst v63  }
0x177: {  	s28 =	simm.s32 $0x8900;
	s6 =	sadd.s32 $0xE0, s20  }
0x178: {  	[tilespmem:s28], [sflag:$0x1] =	stream.indirect.gather [hbm4b:s4+s8], $0x20, s6, s8, $0xb8;
	[tilespmem:$0x13800] =	vst v63  }
0x179: {  	s29 =	simm.s32 $0x8F40;
	s7 =	sadd.s32 $0x118, s20  }
0x17a: {  	[tilespmem:s29], [sflag:$0x1] =	stream.indirect.gather [hbm4b:s4+s8], $0x20, s7, s8, $0xb8;
	[tilespmem:$0x13800] =	vst v63  }
0x17b: {  	s30 =	simm.s32 $0x9580;
	s9 =	sadd.s32 $0x150, s20  }
0x17c: {  	[tilespmem:s30], [sflag:$0x1] =	stream.indirect.gather [hbm4b:s4+s8], $0x20, s9, s8, $0xb8;
	[tilespmem:$0x13800] =	vst v63  }
0x17d: {  	s31 =	simm.s32 $0x9BC0;
	s10 =	sadd.s32 $0x188, s20  }
0x17e: {  	[tilespmem:s31], [sflag:$0x1] =	stream.indirect.gather [hbm4b:s4+s8], $0x20, s10, s8, $0xb8;
	[tilespmem:$0x13800] =	vst v63  }
0x17f: {  	s11 =	sadd.s32 $0x1C0, s20;
	s0 =	sadd.s32 $0x1C00, s19;
	s1 =	simm.s32 $0xA200  }
0x180: {  	[tilespmem:s1], [sflag:$0x1] =	stream.indirect.gather [hbm4b:s4+s8], $0x20, s11, s8, $0xb8;
	[tilespmem:$0x13800] =	vst v63  }
0x181: {  	s12 =	sadd.s32 $0x1F8, s20;
	[smem:$0x7F9] =	sst s0;
	s0 =	simm.s32 $0xA840  }
0x182: {  	[tilespmem:s0], [sflag:$0x1] =	stream.indirect.gather [hbm4b:s4+s8], $0x20, s12, s8, $0xb8;
	[tilespmem:$0x13800] =	vst v63  }
0x183: {  	s21 =	sadd.s32 $0x230, s20;
	s5 =	simm.s32 $0xAE80  }
0x184: {  	[tilespmem:s5], [sflag:$0x1] =	stream.indirect.gather [hbm4b:s4+s8], $0x20, s21, s8, $0xb8;
	[tilespmem:$0x13800] =	vst v63  }
0x185: {  	s23 =	sadd.s32 $0x268, s20;
	s6 =	simm.s32 $0xB4C0  }
0x186: {  	[tilespmem:s6], [sflag:$0x1] =	stream.indirect.gather [hbm4b:s4+s8], $0x20, s23, s8, $0xb8;
	[tilespmem:$0x13800] =	vst v63  }
0x187: {  	s2 =	sadd.s32 $0x2A0, s20;
	s7 =	simm.s32 $0xBB00  }
0x188: {  	[tilespmem:s7], [sflag:$0x1] =	stream.indirect.gather [hbm4b:s4+s8], $0x20, s2, s8, $0xb8;
	[tilespmem:$0x13800] =	vst v63  }
0x189: {  	s9 =	sadd.s32 $0x2D8, s20;
	s2 =	simm.s32 $0xC140  }
0x18a: {  	[tilespmem:s2], [sflag:$0x1] =	stream.indirect.gather [hbm4b:s4+s8], $0x20, s9, s8, $0xb8;
	[tilespmem:$0x13800] =	vst v63  }
0x18b: {  	s10 =	sadd.s32 $0x310, s20;
	s9 =	simm.s32 $0xC780  }
0x18c: {  	[tilespmem:s9], [sflag:$0x1] =	stream.indirect.gather [hbm4b:s4+s8], $0x20, s10, s8, $0xb8;
	[tilespmem:$0x13800] =	vst v63  }
0x18d: {  	s11 =	sadd.s32 $0x348, s20;
	s10 =	simm.s32 $0xCDC0  }
0x18e: {  	[tilespmem:s10], [sflag:$0x1] =	stream.indirect.gather [hbm4b:s4+s8], $0x20, s11, s8, $0xb8;
	[tilespmem:$0x13800] =	vst v63  }
0x18f: {  	s12 =	sadd.s32 $0x380, s20;
	s11 =	simm.s32 $0xD400  }
0x190: {  	[tilespmem:s11], [sflag:$0x2] =	stream.indirect.gather [hbm4b:s4+s8], $0x20, s12, s8, $0xb8;
	[tilespmem:$0x13800] =	vst v63  }
0x191: {  	s21 =	sadd.s32 $0x3B8, s20;
	s12 =	simm.s32 $0xDA40  }
0x192: {  	[tilespmem:s12], [sflag:$0x2] =	stream.indirect.gather [hbm4b:s4+s8], $0x20, s21, s8, $0xb8;
	[tilespmem:$0x13800] =	vst v63  }
0x193: {  	s18 =	smov.u32 s19;
	s23 =	sadd.s32 $0x3F0, s20;
	s21 =	simm.s32 $0xE080  }
0x194: {  	[tilespmem:s21], [sflag:$0x2] =	stream.indirect.gather [hbm4b:s4+s8], $0x20, s23, s8, $0xb8;
	[tilespmem:$0x13800] =	vst v63  }
0x195: {  	p0 =	sne.s32 s19, $0x1A400;
	s19 =	sadd.s32 $0x428, s20;
	s23 =	simm.s32 $0xE6C0  }
0x196: {  	[tilespmem:s23], [sflag:$0x2] =	stream.indirect.gather [hbm4b:s4+s8], $0x20, s19, s8, $0xb8;
	[tilespmem:$0x13800] =	vst v63  }
0x197: {  	s19 =	sadd.s32 $0x460, s20;
	s23 =	simm.s32 $0xED00  }
0x198: {  	[tilespmem:s23], [sflag:$0x2] =	stream.indirect.gather [hbm4b:s4+s8], $0x20, s19, s8, $0xb8;
	[tilespmem:$0x13800] =	vst v63  }
0x199: {  	s19 =	sadd.s32 $0x498, s20;
	s23 =	simm.s32 $0xF340  }
0x19a: {  	[tilespmem:s23], [sflag:$0x2] =	stream.indirect.gather [hbm4b:s4+s8], $0x20, s19, s8, $0xb8;
	[tilespmem:$0x13800] =	vst v63  }
0x19b: {  	s19 =	sadd.s32 $0x4D0, s20;
	s23 =	simm.s32 $0xF980  }
0x19c: {  	[tilespmem:s23], [sflag:$0x2] =	stream.indirect.gather [hbm4b:s4+s8], $0x20, s19, s8, $0xb8;
	[tilespmem:$0x13800] =	vst v63  }
0x19d: {  	s19 =	sadd.s32 $0x508, s20;
	s23 =	simm.s32 $0xFFC0  }
0x19e: {  	[tilespmem:s23], [sflag:$0x2] =	stream.indirect.gather [hbm4b:s4+s8], $0x20, s19, s8, $0xb8;
	[tilespmem:$0x13800] =	vst v63  }
0x19f: {  	s19 =	sadd.s32 $0x540, s20;
	s23 =	simm.s32 $0x10600  }
0x1a0: {  	[tilespmem:s23], [sflag:$0x2] =	stream.indirect.gather [hbm4b:s4+s8], $0x20, s19, s8, $0xb8;
	[tilespmem:$0x13800] =	vst v63  }
0x1a1: {  	s19 =	sadd.s32 $0x578, s20;
	s23 =	simm.s32 $0x10C40  }
0x1a2: {  	[tilespmem:s23], [sflag:$0x2] =	stream.indirect.gather [hbm4b:s4+s8], $0x20, s19, s8, $0xb8;
	[tilespmem:$0x13800] =	vst v63  }
0x1a3: {  	s19 =	sadd.s32 $0x5B0, s20;
	s23 =	simm.s32 $0x11280  }
0x1a4: {  	[tilespmem:s23], [sflag:$0x2] =	stream.indirect.gather [hbm4b:s4+s8], $0x20, s19, s8, $0xb8;
	[tilespmem:$0x13800] =	vst v63  }
0x1a5: {  	s19 =	sadd.s32 $0x5E8, s20;
	s23 =	simm.s32 $0x118C0  }
0x1a6: {  	[tilespmem:s23], [sflag:$0x2] =	stream.indirect.gather [hbm4b:s4+s8], $0x20, s19, s8, $0xb8;
	[tilespmem:$0x13800] =	vst v63  }
0x1a7: {  	s19 =	sadd.s32 $0x620, s20;
	s23 =	simm.s32 $0x11F00  }
0x1a8: {  	[tilespmem:s23], [sflag:$0x2] =	stream.indirect.gather [hbm4b:s4+s8], $0x20, s19, s8, $0xb8;
	[tilespmem:$0x13800] =	vst v63  }
0x1a9: {  	s19 =	sadd.s32 $0x658, s20;
	s23 =	simm.s32 $0x12540  }
0x1aa: {  	[tilespmem:s23], [sflag:$0x2] =	stream.indirect.gather [hbm4b:s4+s8], $0x20, s19, s8, $0xb8;
	[tilespmem:$0x13800] =	vst v63  }
0x1ab: {  	s19 =	sadd.s32 $0x690, s20;
	s23 =	simm.s32 $0x12B80  }
0x1ac: {  	[tilespmem:s23], [sflag:$0x2] =	stream.indirect.gather [hbm4b:s4+s8], $0x20, s19, s8, $0xb8;
	[tilespmem:$0x13800] =	vst v63  }
0x1ad: {  	s20 =	sadd.s32 $0x6C8, s20;
	s23 =	simm.s32 $0x131C0  }
0x1ae: {  	[tilespmem:s23], [sflag:$0x2] =	stream.indirect.gather [hbm4b:s4+s8], $0x20, s20, s8, $0xb8;
	[tilespmem:$0x13800] =	vst v63  }
0x1af: {  	_ =	swait.ge [sflag:s13], $0x640  }
0x1b0: {  	[sflag:s13] =	ssyncset.done $0x0  }
0x1b1: {  	[sflag:s13] =	ssyncadd.s32 $0xFFFFF9C0  }
0x1b2: {  	_ =	swait.ge [sflag:s13], $0x640  }
0x1b3: {  	[sflag:s13] =	ssyncset.done $0x0  }
0x1b4: {  	[sflag:s13] =	ssyncadd.s32 $0xFFFFF9C0  }
0x1b5: {  	_ =	swait.ge [sflag:s13], $0x640  }
0x1b6: {  	[sflag:s13] =	ssyncset.done $0x0  }
0x1b7: {  	[sflag:s13] =	ssyncadd.s32 $0xFFFFF9C0  }
0x1b8: {  	_ =	swait.ge [sflag:s13], $0x640  }
0x1b9: {  	[sflag:s13] =	ssyncset.done $0x0  }
0x1ba: {  	[sflag:s13] =	ssyncadd.s32 $0xFFFFF9C0  }
0x1bb: {  	_ =	swait.ge [sflag:s13], $0x640  }
0x1bc: {  	[sflag:s13] =	ssyncset.done $0x0  }
0x1bd: {  	[sflag:s13] =	ssyncadd.s32 $0xFFFFF9C0  }
0x1be: {  	_ =	swait.ge [sflag:s13], $0x640  }
0x1bf: {  	[sflag:s13] =	ssyncset.done $0x0  }
0x1c0: {  	[sflag:s13] =	ssyncadd.s32 $0xFFFFF9C0  }
0x1c1: {  	_ =	swait.ge [sflag:s13], $0x640  }
0x1c2: {  	[sflag:s13] =	ssyncset.done $0x0  }
0x1c3: {  	[sflag:s13] =	ssyncadd.s32 $0xFFFFF9C0  }
0x1c4: {  	_ =	swait.ge [sflag:s13], $0x640  }
0x1c5: {  	[sflag:s13] =	ssyncset.done $0x0  }
0x1c6: {  	[sflag:s13] =	ssyncadd.s32 $0xFFFFF9C0  }
0x1c7: {  	_ =	swait.ge [sflag:s13], $0x640  }
0x1c8: {  	[sflag:s13] =	ssyncset.done $0x0  }
0x1c9: {  	[sflag:s13] =	ssyncadd.s32 $0xFFFFF9C0  }
0x1ca: {  	_ =	swait.ge [sflag:s13], $0x640  }
0x1cb: {  	[sflag:s13] =	ssyncset.done $0x0  }
0x1cc: {  	[sflag:s13] =	ssyncadd.s32 $0xFFFFF9C0  }
0x1cd: {  	_ =	swait.ge [sflag:s13], $0x640  }
0x1ce: {  	[sflag:s13] =	ssyncset.done $0x0  }
0x1cf: {  	[sflag:s13] =	ssyncadd.s32 $0xFFFFF9C0  }
0x1d0: {  	_ =	swait.ge [sflag:s13], $0x640  }
0x1d1: {  	[sflag:s13] =	ssyncset.done $0x0  }
0x1d2: {  	[sflag:s13] =	ssyncadd.s32 $0xFFFFF9C0  }
0x1d3: {  	_ =	swait.ge [sflag:s13], $0x640  }
0x1d4: {  	[sflag:s13] =	ssyncset.done $0x0  }
0x1d5: {  	[sflag:s13] =	ssyncadd.s32 $0xFFFFF9C0  }
0x1d6: {  	_ =	swait.ge [sflag:s13], $0x640  }
0x1d7: {  	[sflag:s13] =	ssyncset.done $0x0  }
0x1d8: {  	[sflag:s13] =	ssyncadd.s32 $0xFFFFF9C0  }
0x1d9: {  	_ =	swait.ge [sflag:s13], $0x640  }
0x1da: {  	[sflag:s13] =	ssyncset.done $0x0  }
0x1db: {  	[sflag:s13] =	ssyncadd.s32 $0xFFFFF9C0  }
0x1dc: {  	_ =	swait.ge [sflag:s13], $0x640  }
0x1dd: {  	s23 =	rddreg [dreg:$0x3];
	[sflag:s13] =	ssyncset.done $0x0  }
0x1de: {  	s19 =	sld [smem:$0x7FD];
	[sflag:s13] =	ssyncadd.s32 $0xFFFFF9C0;
	s20 =	sadd.s32 s17, s23  }
0x1df: {  	[hbm4b:s20+s3] =	stream.linear.scatter [tilespmem:s22], [sflag:$0x3], $0x640, $0x38;
	[tilespmem:$0x13800] =	vst v63  }
0x1e0: {  	s22 =	sadd.s32 $0xC8, s20  }
0x1e1: {  	[hbm4b:s22+s3] =	stream.linear.scatter [tilespmem:s24], [sflag:$0x3], $0x640, $0x38;
	[tilespmem:$0x13800] =	vst v63  }
0x1e2: {  	s23 =	rddreg [dreg:$0x1f];
	s19 =	sadd.s32 s17, s19  }
0x1e3: {  	[hbm4b:s19+s3] =	stream.linear.scatter [tilespmem:s25], [sflag:$0x3], $0x640, $0x38;
	[tilespmem:$0x13800] =	vst v63  }
0x1e4: {  	s22 =	rddreg [dreg:$0x1e];
	s24 =	sadd.s32 s17, s23  }
0x1e5: {  	[hbm4b:s24+s3] =	stream.linear.scatter [tilespmem:s26], [sflag:$0x3], $0x640, $0x38;
	[tilespmem:$0x13800] =	vst v63  }
0x1e6: {  	s22 =	sadd.s32 s17, s22;
	s25 =	rddreg [dreg:$0x1d]  }
0x1e7: {  	[hbm4b:s22+s3] =	stream.linear.scatter [tilespmem:s28], [sflag:$0x3], $0x640, $0x38;
	[tilespmem:$0x13800] =	vst v63  }
0x1e8: {  	s25 =	sadd.s32 s17, s25;
	s24 =	rddreg [dreg:$0x1c]  }
0x1e9: {  	[hbm4b:s25+s3] =	stream.linear.scatter [tilespmem:s29], [sflag:$0x3], $0x640, $0x38;
	[tilespmem:$0x13800] =	vst v63  }
0x1ea: {  	s26 =	rddreg [dreg:$0x1b];
	s28 =	sadd.s32 s17, s24  }
0x1eb: {  	[hbm4b:s28+s3] =	stream.linear.scatter [tilespmem:s30], [sflag:$0x3], $0x640, $0x38;
	[tilespmem:$0x13800] =	vst v63  }
0x1ec: {  	s23 =	sadd.s32 s17, s26;
	s29 =	rddreg [dreg:$0x1a]  }
0x1ed: {  	[hbm4b:s23+s3] =	stream.linear.scatter [tilespmem:s31], [sflag:$0x3], $0x640, $0x38;
	[tilespmem:$0x13800] =	vst v63  }
0x1ee: {  	s24 =	rddreg [dreg:$0x19];
	s25 =	sadd.s32 s17, s29  }
0x1ef: {  	[hbm4b:s25+s3] =	stream.linear.scatter [tilespmem:s1], [sflag:$0x3], $0x640, $0x38;
	[tilespmem:$0x13800] =	vst v63  }
0x1f0: {  	s26 =	rddreg [dreg:$0x18];
	s28 =	sadd.s32 s17, s24  }
0x1f1: {  	[hbm4b:s28+s3] =	stream.linear.scatter [tilespmem:s0], [sflag:$0x3], $0x640, $0x38;
	[tilespmem:$0x13800] =	vst v63  }
0x1f2: {  	s29 =	rddreg [dreg:$0x17];
	s30 =	sadd.s32 s17, s26  }
0x1f3: {  	[hbm4b:s30+s3] =	stream.linear.scatter [tilespmem:s5], [sflag:$0x3], $0x640, $0x38;
	[tilespmem:$0x13800] =	vst v63  }
0x1f4: {  	s31 =	rddreg [dreg:$0x16];
	s0 =	sadd.s32 s17, s29  }
0x1f5: {  	[hbm4b:s0+s3] =	stream.linear.scatter [tilespmem:s6], [sflag:$0x3], $0x640, $0x38;
	[tilespmem:$0x13800] =	vst v63  }
0x1f6: {  	s1 =	rddreg [dreg:$0x15];
	s5 =	sadd.s32 s17, s31  }
0x1f7: {  	[hbm4b:s5+s3] =	stream.linear.scatter [tilespmem:s7], [sflag:$0x3], $0x640, $0x38;
	[tilespmem:$0x13800] =	vst v63  }
0x1f8: {  	s24 =	sadd.s32 s17, s1;
	s6 =	rddreg [dreg:$0x14]  }
0x1f9: {  	[hbm4b:s24+s3] =	stream.linear.scatter [tilespmem:s2], [sflag:$0x3], $0x640, $0x38;
	[tilespmem:$0x13800] =	vst v63  }
0x1fa: {  	s25 =	rddreg [dreg:$0x13];
	s26 =	sadd.s32 s17, s6  }
0x1fb: {  	[hbm4b:s26+s3] =	stream.linear.scatter [tilespmem:s9], [sflag:$0x3], $0x640, $0x38;
	[tilespmem:$0x13800] =	vst v63  }
0x1fc: {  	s28 =	sadd.s32 s17, s25  }
0x1fd: {  	[hbm4b:s28+s3] =	stream.linear.scatter [tilespmem:s10], [sflag:$0x3], $0x640, $0x38;
	[tilespmem:$0x13800] =	vst v63  }
0x1fe: {  	_ =	swait.ge [sflag:s14], $0x640  }
0x1ff: {  	[sflag:s14] =	ssyncset.done $0x0  }
0x200: {  	[sflag:s14] =	ssyncadd.s32 $0xFFFFF9C0  }
0x201: {  	_ =	swait.ge [sflag:s14], $0x640  }
0x202: {  	[sflag:s14] =	ssyncset.done $0x0  }
0x203: {  	[sflag:s14] =	ssyncadd.s32 $0xFFFFF9C0  }
0x204: {  	_ =	swait.ge [sflag:s14], $0x640  }
0x205: {  	[sflag:s14] =	ssyncset.done $0x0  }
0x206: {  	[sflag:s14] =	ssyncadd.s32 $0xFFFFF9C0  }
0x207: {  	_ =	swait.ge [sflag:s14], $0x640  }
0x208: {  	[sflag:s14] =	ssyncset.done $0x0  }
0x209: {  	[sflag:s14] =	ssyncadd.s32 $0xFFFFF9C0  }
0x20a: {  	_ =	swait.ge [sflag:s14], $0x640  }
0x20b: {  	[sflag:s14] =	ssyncset.done $0x0  }
0x20c: {  	[sflag:s14] =	ssyncadd.s32 $0xFFFFF9C0  }
0x20d: {  	_ =	swait.ge [sflag:s14], $0x640  }
0x20e: {  	[sflag:s14] =	ssyncset.done $0x0  }
0x20f: {  	[sflag:s14] =	ssyncadd.s32 $0xFFFFF9C0  }
0x210: {  	_ =	swait.ge [sflag:s14], $0x640  }
0x211: {  	[sflag:s14] =	ssyncset.done $0x0  }
0x212: {  	[sflag:s14] =	ssyncadd.s32 $0xFFFFF9C0  }
0x213: {  	_ =	swait.ge [sflag:s14], $0x640  }
0x214: {  	[sflag:s14] =	ssyncset.done $0x0  }
0x215: {  	[sflag:s14] =	ssyncadd.s32 $0xFFFFF9C0  }
0x216: {  	_ =	swait.ge [sflag:s14], $0x640  }
0x217: {  	[sflag:s14] =	ssyncset.done $0x0  }
0x218: {  	[sflag:s14] =	ssyncadd.s32 $0xFFFFF9C0  }
0x219: {  	_ =	swait.ge [sflag:s14], $0x640  }
0x21a: {  	[sflag:s14] =	ssyncset.done $0x0  }
0x21b: {  	[sflag:s14] =	ssyncadd.s32 $0xFFFFF9C0  }
0x21c: {  	_ =	swait.ge [sflag:s14], $0x640  }
0x21d: {  	[sflag:s14] =	ssyncset.done $0x0  }
0x21e: {  	[sflag:s14] =	ssyncadd.s32 $0xFFFFF9C0  }
0x21f: {  	_ =	swait.ge [sflag:s14], $0x640  }
0x220: {  	[sflag:s14] =	ssyncset.done $0x0  }
0x221: {  	[sflag:s14] =	ssyncadd.s32 $0xFFFFF9C0  }
0x222: {  	_ =	swait.ge [sflag:s14], $0x640  }
0x223: {  	[sflag:s14] =	ssyncset.done $0x0  }
0x224: {  	[sflag:s14] =	ssyncadd.s32 $0xFFFFF9C0  }
0x225: {  	_ =	swait.ge [sflag:s14], $0x640  }
0x226: {  	[sflag:s14] =	ssyncset.done $0x0  }
0x227: {  	[sflag:s14] =	ssyncadd.s32 $0xFFFFF9C0  }
0x228: {  	_ =	swait.ge [sflag:s14], $0x640  }
0x229: {  	[sflag:s14] =	ssyncset.done $0x0  }
0x22a: {  	[sflag:s14] =	ssyncadd.s32 $0xFFFFF9C0  }
0x22b: {  	_ =	swait.ge [sflag:s14], $0x640  }
0x22c: {  	[sflag:s14] =	ssyncset.done $0x0  }
0x22d: {  	s20 =	sadd.s32 $0xC80, s20;
	s29 =	rddreg [dreg:$0x12];
	[sflag:s14] =	ssyncadd.s32 $0xFFFFF9C0  }
0x22e: {  	[hbm4b:s20+s3] =	stream.linear.scatter [tilespmem:s11], [sflag:$0x4], $0x640, $0x38;
	[tilespmem:$0x13800] =	vst v63  }
0x22f: {  	s30 =	rddreg [dreg:$0x11];
	s19 =	sadd.s32 s17, s29  }
0x230: {  	[hbm4b:s19+s3] =	stream.linear.scatter [tilespmem:s12], [sflag:$0x4], $0x640, $0x38;
	[tilespmem:$0x13800] =	vst v63  }
0x231: {  	s31 =	rddreg [dreg:$0x10];
	s0 =	sadd.s32 s17, s30  }
0x232: {  	[hbm4b:s0+s3] =	stream.linear.scatter [tilespmem:s21], [sflag:$0x4], $0x640, $0x38;
	[tilespmem:$0x13800] =	vst v63  }
0x233: {  	s6 =	simm.s32 $0xE6C0;
	s1 =	rddreg [dreg:$0xf];
	s2 =	sadd.s32 s17, s31  }
0x234: {  	[hbm4b:s2+s3] =	stream.linear.scatter [tilespmem:s6], [sflag:$0x4], $0x640, $0x38;
	[tilespmem:$0x13800] =	vst v63  }
0x235: {  	s10 =	simm.s32 $0xED00;
	s5 =	rddreg [dreg:$0xe];
	s7 =	sadd.s32 s17, s1  }
0x236: {  	[hbm4b:s7+s3] =	stream.linear.scatter [tilespmem:s10], [sflag:$0x4], $0x640, $0x38;
	[tilespmem:$0x13800] =	vst v63  }
0x237: {  	s9 =	rddreg [dreg:$0xd];
	s11 =	sadd.s32 s17, s5;
	s21 =	simm.s32 $0xF340  }
0x238: {  	[hbm4b:s11+s3] =	stream.linear.scatter [tilespmem:s21], [sflag:$0x4], $0x640, $0x38;
	[tilespmem:$0x13800] =	vst v63  }
0x239: {  	s24 =	simm.s32 $0xF980;
	s22 =	sadd.s32 s17, s9;
	s12 =	rddreg [dreg:$0xc]  }
0x23a: {  	[hbm4b:s22+s3] =	stream.linear.scatter [tilespmem:s24], [sflag:$0x4], $0x640, $0x38;
	[tilespmem:$0x13800] =	vst v63  }
0x23b: {  	s28 =	simm.s32 $0xFFC0;
	s23 =	rddreg [dreg:$0xb];
	s25 =	sadd.s32 s17, s12  }
0x23c: {  	[hbm4b:s25+s3] =	stream.linear.scatter [tilespmem:s28], [sflag:$0x4], $0x640, $0x38;
	[tilespmem:$0x13800] =	vst v63  }
0x23d: {  	s26 =	rddreg [dreg:$0xa];
	s29 =	sadd.s32 s17, s23;
	s31 =	simm.s32 $0x10600  }
0x23e: {  	[hbm4b:s29+s3] =	stream.linear.scatter [tilespmem:s31], [sflag:$0x4], $0x640, $0x38;
	[tilespmem:$0x13800] =	vst v63  }
0x23f: {  	s30 =	rddreg [dreg:$0x9];
	s0 =	sadd.s32 s17, s26;
	s2 =	simm.s32 $0x10C40  }
0x240: {  	[hbm4b:s0+s3] =	stream.linear.scatter [tilespmem:s2], [sflag:$0x4], $0x640, $0x38;
	[tilespmem:$0x13800] =	vst v63  }
0x241: {  	s1 =	rddreg [dreg:$0x8];
	s5 =	sadd.s32 s17, s30;
	s7 =	simm.s32 $0x11280  }
0x242: {  	[hbm4b:s5+s3] =	stream.linear.scatter [tilespmem:s7], [sflag:$0x4], $0x640, $0x38;
	[tilespmem:$0x13800] =	vst v63  }
0x243: {  	s9 =	sadd.s32 s17, s1;
	s6 =	rddreg [dreg:$0x7];
	s11 =	simm.s32 $0x118C0  }
0x244: {  	[hbm4b:s9+s3] =	stream.linear.scatter [tilespmem:s11], [sflag:$0x4], $0x640, $0x38;
	[tilespmem:$0x13800] =	vst v63  }
0x245: {  	s23 =	simm.s32 $0x11F00;
	s12 =	sadd.s32 s17, s6;
	s10 =	rddreg [dreg:$0x6]  }
0x246: {  	[hbm4b:s12+s3] =	stream.linear.scatter [tilespmem:s23], [sflag:$0x4], $0x640, $0x38;
	[tilespmem:$0x13800] =	vst v63  }
0x247: {  	s26 =	simm.s32 $0x12540;
	s21 =	rddreg [dreg:$0x5];
	s24 =	sadd.s32 s17, s10  }
0x248: {  	[hbm4b:s24+s3] =	stream.linear.scatter [tilespmem:s26], [sflag:$0x4], $0x640, $0x38;
	[tilespmem:$0x13800] =	vst v63  }
0x249: {  	s25 =	rddreg [dreg:$0x4];
	s28 =	sadd.s32 s17, s21;
	s29 =	simm.s32 $0x12B80  }
0x24a: {  	[hbm4b:s28+s3] =	stream.linear.scatter [tilespmem:s29], [sflag:$0x4], $0x640, $0x38;
	[tilespmem:$0x13800] =	vst v63  }
0x24b: {  	s30 =	sadd.s32 s17, s25;
	s31 =	simm.s32 $0x131C0  }
0x24c: {  	[hbm4b:s30+s3] =	stream.linear.scatter [tilespmem:s31], [sflag:$0x4], $0x640, $0x38;
	[tilespmem:$0x13800] =	vst v63  }
0x24d: {  	_ =	swait.ge [sflag:s15], $0x640  }
0x24e: {  	[sflag:s15] =	ssyncset.done $0x0  }
0x24f: {  	[sflag:s15] =	ssyncadd.s32 $0xFFFFF9C0  }
0x250: {  	_ =	swait.ge [sflag:s15], $0x640  }
0x251: {  	[sflag:s15] =	ssyncset.done $0x0  }
0x252: {  	[sflag:s15] =	ssyncadd.s32 $0xFFFFF9C0  }
0x253: {  	_ =	swait.ge [sflag:s15], $0x640  }
0x254: {  	[sflag:s15] =	ssyncset.done $0x0  }
0x255: {  	[sflag:s15] =	ssyncadd.s32 $0xFFFFF9C0  }
0x256: {  	_ =	swait.ge [sflag:s15], $0x640  }
0x257: {  	[sflag:s15] =	ssyncset.done $0x0  }
0x258: {  	[sflag:s15] =	ssyncadd.s32 $0xFFFFF9C0  }
0x259: {  	_ =	swait.ge [sflag:s15], $0x640  }
0x25a: {  	[sflag:s15] =	ssyncset.done $0x0  }
0x25b: {  	[sflag:s15] =	ssyncadd.s32 $0xFFFFF9C0  }
0x25c: {  	_ =	swait.ge [sflag:s15], $0x640  }
0x25d: {  	[sflag:s15] =	ssyncset.done $0x0  }
0x25e: {  	[sflag:s15] =	ssyncadd.s32 $0xFFFFF9C0  }
0x25f: {  	_ =	swait.ge [sflag:s15], $0x640  }
0x260: {  	[sflag:s15] =	ssyncset.done $0x0  }
0x261: {  	[sflag:s15] =	ssyncadd.s32 $0xFFFFF9C0  }
0x262: {  	_ =	swait.ge [sflag:s15], $0x640  }
0x263: {  	[sflag:s15] =	ssyncset.done $0x0  }
0x264: {  	[sflag:s15] =	ssyncadd.s32 $0xFFFFF9C0  }
0x265: {  	_ =	swait.ge [sflag:s15], $0x640  }
0x266: {  	[sflag:s15] =	ssyncset.done $0x0  }
0x267: {  	[sflag:s15] =	ssyncadd.s32 $0xFFFFF9C0  }
0x268: {  	_ =	swait.ge [sflag:s15], $0x640  }
0x269: {  	[sflag:s15] =	ssyncset.done $0x0  }
0x26a: {  	[sflag:s15] =	ssyncadd.s32 $0xFFFFF9C0  }
0x26b: {  	_ =	swait.ge [sflag:s15], $0x640  }
0x26c: {  	[sflag:s15] =	ssyncset.done $0x0  }
0x26d: {  	[sflag:s15] =	ssyncadd.s32 $0xFFFFF9C0  }
0x26e: {  	_ =	swait.ge [sflag:s15], $0x640  }
0x26f: {  	[sflag:s15] =	ssyncset.done $0x0  }
0x270: {  	[sflag:s15] =	ssyncadd.s32 $0xFFFFF9C0  }
0x271: {  	_ =	swait.ge [sflag:s15], $0x640  }
0x272: {  	[sflag:s15] =	ssyncset.done $0x0  }
0x273: {  	[sflag:s15] =	ssyncadd.s32 $0xFFFFF9C0  }
0x274: {  	_ =	swait.ge [sflag:s15], $0x640  }
0x275: {  	[sflag:s15] =	ssyncset.done $0x0  }
0x276: {  	[sflag:s15] =	ssyncadd.s32 $0xFFFFF9C0  }
0x277: {  	_ =	swait.ge [sflag:s15], $0x640  }
0x278: {  	[sflag:s15] =	ssyncset.done $0x0  }
0x279: {  	[sflag:s15] =	ssyncadd.s32 $0xFFFFF9C0  }
0x27a: {  	_ =	swait.ge [sflag:s15], $0x640  }
0x27b: {  	[sflag:s15] =	ssyncset.done $0x0  }
0x27c: {  	[sflag:s15] =	ssyncadd.s32 $0xFFFFF9C0  }
0x27d: {  	_ =	swait.ge [sflag:s16], $0x640  }
0x27e: {  	[sflag:s16] =	ssyncset.done $0x0  }
0x27f: {  	[sflag:s16] =	ssyncadd.s32 $0xFFFFF9C0  }
0x280: {  	_ =	swait.ge [sflag:s16], $0x640  }
0x281: {  	[sflag:s16] =	ssyncset.done $0x0  }
0x282: {  	[sflag:s16] =	ssyncadd.s32 $0xFFFFF9C0  }
0x283: {  	_ =	swait.ge [sflag:s16], $0x640  }
0x284: {  	[sflag:s16] =	ssyncset.done $0x0  }
0x285: {  	[sflag:s16] =	ssyncadd.s32 $0xFFFFF9C0  }
0x286: {  	_ =	swait.ge [sflag:s16], $0x640  }
0x287: {  	[sflag:s16] =	ssyncset.done $0x0  }
0x288: {  	[sflag:s16] =	ssyncadd.s32 $0xFFFFF9C0  }
0x289: {  	_ =	swait.ge [sflag:s16], $0x640  }
0x28a: {  	[sflag:s16] =	ssyncset.done $0x0  }
0x28b: {  	[sflag:s16] =	ssyncadd.s32 $0xFFFFF9C0  }
0x28c: {  	_ =	swait.ge [sflag:s16], $0x640  }
0x28d: {  	[sflag:s16] =	ssyncset.done $0x0  }
0x28e: {  	[sflag:s16] =	ssyncadd.s32 $0xFFFFF9C0  }
0x28f: {  	_ =	swait.ge [sflag:s16], $0x640  }
0x290: {  	[sflag:s16] =	ssyncset.done $0x0  }
0x291: {  	[sflag:s16] =	ssyncadd.s32 $0xFFFFF9C0  }
0x292: {  	_ =	swait.ge [sflag:s16], $0x640  }
0x293: {  	[sflag:s16] =	ssyncset.done $0x0  }
0x294: {  	[sflag:s16] =	ssyncadd.s32 $0xFFFFF9C0  }
0x295: {  	_ =	swait.ge [sflag:s16], $0x640  }
0x296: {  	[sflag:s16] =	ssyncset.done $0x0  }
0x297: {  	[sflag:s16] =	ssyncadd.s32 $0xFFFFF9C0  }
0x298: {  	_ =	swait.ge [sflag:s16], $0x640  }
0x299: {  	[sflag:s16] =	ssyncset.done $0x0  }
0x29a: {  	[sflag:s16] =	ssyncadd.s32 $0xFFFFF9C0  }
0x29b: {  	_ =	swait.ge [sflag:s16], $0x640  }
0x29c: {  	[sflag:s16] =	ssyncset.done $0x0  }
0x29d: {  	[sflag:s16] =	ssyncadd.s32 $0xFFFFF9C0  }
0x29e: {  	_ =	swait.ge [sflag:s16], $0x640  }
0x29f: {  	[sflag:s16] =	ssyncset.done $0x0  }
0x2a0: {  	[sflag:s16] =	ssyncadd.s32 $0xFFFFF9C0  }
0x2a1: {  	_ =	swait.ge [sflag:s16], $0x640  }
0x2a2: {  	[sflag:s16] =	ssyncset.done $0x0  }
0x2a3: {  	[sflag:s16] =	ssyncadd.s32 $0xFFFFF9C0  }
0x2a4: {  	_ =	swait.ge [sflag:s16], $0x640  }
0x2a5: {  	[sflag:s16] =	ssyncset.done $0x0  }
0x2a6: {  	[sflag:s16] =	ssyncadd.s32 $0xFFFFF9C0  }
.Ltmp0:
0x2a7: {  	_ =	swait.ge [sflag:s16], $0x640;
	(pc) =	sbr.rel @p0 .LBB2_2-.Ltmp0, $4  }
0x2a8: {  	[sflag:s16] =	ssyncset.done $0x0  }
0x2a9: {  	[sflag:s16] =	ssyncadd.s32 $0xFFFFF9C0  }
0x2aa: {  	_ =	swait.ge [sflag:s16], $0x640  }
0x2ab: {  	s17 =	sadd.s32 $0x1900, s17;
	[sflag:s16] =	ssyncset.done $0x0;
	s19 =	sld [smem:$0x7F9]  }
0x2ac: {  	s18 =	sshra.s32 s18, $0x2;
	[sflag:s16] =	ssyncadd.s32 $0xFFFFF9C0;
	s20 =	simm.s32 $0x7000  }
0x2ad: {  	[tilespmem:s20], [sflag:$0x1] =	stream.indirect.gather [hbm4b:s4+s8], $0x20, s18, s8, $0xb8;
	[tilespmem:$0x13800] =	vst v63  }
0x2ae: {  	s21 =	simm.s32 $0x7640;
	s19 =	sadd.s32 $0x38, s18  }
0x2af: {  	[tilespmem:s21], [sflag:$0x1] =	stream.indirect.gather [hbm4b:s4+s8], $0x20, s19, s8, $0xb8;
	[tilespmem:$0x13800] =	vst v63  }
0x2b0: {  	s22 =	simm.s32 $0x7C80;
	s5 =	sadd.s32 $0x70, s18  }
0x2b1: {  	[tilespmem:s22], [sflag:$0x1] =	stream.indirect.gather [hbm4b:s4+s8], $0x20, s5, s8, $0xb8;
	[tilespmem:$0x13800] =	vst v63  }
0x2b2: {  	s23 =	simm.s32 $0x82C0;
	s6 =	sadd.s32 $0xA8, s18  }
0x2b3: {  	[tilespmem:s23], [sflag:$0x1] =	stream.indirect.gather [hbm4b:s4+s8], $0x20, s6, s8, $0xb8;
	[tilespmem:$0x13800] =	vst v63  }
0x2b4: {  	s24 =	simm.s32 $0x8900;
	s7 =	sadd.s32 $0xE0, s18  }
0x2b5: {  	[tilespmem:s24], [sflag:$0x1] =	stream.indirect.gather [hbm4b:s4+s8], $0x20, s7, s8, $0xb8;
	[tilespmem:$0x13800] =	vst v63  }
0x2b6: {  	s25 =	simm.s32 $0x8F40;
	s9 =	sadd.s32 $0x118, s18  }
0x2b7: {  	[tilespmem:s25], [sflag:$0x1] =	stream.indirect.gather [hbm4b:s4+s8], $0x20, s9, s8, $0xb8;
	[tilespmem:$0x13800] =	vst v63  }
0x2b8: {  	s26 =	simm.s32 $0x9580;
	s10 =	sadd.s32 $0x150, s18  }
0x2b9: {  	[tilespmem:s26], [sflag:$0x1] =	stream.indirect.gather [hbm4b:s4+s8], $0x20, s10, s8, $0xb8;
	[tilespmem:$0x13800] =	vst v63  }
0x2ba: {  	s28 =	simm.s32 $0x9BC0;
	s11 =	sadd.s32 $0x188, s18  }
0x2bb: {  	[tilespmem:s28], [sflag:$0x1] =	stream.indirect.gather [hbm4b:s4+s8], $0x20, s11, s8, $0xb8;
	[tilespmem:$0x13800] =	vst v63  }
0x2bc: {  	s1 =	simm.s32 $0xA200;
	s12 =	sadd.s32 $0x1C0, s18  }
0x2bd: {  	[tilespmem:s1], [sflag:$0x1] =	stream.indirect.gather [hbm4b:s4+s8], $0x20, s12, s8, $0xb8;
	[tilespmem:$0x13800] =	vst v63  }
0x2be: {  	s0 =	simm.s32 $0xA840;
	s29 =	sadd.s32 $0x1F8, s18  }
0x2bf: {  	[tilespmem:s0], [sflag:$0x1] =	stream.indirect.gather [hbm4b:s4+s8], $0x20, s29, s8, $0xb8;
	[tilespmem:$0x13800] =	vst v63  }
0x2c0: {  	s30 =	sadd.s32 $0x230, s18;
	s5 =	simm.s32 $0xAE80  }
0x2c1: {  	[tilespmem:s5], [sflag:$0x1] =	stream.indirect.gather [hbm4b:s4+s8], $0x20, s30, s8, $0xb8;
	[tilespmem:$0x13800] =	vst v63  }
0x2c2: {  	s31 =	sadd.s32 $0x268, s18;
	s6 =	simm.s32 $0xB4C0  }
0x2c3: {  	[tilespmem:s6], [sflag:$0x1] =	stream.indirect.gather [hbm4b:s4+s8], $0x20, s31, s8, $0xb8;
	[tilespmem:$0x13800] =	vst v63  }
0x2c4: {  	s2 =	sadd.s32 $0x2A0, s18;
	s7 =	simm.s32 $0xBB00  }
0x2c5: {  	[tilespmem:s7], [sflag:$0x1] =	stream.indirect.gather [hbm4b:s4+s8], $0x20, s2, s8, $0xb8;
	[tilespmem:$0x13800] =	vst v63  }
0x2c6: {  	s9 =	sadd.s32 $0x2D8, s18;
	s2 =	simm.s32 $0xC140  }
0x2c7: {  	[tilespmem:s2], [sflag:$0x1] =	stream.indirect.gather [hbm4b:s4+s8], $0x20, s9, s8, $0xb8;
	[tilespmem:$0x13800] =	vst v63  }
0x2c8: {  	s10 =	sadd.s32 $0x310, s18;
	s9 =	simm.s32 $0xC780  }
0x2c9: {  	[tilespmem:s9], [sflag:$0x1] =	stream.indirect.gather [hbm4b:s4+s8], $0x20, s10, s8, $0xb8;
	[tilespmem:$0x13800] =	vst v63  }
0x2ca: {  	s11 =	sadd.s32 $0x348, s18;
	s10 =	simm.s32 $0xCDC0  }
0x2cb: {  	[tilespmem:s10], [sflag:$0x1] =	stream.indirect.gather [hbm4b:s4+s8], $0x20, s11, s8, $0xb8;
	[tilespmem:$0x13800] =	vst v63  }
0x2cc: {  	s12 =	sadd.s32 $0x380, s18;
	s11 =	simm.s32 $0xD400  }
0x2cd: {  	[tilespmem:s11], [sflag:$0x2] =	stream.indirect.gather [hbm4b:s4+s8], $0x20, s12, s8, $0xb8;
	[tilespmem:$0x13800] =	vst v63  }
0x2ce: {  	s29 =	sadd.s32 $0x3B8, s18;
	s12 =	simm.s32 $0xDA40  }
0x2cf: {  	[tilespmem:s12], [sflag:$0x2] =	stream.indirect.gather [hbm4b:s4+s8], $0x20, s29, s8, $0xb8;
	[tilespmem:$0x13800] =	vst v63  }
0x2d0: {  	s30 =	sadd.s32 $0x3F0, s18;
	s29 =	simm.s32 $0xE080  }
0x2d1: {  	[tilespmem:s29], [sflag:$0x2] =	stream.indirect.gather [hbm4b:s4+s8], $0x20, s30, s8, $0xb8;
	[tilespmem:$0x13800] =	vst v63  }
0x2d2: {  	s31 =	sadd.s32 $0x428, s18;
	s30 =	simm.s32 $0xE6C0  }
0x2d3: {  	[tilespmem:s30], [sflag:$0x2] =	stream.indirect.gather [hbm4b:s4+s8], $0x20, s31, s8, $0xb8;
	[tilespmem:$0x13800] =	vst v63  }
0x2d4: {  	s19 =	sadd.s32 $0x460, s18;
	s31 =	simm.s32 $0xED00  }
0x2d5: {  	[tilespmem:s31], [sflag:$0x2] =	stream.indirect.gather [hbm4b:s4+s8], $0x20, s19, s8, $0xb8;
	[tilespmem:$0x13800] =	vst v63  }
0x2d6: {  	s19 =	sadd.s32 $0x498, s18;
	s31 =	simm.s32 $0xF340  }
0x2d7: {  	[tilespmem:s31], [sflag:$0x2] =	stream.indirect.gather [hbm4b:s4+s8], $0x20, s19, s8, $0xb8;
	[tilespmem:$0x13800] =	vst v63  }
0x2d8: {  	s19 =	sadd.s32 $0x4D0, s18;
	s31 =	simm.s32 $0xF980  }
0x2d9: {  	[tilespmem:s31], [sflag:$0x2] =	stream.indirect.gather [hbm4b:s4+s8], $0x20, s19, s8, $0xb8;
	[tilespmem:$0x13800] =	vst v63  }
0x2da: {  	s19 =	sadd.s32 $0x508, s18;
	s31 =	simm.s32 $0xFFC0  }
0x2db: {  	[tilespmem:s31], [sflag:$0x2] =	stream.indirect.gather [hbm4b:s4+s8], $0x20, s19, s8, $0xb8;
	[tilespmem:$0x13800] =	vst v63  }
0x2dc: {  	s19 =	sadd.s32 $0x540, s18;
	s31 =	simm.s32 $0x10600  }
0x2dd: {  	[tilespmem:s31], [sflag:$0x2] =	stream.indirect.gather [hbm4b:s4+s8], $0x20, s19, s8, $0xb8;
	[tilespmem:$0x13800] =	vst v63  }
0x2de: {  	s19 =	sadd.s32 $0x578, s18;
	s31 =	simm.s32 $0x10C40  }
0x2df: {  	[tilespmem:s31], [sflag:$0x2] =	stream.indirect.gather [hbm4b:s4+s8], $0x20, s19, s8, $0xb8;
	[tilespmem:$0x13800] =	vst v63  }
0x2e0: {  	s19 =	sadd.s32 $0x5B0, s18;
	s31 =	simm.s32 $0x11280  }
0x2e1: {  	[tilespmem:s31], [sflag:$0x2] =	stream.indirect.gather [hbm4b:s4+s8], $0x20, s19, s8, $0xb8;
	[tilespmem:$0x13800] =	vst v63  }
0x2e2: {  	s19 =	sadd.s32 $0x5E8, s18;
	s31 =	simm.s32 $0x118C0  }
0x2e3: {  	[tilespmem:s31], [sflag:$0x2] =	stream.indirect.gather [hbm4b:s4+s8], $0x20, s19, s8, $0xb8;
	[tilespmem:$0x13800] =	vst v63  }
0x2e4: {  	s19 =	sadd.s32 $0x620, s18;
	s31 =	simm.s32 $0x11F00  }
0x2e5: {  	[tilespmem:s31], [sflag:$0x2] =	stream.indirect.gather [hbm4b:s4+s8], $0x20, s19, s8, $0xb8;
	[tilespmem:$0x13800] =	vst v63  }
0x2e6: {  	s19 =	sadd.s32 $0x658, s18;
	s31 =	simm.s32 $0x12540  }
0x2e7: {  	[tilespmem:s31], [sflag:$0x2] =	stream.indirect.gather [hbm4b:s4+s8], $0x20, s19, s8, $0xb8;
	[tilespmem:$0x13800] =	vst v63  }
0x2e8: {  	s19 =	sadd.s32 $0x690, s18;
	s31 =	simm.s32 $0x12B80  }
0x2e9: {  	[tilespmem:s31], [sflag:$0x2] =	stream.indirect.gather [hbm4b:s4+s8], $0x20, s19, s8, $0xb8;
	[tilespmem:$0x13800] =	vst v63  }
0x2ea: {  	s18 =	sadd.s32 $0x6C8, s18;
	s31 =	simm.s32 $0x131C0  }
0x2eb: {  	[tilespmem:s31], [sflag:$0x2] =	stream.indirect.gather [hbm4b:s4+s8], $0x20, s18, s8, $0xb8;
	[tilespmem:$0x13800] =	vst v63  }
0x2ec: {  	_ =	swait.ge [sflag:s13], $0x640  }
0x2ed: {  	[sflag:s13] =	ssyncset.done $0x0  }
0x2ee: {  	[sflag:s13] =	ssyncadd.s32 $0xFFFFF9C0  }
0x2ef: {  	_ =	swait.ge [sflag:s13], $0x640  }
0x2f0: {  	[sflag:s13] =	ssyncset.done $0x0  }
0x2f1: {  	[sflag:s13] =	ssyncadd.s32 $0xFFFFF9C0  }
0x2f2: {  	_ =	swait.ge [sflag:s13], $0x640  }
0x2f3: {  	[sflag:s13] =	ssyncset.done $0x0  }
0x2f4: {  	[sflag:s13] =	ssyncadd.s32 $0xFFFFF9C0  }
0x2f5: {  	_ =	swait.ge [sflag:s13], $0x640  }
0x2f6: {  	[sflag:s13] =	ssyncset.done $0x0  }
0x2f7: {  	[sflag:s13] =	ssyncadd.s32 $0xFFFFF9C0  }
0x2f8: {  	_ =	swait.ge [sflag:s13], $0x640  }
0x2f9: {  	[sflag:s13] =	ssyncset.done $0x0  }
0x2fa: {  	[sflag:s13] =	ssyncadd.s32 $0xFFFFF9C0  }
0x2fb: {  	_ =	swait.ge [sflag:s13], $0x640  }
0x2fc: {  	[sflag:s13] =	ssyncset.done $0x0  }
0x2fd: {  	[sflag:s13] =	ssyncadd.s32 $0xFFFFF9C0  }
0x2fe: {  	_ =	swait.ge [sflag:s13], $0x640  }
0x2ff: {  	[sflag:s13] =	ssyncset.done $0x0  }
0x300: {  	[sflag:s13] =	ssyncadd.s32 $0xFFFFF9C0  }
0x301: {  	_ =	swait.ge [sflag:s13], $0x640  }
0x302: {  	[sflag:s13] =	ssyncset.done $0x0  }
0x303: {  	[sflag:s13] =	ssyncadd.s32 $0xFFFFF9C0  }
0x304: {  	_ =	swait.ge [sflag:s13], $0x640  }
0x305: {  	[sflag:s13] =	ssyncset.done $0x0  }
0x306: {  	[sflag:s13] =	ssyncadd.s32 $0xFFFFF9C0  }
0x307: {  	_ =	swait.ge [sflag:s13], $0x640  }
0x308: {  	[sflag:s13] =	ssyncset.done $0x0  }
0x309: {  	[sflag:s13] =	ssyncadd.s32 $0xFFFFF9C0  }
0x30a: {  	_ =	swait.ge [sflag:s13], $0x640  }
0x30b: {  	[sflag:s13] =	ssyncset.done $0x0  }
0x30c: {  	[sflag:s13] =	ssyncadd.s32 $0xFFFFF9C0  }
0x30d: {  	_ =	swait.ge [sflag:s13], $0x640  }
0x30e: {  	[sflag:s13] =	ssyncset.done $0x0  }
0x30f: {  	[sflag:s13] =	ssyncadd.s32 $0xFFFFF9C0  }
0x310: {  	_ =	swait.ge [sflag:s13], $0x640  }
0x311: {  	[sflag:s13] =	ssyncset.done $0x0  }
0x312: {  	[sflag:s13] =	ssyncadd.s32 $0xFFFFF9C0  }
0x313: {  	_ =	swait.ge [sflag:s13], $0x640  }
0x314: {  	[sflag:s13] =	ssyncset.done $0x0  }
0x315: {  	[sflag:s13] =	ssyncadd.s32 $0xFFFFF9C0  }
0x316: {  	_ =	swait.ge [sflag:s13], $0x640  }
0x317: {  	[sflag:s13] =	ssyncset.done $0x0  }
0x318: {  	[sflag:s13] =	ssyncadd.s32 $0xFFFFF9C0  }
0x319: {  	_ =	swait.ge [sflag:s13], $0x640  }
0x31a: {  	s19 =	rddreg [dreg:$0x3];
	[sflag:s13] =	ssyncset.done $0x0  }
0x31b: {  	[sflag:s13] =	ssyncadd.s32 $0xFFFFF9C0;
	s18 =	sadd.s32 s17, s19;
	s19 =	sld [smem:$0x7FD]  }
0x31c: {  	[hbm4b:s18+s3] =	stream.linear.scatter [tilespmem:s20], [sflag:$0x3], $0x640, $0x38;
	[tilespmem:$0x13800] =	vst v63  }
0x31d: {  	s20 =	sadd.s32 $0xC8, s18  }
0x31e: {  	[hbm4b:s20+s3] =	stream.linear.scatter [tilespmem:s21], [sflag:$0x3], $0x640, $0x38;
	[tilespmem:$0x13800] =	vst v63  }
0x31f: {  	s20 =	rddreg [dreg:$0x1f];
	s19 =	sadd.s32 s17, s19  }
0x320: {  	[hbm4b:s19+s3] =	stream.linear.scatter [tilespmem:s22], [sflag:$0x3], $0x640, $0x38;
	[tilespmem:$0x13800] =	vst v63  }
0x321: {  	s21 =	rddreg [dreg:$0x1e];
	s20 =	sadd.s32 s17, s20  }
0x322: {  	[hbm4b:s20+s3] =	stream.linear.scatter [tilespmem:s23], [sflag:$0x3], $0x640, $0x38;
	[tilespmem:$0x13800] =	vst v63  }
0x323: {  	s22 =	rddreg [dreg:$0x1d];
	s19 =	sadd.s32 s17, s21  }
0x324: {  	[hbm4b:s19+s3] =	stream.linear.scatter [tilespmem:s24], [sflag:$0x3], $0x640, $0x38;
	[tilespmem:$0x13800] =	vst v63  }
0x325: {  	s23 =	rddreg [dreg:$0x1c];
	s20 =	sadd.s32 s17, s22  }
0x326: {  	[hbm4b:s20+s3] =	stream.linear.scatter [tilespmem:s25], [sflag:$0x3], $0x640, $0x38;
	[tilespmem:$0x13800] =	vst v63  }
0x327: {  	s24 =	rddreg [dreg:$0x1b];
	s19 =	sadd.s32 s17, s23  }
0x328: {  	[hbm4b:s19+s3] =	stream.linear.scatter [tilespmem:s26], [sflag:$0x3], $0x640, $0x38;
	[tilespmem:$0x13800] =	vst v63  }
0x329: {  	s25 =	rddreg [dreg:$0x1a];
	s20 =	sadd.s32 s17, s24  }
0x32a: {  	[hbm4b:s20+s3] =	stream.linear.scatter [tilespmem:s28], [sflag:$0x3], $0x640, $0x38;
	[tilespmem:$0x13800] =	vst v63  }
0x32b: {  	s26 =	rddreg [dreg:$0x19];
	s19 =	sadd.s32 s17, s25  }
0x32c: {  	[hbm4b:s19+s3] =	stream.linear.scatter [tilespmem:s1], [sflag:$0x3], $0x640, $0x38;
	[tilespmem:$0x13800] =	vst v63  }
0x32d: {  	s28 =	rddreg [dreg:$0x18];
	s20 =	sadd.s32 s17, s26  }
0x32e: {  	[hbm4b:s20+s3] =	stream.linear.scatter [tilespmem:s0], [sflag:$0x3], $0x640, $0x38;
	[tilespmem:$0x13800] =	vst v63  }
0x32f: {  	s19 =	sadd.s32 s17, s28;
	s0 =	rddreg [dreg:$0x17]  }
0x330: {  	[hbm4b:s19+s3] =	stream.linear.scatter [tilespmem:s5], [sflag:$0x3], $0x640, $0x38;
	[tilespmem:$0x13800] =	vst v63  }
0x331: {  	s1 =	rddreg [dreg:$0x16];
	s20 =	sadd.s32 s17, s0  }
0x332: {  	[hbm4b:s20+s3] =	stream.linear.scatter [tilespmem:s6], [sflag:$0x3], $0x640, $0x38;
	[tilespmem:$0x13800] =	vst v63  }
0x333: {  	s5 =	rddreg [dreg:$0x15];
	s19 =	sadd.s32 s17, s1  }
0x334: {  	[hbm4b:s19+s3] =	stream.linear.scatter [tilespmem:s7], [sflag:$0x3], $0x640, $0x38;
	[tilespmem:$0x13800] =	vst v63  }
0x335: {  	s6 =	rddreg [dreg:$0x14];
	s20 =	sadd.s32 s17, s5  }
0x336: {  	[hbm4b:s20+s3] =	stream.linear.scatter [tilespmem:s2], [sflag:$0x3], $0x640, $0x38;
	[tilespmem:$0x13800] =	vst v63  }
0x337: {  	s7 =	rddreg [dreg:$0x13];
	s19 =	sadd.s32 s17, s6  }
0x338: {  	[hbm4b:s19+s3] =	stream.linear.scatter [tilespmem:s9], [sflag:$0x3], $0x640, $0x38;
	[tilespmem:$0x13800] =	vst v63  }
0x339: {  	s20 =	sadd.s32 s17, s7  }
0x33a: {  	[hbm4b:s20+s3] =	stream.linear.scatter [tilespmem:s10], [sflag:$0x3], $0x640, $0x38;
	[tilespmem:$0x13800] =	vst v63  }
0x33b: {  	_ =	swait.ge [sflag:s14], $0x640  }
0x33c: {  	[sflag:s14] =	ssyncset.done $0x0  }
0x33d: {  	[sflag:s14] =	ssyncadd.s32 $0xFFFFF9C0  }
0x33e: {  	_ =	swait.ge [sflag:s14], $0x640  }
0x33f: {  	[sflag:s14] =	ssyncset.done $0x0  }
0x340: {  	[sflag:s14] =	ssyncadd.s32 $0xFFFFF9C0  }
0x341: {  	_ =	swait.ge [sflag:s14], $0x640  }
0x342: {  	[sflag:s14] =	ssyncset.done $0x0  }
0x343: {  	[sflag:s14] =	ssyncadd.s32 $0xFFFFF9C0  }
0x344: {  	_ =	swait.ge [sflag:s14], $0x640  }
0x345: {  	[sflag:s14] =	ssyncset.done $0x0  }
0x346: {  	[sflag:s14] =	ssyncadd.s32 $0xFFFFF9C0  }
0x347: {  	_ =	swait.ge [sflag:s14], $0x640  }
0x348: {  	[sflag:s14] =	ssyncset.done $0x0  }
0x349: {  	[sflag:s14] =	ssyncadd.s32 $0xFFFFF9C0  }
0x34a: {  	_ =	swait.ge [sflag:s14], $0x640  }
0x34b: {  	[sflag:s14] =	ssyncset.done $0x0  }
0x34c: {  	[sflag:s14] =	ssyncadd.s32 $0xFFFFF9C0  }
0x34d: {  	_ =	swait.ge [sflag:s14], $0x640  }
0x34e: {  	[sflag:s14] =	ssyncset.done $0x0  }
0x34f: {  	[sflag:s14] =	ssyncadd.s32 $0xFFFFF9C0  }
0x350: {  	_ =	swait.ge [sflag:s14], $0x640  }
0x351: {  	[sflag:s14] =	ssyncset.done $0x0  }
0x352: {  	[sflag:s14] =	ssyncadd.s32 $0xFFFFF9C0  }
0x353: {  	_ =	swait.ge [sflag:s14], $0x640  }
0x354: {  	[sflag:s14] =	ssyncset.done $0x0  }
0x355: {  	[sflag:s14] =	ssyncadd.s32 $0xFFFFF9C0  }
0x356: {  	_ =	swait.ge [sflag:s14], $0x640  }
0x357: {  	[sflag:s14] =	ssyncset.done $0x0  }
0x358: {  	[sflag:s14] =	ssyncadd.s32 $0xFFFFF9C0  }
0x359: {  	_ =	swait.ge [sflag:s14], $0x640  }
0x35a: {  	[sflag:s14] =	ssyncset.done $0x0  }
0x35b: {  	[sflag:s14] =	ssyncadd.s32 $0xFFFFF9C0  }
0x35c: {  	_ =	swait.ge [sflag:s14], $0x640  }
0x35d: {  	[sflag:s14] =	ssyncset.done $0x0  }
0x35e: {  	[sflag:s14] =	ssyncadd.s32 $0xFFFFF9C0  }
0x35f: {  	_ =	swait.ge [sflag:s14], $0x640  }
0x360: {  	[sflag:s14] =	ssyncset.done $0x0  }
0x361: {  	[sflag:s14] =	ssyncadd.s32 $0xFFFFF9C0  }
0x362: {  	_ =	swait.ge [sflag:s14], $0x640  }
0x363: {  	[sflag:s14] =	ssyncset.done $0x0  }
0x364: {  	[sflag:s14] =	ssyncadd.s32 $0xFFFFF9C0  }
0x365: {  	_ =	swait.ge [sflag:s14], $0x640  }
0x366: {  	[sflag:s14] =	ssyncset.done $0x0  }
0x367: {  	[sflag:s14] =	ssyncadd.s32 $0xFFFFF9C0  }
0x368: {  	_ =	swait.ge [sflag:s14], $0x640  }
0x369: {  	[sflag:s14] =	ssyncset.done $0x0  }
0x36a: {  	s18 =	sadd.s32 $0xC80, s18;
	s21 =	rddreg [dreg:$0x12];
	[sflag:s14] =	ssyncadd.s32 $0xFFFFF9C0  }
0x36b: {  	[hbm4b:s18+s3] =	stream.linear.scatter [tilespmem:s11], [sflag:$0x4], $0x640, $0x38;
	[tilespmem:$0x13800] =	vst v63  }
0x36c: {  	s22 =	rddreg [dreg:$0x11];
	s19 =	sadd.s32 s17, s21  }
0x36d: {  	[hbm4b:s19+s3] =	stream.linear.scatter [tilespmem:s12], [sflag:$0x4], $0x640, $0x38;
	[tilespmem:$0x13800] =	vst v63  }
0x36e: {  	s23 =	rddreg [dreg:$0x10];
	s18 =	sadd.s32 s17, s22  }
0x36f: {  	[hbm4b:s18+s3] =	stream.linear.scatter [tilespmem:s29], [sflag:$0x4], $0x640, $0x38;
	[tilespmem:$0x13800] =	vst v63  }
0x370: {  	s24 =	rddreg [dreg:$0xf];
	s19 =	sadd.s32 s17, s23  }
0x371: {  	[hbm4b:s19+s3] =	stream.linear.scatter [tilespmem:s30], [sflag:$0x4], $0x640, $0x38;
	[tilespmem:$0x13800] =	vst v63  }
0x372: {  	s26 =	simm.s32 $0xED00;
	s25 =	rddreg [dreg:$0xe];
	s18 =	sadd.s32 s17, s24  }
0x373: {  	[hbm4b:s18+s3] =	stream.linear.scatter [tilespmem:s26], [sflag:$0x4], $0x640, $0x38;
	[tilespmem:$0x13800] =	vst v63  }
0x374: {  	s28 =	rddreg [dreg:$0xd];
	s29 =	simm.s32 $0xF340;
	s19 =	sadd.s32 s17, s25  }
0x375: {  	[hbm4b:s19+s3] =	stream.linear.scatter [tilespmem:s29], [sflag:$0x4], $0x640, $0x38;
	[tilespmem:$0x13800] =	vst v63  }
0x376: {  	s1 =	simm.s32 $0xF980;
	s30 =	rddreg [dreg:$0xc];
	s18 =	sadd.s32 s17, s28  }
0x377: {  	[hbm4b:s18+s3] =	stream.linear.scatter [tilespmem:s1], [sflag:$0x4], $0x640, $0x38;
	[tilespmem:$0x13800] =	vst v63  }
0x378: {  	s5 =	simm.s32 $0xFFC0;
	s2 =	rddreg [dreg:$0xb];
	s19 =	sadd.s32 s17, s30  }
0x379: {  	[hbm4b:s19+s3] =	stream.linear.scatter [tilespmem:s5], [sflag:$0x4], $0x640, $0x38;
	[tilespmem:$0x13800] =	vst v63  }
0x37a: {  	s7 =	simm.s32 $0x10600;
	s6 =	rddreg [dreg:$0xa];
	s18 =	sadd.s32 s17, s2  }
0x37b: {  	[hbm4b:s18+s3] =	stream.linear.scatter [tilespmem:s7], [sflag:$0x4], $0x640, $0x38;
	[tilespmem:$0x13800] =	vst v63  }
0x37c: {  	s10 =	simm.s32 $0x10C40;
	s9 =	rddreg [dreg:$0x9];
	s19 =	sadd.s32 s17, s6  }
0x37d: {  	[hbm4b:s19+s3] =	stream.linear.scatter [tilespmem:s10], [sflag:$0x4], $0x640, $0x38;
	[tilespmem:$0x13800] =	vst v63  }
0x37e: {  	s11 =	rddreg [dreg:$0x8];
	s12 =	simm.s32 $0x11280;
	s18 =	sadd.s32 s17, s9  }
0x37f: {  	[hbm4b:s18+s3] =	stream.linear.scatter [tilespmem:s12], [sflag:$0x4], $0x640, $0x38;
	[tilespmem:$0x13800] =	vst v63  }
0x380: {  	s20 =	rddreg [dreg:$0x7];
	s21 =	simm.s32 $0x118C0;
	s19 =	sadd.s32 s17, s11  }
0x381: {  	[hbm4b:s19+s3] =	stream.linear.scatter [tilespmem:s21], [sflag:$0x4], $0x640, $0x38;
	[tilespmem:$0x13800] =	vst v63  }
0x382: {  	s22 =	rddreg [dreg:$0x6];
	s23 =	simm.s32 $0x11F00;
	s18 =	sadd.s32 s17, s20  }
0x383: {  	[hbm4b:s18+s3] =	stream.linear.scatter [tilespmem:s23], [sflag:$0x4], $0x640, $0x38;
	[tilespmem:$0x13800] =	vst v63  }
0x384: {  	s24 =	rddreg [dreg:$0x5];
	s25 =	simm.s32 $0x12540;
	s19 =	sadd.s32 s17, s22  }
0x385: {  	[hbm4b:s19+s3] =	stream.linear.scatter [tilespmem:s25], [sflag:$0x4], $0x640, $0x38;
	[tilespmem:$0x13800] =	vst v63  }
0x386: {  	s26 =	rddreg [dreg:$0x4];
	s28 =	simm.s32 $0x12B80;
	s18 =	sadd.s32 s17, s24  }
0x387: {  	[hbm4b:s18+s3] =	stream.linear.scatter [tilespmem:s28], [sflag:$0x4], $0x640, $0x38;
	[tilespmem:$0x13800] =	vst v63  }
0x388: {  	s29 =	sadd.s32 s17, s26  }
0x389: {  	[hbm4b:s29+s3] =	stream.linear.scatter [tilespmem:s31], [sflag:$0x4], $0x640, $0x38;
	[tilespmem:$0x13800] =	vst v63  }
0x38a: {  	_ =	swait.ge [sflag:s15], $0x640  }
0x38b: {  	[sflag:s15] =	ssyncset.done $0x0  }
0x38c: {  	[sflag:s15] =	ssyncadd.s32 $0xFFFFF9C0  }
0x38d: {  	_ =	swait.ge [sflag:s15], $0x640  }
0x38e: {  	[sflag:s15] =	ssyncset.done $0x0  }
0x38f: {  	[sflag:s15] =	ssyncadd.s32 $0xFFFFF9C0  }
0x390: {  	_ =	swait.ge [sflag:s15], $0x640  }
0x391: {  	[sflag:s15] =	ssyncset.done $0x0  }
0x392: {  	[sflag:s15] =	ssyncadd.s32 $0xFFFFF9C0  }
0x393: {  	_ =	swait.ge [sflag:s15], $0x640  }
0x394: {  	[sflag:s15] =	ssyncset.done $0x0  }
0x395: {  	[sflag:s15] =	ssyncadd.s32 $0xFFFFF9C0  }
0x396: {  	_ =	swait.ge [sflag:s15], $0x640  }
0x397: {  	[sflag:s15] =	ssyncset.done $0x0  }
0x398: {  	[sflag:s15] =	ssyncadd.s32 $0xFFFFF9C0  }
0x399: {  	_ =	swait.ge [sflag:s15], $0x640  }
0x39a: {  	[sflag:s15] =	ssyncset.done $0x0  }
0x39b: {  	[sflag:s15] =	ssyncadd.s32 $0xFFFFF9C0  }
0x39c: {  	_ =	swait.ge [sflag:s15], $0x640  }
0x39d: {  	[sflag:s15] =	ssyncset.done $0x0  }
0x39e: {  	[sflag:s15] =	ssyncadd.s32 $0xFFFFF9C0  }
0x39f: {  	_ =	swait.ge [sflag:s15], $0x640  }
0x3a0: {  	[sflag:s15] =	ssyncset.done $0x0  }
0x3a1: {  	[sflag:s15] =	ssyncadd.s32 $0xFFFFF9C0  }
0x3a2: {  	_ =	swait.ge [sflag:s15], $0x640  }
0x3a3: {  	[sflag:s15] =	ssyncset.done $0x0  }
0x3a4: {  	[sflag:s15] =	ssyncadd.s32 $0xFFFFF9C0  }
0x3a5: {  	_ =	swait.ge [sflag:s15], $0x640  }
0x3a6: {  	[sflag:s15] =	ssyncset.done $0x0  }
0x3a7: {  	[sflag:s15] =	ssyncadd.s32 $0xFFFFF9C0  }
0x3a8: {  	_ =	swait.ge [sflag:s15], $0x640  }
0x3a9: {  	[sflag:s15] =	ssyncset.done $0x0  }
0x3aa: {  	[sflag:s15] =	ssyncadd.s32 $0xFFFFF9C0  }
0x3ab: {  	_ =	swait.ge [sflag:s15], $0x640  }
0x3ac: {  	[sflag:s15] =	ssyncset.done $0x0  }
0x3ad: {  	[sflag:s15] =	ssyncadd.s32 $0xFFFFF9C0  }
0x3ae: {  	_ =	swait.ge [sflag:s15], $0x640  }
0x3af: {  	[sflag:s15] =	ssyncset.done $0x0  }
0x3b0: {  	[sflag:s15] =	ssyncadd.s32 $0xFFFFF9C0  }
0x3b1: {  	_ =	swait.ge [sflag:s15], $0x640  }
0x3b2: {  	[sflag:s15] =	ssyncset.done $0x0  }
0x3b3: {  	[sflag:s15] =	ssyncadd.s32 $0xFFFFF9C0  }
0x3b4: {  	_ =	swait.ge [sflag:s15], $0x640  }
0x3b5: {  	[sflag:s15] =	ssyncset.done $0x0  }
0x3b6: {  	[sflag:s15] =	ssyncadd.s32 $0xFFFFF9C0  }
0x3b7: {  	_ =	swait.ge [sflag:s15], $0x640  }
0x3b8: {  	[sflag:s15] =	ssyncset.done $0x0  }
0x3b9: {  	[sflag:s15] =	ssyncadd.s32 $0xFFFFF9C0  }
0x3ba: {  	_ =	swait.ge [sflag:s16], $0x640  }
0x3bb: {  	[sflag:s16] =	ssyncset.done $0x0  }
0x3bc: {  	[sflag:s16] =	ssyncadd.s32 $0xFFFFF9C0  }
0x3bd: {  	_ =	swait.ge [sflag:s16], $0x640  }
0x3be: {  	[sflag:s16] =	ssyncset.done $0x0  }
0x3bf: {  	[sflag:s16] =	ssyncadd.s32 $0xFFFFF9C0  }
0x3c0: {  	_ =	swait.ge [sflag:s16], $0x640  }
0x3c1: {  	[sflag:s16] =	ssyncset.done $0x0  }
0x3c2: {  	[sflag:s16] =	ssyncadd.s32 $0xFFFFF9C0  }
0x3c3: {  	_ =	swait.ge [sflag:s16], $0x640  }
0x3c4: {  	[sflag:s16] =	ssyncset.done $0x0  }
0x3c5: {  	[sflag:s16] =	ssyncadd.s32 $0xFFFFF9C0  }
0x3c6: {  	_ =	swait.ge [sflag:s16], $0x640  }
0x3c7: {  	[sflag:s16] =	ssyncset.done $0x0  }
0x3c8: {  	[sflag:s16] =	ssyncadd.s32 $0xFFFFF9C0  }
0x3c9: {  	_ =	swait.ge [sflag:s16], $0x640  }
0x3ca: {  	[sflag:s16] =	ssyncset.done $0x0  }
0x3cb: {  	[sflag:s16] =	ssyncadd.s32 $0xFFFFF9C0  }
0x3cc: {  	_ =	swait.ge [sflag:s16], $0x640  }
0x3cd: {  	[sflag:s16] =	ssyncset.done $0x0  }
0x3ce: {  	[sflag:s16] =	ssyncadd.s32 $0xFFFFF9C0  }
0x3cf: {  	_ =	swait.ge [sflag:s16], $0x640  }
0x3d0: {  	[sflag:s16] =	ssyncset.done $0x0  }
0x3d1: {  	[sflag:s16] =	ssyncadd.s32 $0xFFFFF9C0  }
0x3d2: {  	_ =	swait.ge [sflag:s16], $0x640  }
0x3d3: {  	[sflag:s16] =	ssyncset.done $0x0  }
0x3d4: {  	[sflag:s16] =	ssyncadd.s32 $0xFFFFF9C0  }
0x3d5: {  	_ =	swait.ge [sflag:s16], $0x640  }
0x3d6: {  	[sflag:s16] =	ssyncset.done $0x0  }
0x3d7: {  	[sflag:s16] =	ssyncadd.s32 $0xFFFFF9C0  }
0x3d8: {  	_ =	swait.ge [sflag:s16], $0x640  }
0x3d9: {  	[sflag:s16] =	ssyncset.done $0x0  }
0x3da: {  	[sflag:s16] =	ssyncadd.s32 $0xFFFFF9C0  }
0x3db: {  	_ =	swait.ge [sflag:s16], $0x640  }
0x3dc: {  	[sflag:s16] =	ssyncset.done $0x0  }
0x3dd: {  	[sflag:s16] =	ssyncadd.s32 $0xFFFFF9C0  }
0x3de: {  	_ =	swait.ge [sflag:s16], $0x640  }
0x3df: {  	[sflag:s16] =	ssyncset.done $0x0  }
0x3e0: {  	[sflag:s16] =	ssyncadd.s32 $0xFFFFF9C0  }
0x3e1: {  	_ =	swait.ge [sflag:s16], $0x640  }
0x3e2: {  	[sflag:s16] =	ssyncset.done $0x0  }
0x3e3: {  	[sflag:s16] =	ssyncadd.s32 $0xFFFFF9C0  }
0x3e4: {  	_ =	swait.ge [sflag:s16], $0x640  }
0x3e5: {  	[sflag:s16] =	ssyncset.done $0x0  }
0x3e6: {  	[sflag:s16] =	ssyncadd.s32 $0xFFFFF9C0  }
0x3e7: {  	_ =	swait.ge [sflag:s16], $0x640  }
0x3e8: {  	s30 =	sld [smem:$0x7FA]  }
0x3e9: {  	s31 =	sld [smem:$0x7FC];
	_ =	sdelay $0x1  }
0x3ea: {  	s0 =	sadd.s32 $0x1, s30  }
0x3eb: {  	p0 =	sne.s32 s0, s31  }
.Ltmp1:
0x3ec: {  	_ = 	snop;
	(pc) =	sbr.rel @p0 .LBB2_1-.Ltmp1, $3  }
0x3ed: {  	_ =	sdelay $0x1  }
0x3ee: {  	[sflag:s16] =	ssyncset.done $0x0  }
0x3ef: {  	[sflag:s16] =	ssyncadd.s32 $0xFFFFF9C0  }
0x3f0: {  	_ =	sfence.sel $0x180000  }
0x3f1: {  	[bflag:$0x0] =	sbarrier.arrive $0xFFFF  }
0x3f2: {  	_ =	strace $0x90000047  }
0x3f3: {  	s0 =	stileid.u32;
	[bflag:$0x2] =	sbarrier.arrive $0xFFFF  }
0x3f4: {  	p0 =	sne.s32 s0, $0x0;
	s0 =	rddreg [dreg:$0x2]  }
0x3f5: {  	s0 =	sadd.s32 @!p0 $0x100000, s0  }
0x3f6: {  	[sflag:s0] =	ssyncadd.tile.s32 @!p0 $0x1;
	_ =	shalt  }
.Lfunc_end2:
_tile_overlayer_lowered:
.L_overlay_start_2:
0x3f7: {  	(tag) =	ssettag $0x2  }
0x3f8: {  	s0 =	rddreg [dreg:$0x0];
	s2 =	stileid.u32  }
0x3f9: {  	s1 =	rddreg [dreg:$0x1];
	p0 =	sne.s32 s2, $0x0  }
0x3fa: {  	s3 =	rddreg [dreg:$0x2];
	[bflag:$0x3] =	sbarrier.arrive $0xFFFF;
	s2 =	simm.s32 @!p0 $0x1C05  }
0x3fb: {  	[timem:s3], [sflag:s2] =	dma.local @!p0 [hbm:s0], s1  }
0x3fc: {  	s0 =	simm.s32 @!p0 $0x5  }
0x3fd: {  	_ =	swait.ge @!p0 [sflag:s0], s1  }
0x3fe: {  	s1 =	ssub.s32 @!p0 $0x0, s1;
	[sflag:s0] =	ssyncset.done @!p0 $0x0  }
0x3ff: {  	[sflag:s0] =	ssyncadd.s32 @!p0 s1  }
0x400: {  	[bflag:$0x3] =	sbarrier.arrive $0xFFFF  }
0x401: {  	_ =	shalt  }

// kernel: sparse-core-data-format-call.cloned.1.call-start
scs
called_computation_lowered:
.L_overlay_start_0:
0x0: {  	s2 =	sld [smem:$0x3FD9]  }
0x1: {  	s3 =	sld [smem:$0x3FFE];
	_ =	sdelay $0x1  }
0x2: {  	s1 =	srdreg.scid  }
0x3: {  	s0 =	sand.u32 $0x1, s1  }
0x4: {  	s18 =	sshll.u32 s0, $0xA;
	s2 =	sadd.s32 s3, s2  }
0x5: {  	s2 =	sadd.s32 s2, s18  }
0x6: {  	[smem:$0x3FC6] =	sst s2  }
0x7: {  	_ = 	snop  }
0x8: {  	s2 =	sld [smem:$0x3FD0];
	(tm) =	ssettm $0x1  }
0x9: {  	s19 =	sld [smem:$0x3FFB];
	_ =	sdelay $0x3  }
0xa: {  	_ =	strace s19  }
0xb: {  	s3 =	sld [smem:$0x3FFC];
	_ =	sdelay $0x3  }
0xc: {  	_ =	strace s3  }
0xd: {  	s3 =	sld [smem:$0x3FFD];
	_ =	sdelay $0x3  }
0xe: {  	_ =	strace s3  }
0xf: {  	_ =	strace $0x8FFFFFFF  }
0x10: {  	s20 =	sld [smem:$0x3FDB];
	_ =	sdelay $0x1  }
0x11: {  	s4 =	simm.s32 $_scs_section_size  }
0x12: {  	s5 =	simm.s32 $_size__tile_overlayer_lowered;
	s6 =	simm.s32 $_tile_overlayer_lowered  }
0x13: {  	s23 =	simm.s32 $0x1BFF;
	s22 =	sshll.u32 s6, $0x1;
	s3 =	sadd.s32 s4, s20  }
0x14: {  	s7 =	simm.s32 $0x0;
	s21 =	sshll.u32 s5, $0x1;
	s5 =	sadd.s32 s22, s3  }
0x15: {  	[timem:s7], [sflag:s23] =	dma.local [hbm:s5], s21  }
0x16: {  	_ =	swait.ge [sflag:s23], s21  }
0x17: {  	s4 =	ssub.s32 $0x0, s21;
	[sflag:s23] =	ssyncset.done $0x0  }
0x18: {  	[sflag:s23] =	ssyncadd.s32 s4;
	_ =	sdelay $0x1  }
0x19: {  	s24 =	simm.s32 $0x1B8B  }
0x1a: {  	_ =	swait.ge [sflag:s24], $0x1  }
0x1b: {  	[sflag:s24] =	ssyncset.done $0x0  }
0x1c: {  	s26 =	simm.s32 $0x1B8E;
	s25 =	sld [smem:$0x3FFE];
	[sflag:s24] =	ssyncadd.s32 $0xFFFFFFFF  }
0x1d: {  	s27 =	simm.s32 $execute0_lowered;
	[smem:$0x3FD2] =	sst s26  }
0x1e: {  	s5 =	sshll.u32 s27, $0x1;
	_ =	strace $0x80000049;
	[dreg:$0x1] =	wrdreg $0xFFFFFFFF  }
0x1f: {  	s28 =	simm.s32 $_size_execute0_lowered;
	s3 =	sadd.s32 s3, s5;
	[dreg:$0x0] =	wrdreg $0x0  }
0x20: {  	s5 =	sshll.u32 s28, $0x1;
	[dreg:$0x2] =	wrdreg s3  }
0x21: {  	[dreg:$0x3] =	wrdreg s5  }
0x22: {  	[dreg:$0x4] =	wrdreg $0xC0  }
0x23: {  	_ =	task [dreg:s7], $0x5FFFF  }
0x24: {  	[dreg:$0x1] =	wrdreg $0xFFFFFFFF  }
0x25: {  	[dreg:$0x0] =	wrdreg $0x60  }
0x26: {  	[dreg:$0x2] =	wrdreg s25  }
0x27: {  	[dreg:$0x3] =	wrdreg s2  }
0x28: {  	[dreg:$0x4] =	wrdreg $0x9  }
0x29: {  	_ =	task.clear_ibuf [dreg:s7], $0x5FFFF;
	_ =	strace $0x90000049  }
0x2a: {  	s29 =	simm.s32 $0x9;
	_ =	strace $0x8000004B  }
0x2b: {  	_ =	swait.ge [sflag:s29], $0x1  }
0x2c: {  	[sflag:s29] =	ssyncadd.s32 $0xFFFFFFFF  }
0x2d: {  	_ =	strace $0x9000004B  }
0x2e: {  	_ =	sfence  }
0x2f: {  	s30 =	sld [smem:$0x0];
	_ =	sdelay $0x2  }
0x30: {  	s31 =	sshll.u32 s1, $0xD;
	s1 =	sshrl.u32 s1, $0x2  }
0x31: {  	s3 =	sand.u32 $0x4000, s31;
	s1 =	sadd.s32 s1, s30  }
0x32: {  	s0 =	sor.u32 s3, s0;
	s1 =	sshll.u32 s1, $0x11  }
0x33: {  	s0 =	sor.u32 s1, s0  }
0x34: {  	s0 =	sadd.s32 $0x8F2B, s0  }
0x35: {  	[sflag:s0] =	ssyncadd.remote.s32 $0x1  }
0x36: {  	_ =	sfence.sel $0xFFFF  }
0x37: {  	[dreg:$0x0] =	wrdreg $0xFFFFFFFF;
	(pc) =	sbr.abs _section_cstart, $3  }
0x38: {  	[dreg:$0x1] =	wrdreg $0xFFFFFFFF  }
0x39: {  	_ =	task.clear_ibuf [dreg:s7], $0x2FFFF;
	_ =	strace $0x9FFFFFFF  }
0x3a: {  	(tm) =	ssettm $0x7FFFFFFF  }
0x3b: {  	_ =	shalt  }
tec
execute0_lowered:
.L_overlay_start_1:
0x0: {  	(tag) =	ssettag $0x1  }
0x1: {  	s0 =	srdreg.scid  }
0x2: {  	s1 =	sshll.u32 s0, $0x4  }
0x3: {  	s0 =	stileid.u32;
	s1 =	sand.u32 $0x10, s1  }
0x4: {  	s1 =	sor.u32 s0, s1  }
0x5: {  	s6 =	rddreg [dreg:$0x0];
	s4 =	simm.s32 $0x1;
	s2 =	sshll.u32 s1, $0x7  }
0x6: {  	s7 =	simm.s32 $0x2;
	s12 =	simm.s32 $0x0;
	s1 =	ssub.s32 $0x4000, s2  }
0x7: {  	s8 =	simm.s32 $0x20000;
	s13 =	simm.s32 $0x0;
	s3 =	sand.u32 $0xF80, s1  }
0x8: {  	s9 =	simm.s32 $0x0;
	s5 =	sshrl.u32 s1, $0xC;
	p0 =	sne.s32 s3, $0x0  }
.Ltmp0:
0x9: {  	s1 =	rddreg [dreg:$0x2];
	s4 =	simm.s32 @!p0 $0x0;
	(pc) =	sbr.rel .LBB1_1-.Ltmp0, $4  }
0xa: {  	s11 =	simm.s32 $0x0;
	s3 =	rddreg [dreg:$0x1];
	s5 =	sadd.s32 s4, s5  }
0xb: {  	_ =	strace $0x8000004A;
	s4 =	simm.s32 $0x1;
	s5 =	smul.u32 $0x32, s5  }
0xc: {  	s6 =	sadd.s32 $0xA00, s6;
	s10 =	smov.u32 s2;
	[sflag:s4] =	ssyncpa.u1 $0x0  }
0xd: {  	p0 =	por $0x0, $0x0;
	[sflag:s7] =	ssyncpa.u1 $0x0;
	s7 =	sor.u32 $0x1, s5  }
.LBB1_4:
0xe: {  	s16 =	sshll.u32 s13, $0x3;
	s17 =	sand.u32 $0x78, s13  }
0xf: {  	s30 =	sand.u32 $0xF800, s13;
	s12 =	sshll.u32 s12, $0x10;
	s16 =	sand.u32 $0x3C00, s16  }
0x10: {  	s31 =	sand.u32 $0x7, s13;
	s16 =	sor.u32 s17, s16;
	s17 =	sadd.s32 s3, s30  }
0x11: {  	s13 =	sshll.u32 s31, $0x12;
	s16 =	sshrl.u32 s16, $0x3;
	s12 =	sadd.s32 s12, s17  }
0x12: {  	[tilespmem:s15+$0x0 ss:$0x81] =	vst.msk $0xffff, v0;
	s13 =	sor.u32 $0x400, s13;
	s12 =	sadd.s32 s16, s12  }
0x13: {  	[hbm4b:s12+s13] =	stream.strided.scatter [tilespmem:s14], [sflag:$0x2], $0x1000, s8, s13, $0x20;
	[tilespmem:$0x4040] =	vst v63  }
.LBB1_5:
0x14: {  	s14 =	sadd.s32 $0x1, s9  }
0x15: {  	s12 =	sadd.s32 $0x1000, s10;
	s16 =	smov.u32 s10;
	p2 =	sgt.s32 s14, $0x31  }
0x16: {  	s16 =	smov.u32 @p2 s12  }
0x17: {  	s14 =	simm.s32 @p2 $0x0;
	p2 =	sgt.s32 s16, $0x3FFF  }
0x18: {  	s16 =	smov.u32 @p2 s2;
	p2 =	sne.s32 s11, s7  }
.Ltmp1:
0x19: {  	p1 =	slt.u32 s11, $0x2;
	(pc) =	sbr.rel @!p2 .LBB1_6-.Ltmp1, $4  }
0x1a: {  	s15 =	simm.s32 @!p1 $0x2  }
0x1b: {  	s13 =	smov.u32 s10;
	p0 =	por !p0, !p0;
	_ =	swait.ge @!p1 [sflag:s15], $0x1000  }
0x1c: {  	s12 =	smov.u32 s9;
	[sflag:s15] =	ssyncset.done @!p1 $0x0;
	s9 =	smov.u32 s14  }
0x1d: {  	s11 =	sadd.s32 $0x1, s11;
	[sflag:s15] =	ssyncadd.s32 @!p1 $0xFFFFF000;
	s10 =	smov.u32 s16  }
.LBB1_1:
0x1e: {  	p1 =	sge.u32 s11, s5  }
0x1f: {  	s14 =	sand.u32 @!p1 $0x1FFFFFF, s9  }
0x20: {  	s15 =	smulhi.u32 @!p1 $0x4924925, s14;
	_ =	sdelay $0x1  }
0x21: {  	s15 =	smul.u32 @!p1 $0x38, s15  }
0x22: {  	s16 =	sxor.u32 @!p1 $0xFFFFFFFF, s11;
	s17 =	smul.u32 @!p1 $0x380, s10  }
0x23: {  	s31 =	sadd.s32 $0xFFFFFFFF, s11;
	s16 =	sshll.u32 @!p1 s16, $0xC;
	s14 =	ssub.s32 @!p1 s14, s15  }
0x24: {  	s15 =	sand.u32 @!p1 $0x1000, s16;
	s16 =	sadd.s32 @!p1 s6, s17;
	s14 =	sshll.u32 @!p1 s14, $0x4  }
0x25: {  	s17 =	simm.s32 @!p1 $0x1C00;
	s14 =	sadd.s32 @!p1 s14, s16;
	s16 =	simm.s32 @!p1 $0x20  }
0x26: {  	[tilespmem:s15], [sflag:$0x1] =	stream.strided.gather @!p1 [hbm4b:s14+s16], $0x1000, s17, s16, $0x38;
	[tilespmem:$0x4040] =	vst v63  }
0x27: {  	p1 =	sge.u32 s31, s5  }
.Ltmp2:
0x28: {  	_ = 	snop;
	(pc) =	sbr.rel @p1 .LBB1_5-.Ltmp2, $1  }
0x29: {  	_ =	sdelay $0x3  }
0x2a: {  	s14 =	simm.s32 $0x1  }
0x2b: {  	_ =	swait.ge [sflag:s4], $0x1000;
	s14 =	simm.s32 @!p0 $0x0  }
0x2c: {  	[sflag:s4] =	ssyncset.done $0x0;
	s15 =	sshll.u32 s14, $0xC  }
0x2d: {  	[sflag:s4] =	ssyncadd.s32 $0xFFFFF000;
	s18 =	sor.u32 $0x10, s15  }
0x2e: {  	s14 =	smul.u32 $0x4080, s14;
	v1 =	vld [tilespmem:s18+$0x0]  }
0x2f: {  	s30 =	sand.u32 $0x1, s11;
	v0 =	vld [tilespmem:s18+$0xFFFFFFF0]  }
0x30: {  	s15 =	smul.u32 $0x4080, s30;
	s14 =	sshrl.u32 s14, $0x2  }
0x31: {  	s16 =	sor.u32 $0x2000, s14  }
0x32: {  	s31 =	sshrl.u32 s15, $0x2;
	s15 =	sadd.s32 $0x0, s16  }
0x33: {  	s17 =	simm.s32 $0x4;
	s18 =	sadd.s32 $0x20, s18;
	s14 =	sor.u32 $0x2000, s31;
	[tilespmem:s15+$0x810 ss:$0x81] =	vst.msk $0xffff, v1  }
.LBB1_3:
0x34: {  	v1 =	vld [tilespmem:s18+$0x0];
	p1 =	sne.s32 s17, $0x1FC;
	[tilespmem:s15+$0x0 ss:$0x81] =	vst.msk $0xffff, v0;
	s15 =	smov.u32 s17;
	s17 =	sadd.s32 $0x4, s17  }
.Ltmp3:
0x35: {  	v0 =	vld [tilespmem:s18+$0xFFFFFFF0];
	(pc) =	sbr.rel @p1 .LBB1_3-.Ltmp3, $4  }
0x36: {  	_ = 	snop  }
0x37: {  	s15 =	sshra.s32 s15, $0x2  }
0x38: {  	s15 =	sadd.s32 s15, s16  }
0x39: {  	s18 =	sadd.s32 $0x20, s18;
	[tilespmem:s15+$0x810 ss:$0x81] =	vst.msk $0xffff, v1  }
.Ltmp4:
0x3a: {  	_ = 	snop;
	(pc) =	sbr.rel .LBB1_4-.Ltmp4, $1  }
0x3b: {  	_ =	sdelay $0x3  }
.LBB1_6:
0x3c: {  	_ =	sfence.sel $0x180000  }
0x3d: {  	s2 =	simm.s32 $0x1;
	[bflag:$0x0] =	sbarrier.arrive $0xFFFF  }
0x3e: {  	s31 =	simm.s32 $0x2;
	[sflag:s2] =	ssyncpa.u1 $0x1  }
0x3f: {  	[sflag:s31] =	ssyncpa.u1 $0x1  }
0x40: {  	p0 =	sne.s32 s0, $0x0;
	_ =	strace $0x9000004A  }
0x41: {  	s0 =	sadd.s32 @!p0 $0x100000, s1;
	[bflag:$0x2] =	sbarrier.arrive $0xFFFF  }
0x42: {  	[sflag:s0] =	ssyncadd.tile.s32 @!p0 $0x1;
	_ =	shalt  }
.Lfunc_end1:
_tile_overlayer_lowered:
.L_overlay_start_2:
0x43: {  	(tag) =	ssettag $0x2  }
0x44: {  	s0 =	rddreg [dreg:$0x0];
	s2 =	stileid.u32  }
0x45: {  	s1 =	rddreg [dreg:$0x1];
	p0 =	sne.s32 s2, $0x0  }
0x46: {  	s3 =	rddreg [dreg:$0x2];
	[bflag:$0x3] =	sbarrier.arrive $0xFFFF;
	s2 =	simm.s32 @!p0 $0x1C01  }
0x47: {  	[timem:s3], [sflag:s2] =	dma.local @!p0 [hbm:s0], s1  }
0x48: {  	s0 =	simm.s32 @!p0 $0x1  }
0x49: {  	_ =	swait.ge @!p0 [sflag:s0], s1  }
0x4a: {  	s1 =	ssub.s32 @!p0 $0x0, s1;
	[sflag:s0] =	ssyncset.done @!p0 $0x0  }
0x4b: {  	[sflag:s0] =	ssyncadd.s32 @!p0 s1  }
0x4c: {  	[bflag:$0x3] =	sbarrier.arrive $0xFFFF  }
0x4d: {  	_ =	shalt  }

</sc_bundles>
